<compile_context>
chip_gen: v7x
topology: tpu7x:2x2x1
jax: 0.10.2.dev20260603
libtpu: 0.0.44.dev20260713+nightly
codegen_flags: <defaults>
</compile_context>

<pallas_src>
import jax
import jax.numpy as jnp
from jax import lax
from jax.experimental import pallas as pl
from jax.experimental.pallas import tpu as pltpu
from jax.experimental.pallas import tpu_sc as plsc

_V = 8192
_B = 16384
_NC = 2
_NS = 16
_NW = _NC * _NS
_BPW = _B // _NW
_G = 8
_NG = _BPW // _G
_L = 16
_UNROLL = 8


def _sc_body(w_hbm, idx_hbm, tgt16_hbm,
             logits_hbm, s_hbm, x_hbm,
             buf, idx_v, tgt16_v, x_v, s_v,
             gsem, ssem):
    wid = lax.axis_index("s") * _NC + lax.axis_index("c")
    base = wid * _BPW

    pltpu.sync_copy(idx_hbm.at[pl.ds(base, _BPW)], idx_v)
    pltpu.sync_copy(tgt16_hbm.at[pl.ds(wid * _NG * _L, _NG * _L)], tgt16_v)

    def g_copy(g):
        return pltpu.make_async_copy(
            w_hbm.at[idx_v.at[pl.ds(_G * g, _G)]], buf, gsem)

    def s_copy(g):
        return pltpu.make_async_copy(
            buf, logits_hbm.at[pl.ds(base + g * _G, _G)], ssem)

    lanes = lax.iota(jnp.int32, 16)

    g_copy(0).start()

    def group_body(g, carry):
        g_copy(g).wait()
        s_copy(g).start()
        tvec = tgt16_v[pl.ds(pl.multiple_of(_L * g, _L), _L)]

        for jj in range(_G):
            row_i = g * _G + jj
            t = jnp.maximum(tvec[jj], 0)
            tv = buf[jj, pl.ds(pl.multiple_of(t & ~15, _L), _L)]
            x_v[pl.ds(pl.multiple_of(row_i * _L, _L), _L)] = jnp.where(
                lanes == (t & 15), tv, 0.0)
            zero = jnp.zeros((_L,), jnp.float32)

            def col_body(k, accs):
                a = list(accs)
                for u in range(_UNROLL):
                    v = buf[jj, pl.ds((k * _UNROLL + u) * _L, _L)]
                    a[u % 4] = a[u % 4] + jnp.exp(v)
                return tuple(a)

            accs = lax.fori_loop(0, (_V // _L) // _UNROLL, col_body,
                                 (zero, zero, zero, zero))
            tot = (accs[0] + accs[1]) + (accs[2] + accs[3])
            s_v[pl.ds(pl.multiple_of(row_i * _L, _L), _L)] = tot

        s_copy(g).wait()

        @pl.when(g < _NG - 1)
        def _next():
            g_copy(g + 1).start()

        return carry

    lax.fori_loop(0, _NG, group_body, 0)

    pltpu.sync_copy(x_v, x_hbm.at[wid])
    pltpu.sync_copy(s_v, s_hbm.at[wid])


def _loss_body(s_ref, x_ref, t_ref, loss_ref):
    s = jnp.sum(s_ref[...], axis=2)
    x = jnp.sum(x_ref[...], axis=2)
    t = t_ref[...]
    valid = t != -1
    nll = jnp.where(valid, jnp.log(s) - x, 0.0)
    cnt = jnp.sum(jnp.where(valid, 1.0, 0.0))
    loss_ref[0, 0] = jnp.sum(nll) / jnp.maximum(cnt, 1.0)


def kernel(idx, targets, w):
    tgt16 = jnp.pad(targets.reshape(_B // _G, _G),
                    ((0, 0), (0, 8))).reshape(-1)
    sc = pl.kernel(
        _sc_body,
        mesh=plsc.VectorSubcoreMesh(core_axis_name="c", subcore_axis_name="s"),
        out_type=[
            jax.ShapeDtypeStruct((_B, _V), jnp.float32),
            jax.ShapeDtypeStruct((_NW, _BPW * _L), jnp.float32),
            jax.ShapeDtypeStruct((_NW, _BPW * _L), jnp.float32),
        ],
        scratch_types=[
            pltpu.VMEM((_G, _V), jnp.float32),
            pltpu.VMEM((_BPW,), jnp.int32),
            pltpu.VMEM((_NG * _L,), jnp.int32),
            pltpu.VMEM((_BPW * _L,), jnp.float32),
            pltpu.VMEM((_BPW * _L,), jnp.float32),
            pltpu.SemaphoreType.DMA,
            pltpu.SemaphoreType.DMA,
        ],
    )
    logits, s, x = sc(w, idx, tgt16)

    loss = pl.pallas_call(
        _loss_body,
        out_shape=jax.ShapeDtypeStruct((1, 1), jnp.float32),
        out_specs=pl.BlockSpec(memory_space=pltpu.SMEM),
    )(s.reshape(128, 128, _L), x.reshape(128, 128, _L),
      targets.reshape(128, 128))
    return logits, loss[0, 0]

# --- scband reference (transcript-rebuilt; emitter-appended) ---
"""Pipeline reference for scband-bigram-crossentropy-24618752540963 (READ-ONLY COPY).

The authoritative reference and input builder live on the scoring server;
editing this copy changes nothing except your own understanding.
"""

import jax, jax.numpy as jnp
import numpy as np

VOCAB = 8192
BATCH = 16384


def setup_inputs(seed: int = 0) -> dict:
    key = jax.random.key(seed)
    k1, k2, k3 = jax.random.split(key, 3)
    idx = jax.random.randint(k1, (BATCH,), 0, VOCAB, dtype=jnp.int64 if jax.config.jax_enable_x64 else jnp.int32).astype(jnp.int32)
    targets = jax.random.randint(k2, (BATCH,), 0, VOCAB, dtype=jnp.int32)
    # learned parameter: module inits to zeros; use small random values for a nontrivial reference
    w = jax.random.normal(k3, (VOCAB, VOCAB), dtype=jnp.float32) * 0.02
    return {"idx": idx, "targets": targets, "w": w}


def _cross_entropy_ignore_neg1(logits, targets):
    # torch F.cross_entropy(logits, targets, ignore_index=-1) with mean reduction
    logp = jax.nn.log_softmax(logits, axis=-1)
    valid = (targets != -1)
    safe_t = jnp.where(valid, targets, 0)
    nll = -jnp.take_along_axis(logp, safe_t[:, None], axis=1)[:, 0]
    nll = jnp.where(valid, nll, 0.0)
    denom = jnp.maximum(jnp.sum(valid.astype(jnp.float32)), 1.0)
    return jnp.sum(nll) / denom


def reference(idx, targets, w):
    # logits = self.w[idx] : gather rows of the bigram table
    logits = jnp.take(w, idx, axis=0)
    loss = _cross_entropy_ignore_neg1(logits.reshape(-1, VOCAB), targets.reshape(-1))
    return (logits, loss)

if __name__ == "__main__":
    import jax
    _d = setup_inputs()
    print(jax.jit(kernel)(*tuple(_d.values())))

</pallas_src>

<mosaic_0001>
#map = affine_map<(d0, d1) -> (0, 0)>
#map1 = affine_map<(d0, d1) -> (0)>
module attributes {stable_mosaic.version = 14 : i64} {
  func.func @_sc_body(%arg0: i32, %arg1: i32, %arg2: memref<8192x8192xf32, #tpu.memory_space<hbm>>, %arg3: memref<16384xi32, #tpu.memory_space<hbm>>, %arg4: memref<32768xi32, #tpu.memory_space<hbm>>, %arg5: memref<16384x8192xf32, #tpu.memory_space<hbm>>, %arg6: memref<32x8192xf32, #tpu.memory_space<hbm>>, %arg7: memref<32x8192xf32, #tpu.memory_space<hbm>>, %arg8: memref<8x8192xf32, #tpu.memory_space<vmem>>, %arg9: memref<512xi32, #tpu.memory_space<vmem>>, %arg10: memref<1024xi32, #tpu.memory_space<vmem>>, %arg11: memref<8192xf32, #tpu.memory_space<vmem>>, %arg12: memref<8192xf32, #tpu.memory_space<vmem>>, %arg13: memref<!tpu.dma_semaphore, #tpu.memory_space<semaphore_mem>>, %arg14: memref<!tpu.dma_semaphore, #tpu.memory_space<semaphore_mem>>) attributes {dimension_semantics = [#tpu.dimension_semantics<core_parallel>, #tpu.dimension_semantics<subcore_parallel>], iteration_bounds = array<i64: 2, 16>, scalar_prefetch = 0 : i64, scratch_operands = 7 : i64, tpu.core_type = #tpu.core_type<sc_vector_subcore>, window_params = [{transform_indices = #map}, {transform_indices = #map1}, {transform_indices = #map1}, {transform_indices = #map}, {transform_indices = #map}, {transform_indices = #map}]} {
    %mul3A = arith.constant 2 : i32
    %mul3A_0 = arith.muli %arg1, %mul3A : i32
    %add3A = arith.addi %mul3A_0, %arg0 : i32
    %mul3A_1 = arith.constant 512 : i32
    %mul3A_2 = arith.muli %add3A, %mul3A_1 : i32
    "tpu.region"() ({
      %run_scoped3A = tpu.sem_alloc : memref<!tpu.dma_semaphore, #tpu.memory_space<semaphore_mem>>
      %dma_start3A_16 = tpu.memref_slice %arg3[%mul3A_2] : memref<16384xi32, #tpu.memory_space<hbm>> -> memref<512xi32, #tpu.memory_space<hbm>>
      %dma_start3A_17 = tpu.memref_slice %arg3[%mul3A_2] : memref<16384xi32, #tpu.memory_space<hbm>> -> memref<512xi32, #tpu.memory_space<hbm>>
      tpu.enqueue_dma source(%dma_start3A_17 : memref<512xi32, #tpu.memory_space<hbm>>) target(%arg9 : memref<512xi32, #tpu.memory_space<vmem>>) target_semaphore(%run_scoped3A : memref<!tpu.dma_semaphore, #tpu.memory_space<semaphore_mem>>)
      %dma_wait3A = tpu.memref_slice %arg3[%mul3A_2] : memref<16384xi32, #tpu.memory_space<hbm>> -> memref<512xi32, #tpu.memory_space<hbm>>
      %dma_wait3A_18 = tpu.memref_slice %arg3[%mul3A_2] : memref<16384xi32, #tpu.memory_space<hbm>> -> memref<512xi32, #tpu.memory_space<hbm>>
      tpu.wait_dma2 semaphore(%run_scoped3A : memref<!tpu.dma_semaphore, #tpu.memory_space<semaphore_mem>>) src(%dma_wait3A_18 : memref<512xi32, #tpu.memory_space<hbm>>) dst(%arg9 : memref<512xi32, #tpu.memory_space<vmem>>)
      tpu.yield
    }) : () -> ()
    %mul3A_3 = arith.constant 64 : i32
    %mul3A_4 = arith.muli %add3A, %mul3A_3 : i32
    %mul3A_5 = arith.constant 16 : i32
    %mul3A_6 = arith.muli %mul3A_4, %mul3A_5 : i32
    "tpu.region"() ({
      %run_scoped3A = tpu.sem_alloc : memref<!tpu.dma_semaphore, #tpu.memory_space<semaphore_mem>>
      %dma_start3A_16 = tpu.memref_slice %arg4[%mul3A_6] : memref<32768xi32, #tpu.memory_space<hbm>> -> memref<1024xi32, #tpu.memory_space<hbm>>
      %dma_start3A_17 = tpu.memref_slice %arg4[%mul3A_6] : memref<32768xi32, #tpu.memory_space<hbm>> -> memref<1024xi32, #tpu.memory_space<hbm>>
      tpu.enqueue_dma source(%dma_start3A_17 : memref<1024xi32, #tpu.memory_space<hbm>>) target(%arg10 : memref<1024xi32, #tpu.memory_space<vmem>>) target_semaphore(%run_scoped3A : memref<!tpu.dma_semaphore, #tpu.memory_space<semaphore_mem>>)
      %dma_wait3A = tpu.memref_slice %arg4[%mul3A_6] : memref<32768xi32, #tpu.memory_space<hbm>> -> memref<1024xi32, #tpu.memory_space<hbm>>
      %dma_wait3A_18 = tpu.memref_slice %arg4[%mul3A_6] : memref<32768xi32, #tpu.memory_space<hbm>> -> memref<1024xi32, #tpu.memory_space<hbm>>
      tpu.wait_dma2 semaphore(%run_scoped3A : memref<!tpu.dma_semaphore, #tpu.memory_space<semaphore_mem>>) src(%dma_wait3A_18 : memref<1024xi32, #tpu.memory_space<hbm>>) dst(%arg10 : memref<1024xi32, #tpu.memory_space<vmem>>)
      tpu.yield
    }) : () -> ()
    %iota3A = tpu.iota {dimensions = array<i32: 0>} : vector<16xi32>
    %dma_start3A = arith.constant 0 : i32
    %dma_start3A_7 = tpu.memref_slice %arg9[%dma_start3A] : memref<512xi32, #tpu.memory_space<vmem>> -> memref<8xi32, #tpu.memory_space<vmem>>
    %dma_start3A_8 = arith.constant 0 : i32
    %dma_start3A_9 = arith.constant 0 : i32
    %dma_start3A_10 = tpu.memref_slice %arg2[%dma_start3A_8, %dma_start3A_9] : memref<8192x8192xf32, #tpu.memory_space<hbm>> -> memref<8192x8192xf32, #tpu.memory_space<hbm>>
    tpu.enqueue_indirect_dma source(%dma_start3A_10 : memref<8192x8192xf32, #tpu.memory_space<hbm>>) target(%arg8 : memref<8x8192xf32, #tpu.memory_space<vmem>>) offsets(%dma_start3A_7 : memref<8xi32, #tpu.memory_space<vmem>>) semaphore(%arg13 : memref<!tpu.dma_semaphore, #tpu.memory_space<semaphore_mem>>)
    %scan3A = arith.constant 0 : i32
    %scan3A_11 = arith.constant 0 : i32
    %scan3A_12 = arith.constant 64 : i32
    %scan3A_13 = arith.addi %scan3A_11, %scan3A_12 : i32
    %scan3A_14 = arith.constant 1 : i32
    scf.for %scan3A_16 = %scan3A_11 to %scan3A_13 step %scan3A_14  : i32 {
      %mul3A_17 = arith.constant 8 : i32
      %mul3A_18 = arith.muli %mul3A_17, %scan3A_16 : i32
      %dma_wait3A = tpu.memref_slice %arg9[%mul3A_18] : memref<512xi32, #tpu.memory_space<vmem>> -> memref<8xi32, #tpu.memory_space<vmem>>
      %dma_wait3A_19 = arith.constant 0 : i32
      %dma_wait3A_20 = arith.constant 0 : i32
      %dma_wait3A_21 = tpu.memref_slice %arg2[%dma_wait3A_19, %dma_wait3A_20] : memref<8192x8192xf32, #tpu.memory_space<hbm>> -> memref<8192x8192xf32, #tpu.memory_space<hbm>>
      tpu.wait_indirect_dma semaphore(%arg13 : memref<!tpu.dma_semaphore, #tpu.memory_space<semaphore_mem>>) src(%dma_wait3A_21 : memref<8192x8192xf32, #tpu.memory_space<hbm>>) dst(%arg8 : memref<8x8192xf32, #tpu.memory_space<vmem>>)
      %mul3A_22 = arith.constant 8 : i32
      %mul3A_23 = arith.muli %scan3A_16, %mul3A_22 : i32
      %add3A_24 = arith.addi %mul3A_2, %mul3A_23 : i32
      %dma_start3A_25 = arith.constant 0 : i32
      %dma_start3A_26 = tpu.memref_slice %arg5[%add3A_24, %dma_start3A_25] : memref<16384x8192xf32, #tpu.memory_space<hbm>> -> memref<8x8192xf32, #tpu.memory_space<hbm>>
      %dma_start3A_27 = arith.constant 0 : i32
      %dma_start3A_28 = tpu.memref_slice %arg5[%add3A_24, %dma_start3A_27] : memref<16384x8192xf32, #tpu.memory_space<hbm>> -> memref<8x8192xf32, #tpu.memory_space<hbm>>
      tpu.enqueue_dma source(%arg8 : memref<8x8192xf32, #tpu.memory_space<vmem>>) target(%dma_start3A_28 : memref<8x8192xf32, #tpu.memory_space<hbm>>) target_semaphore(%arg14 : memref<!tpu.dma_semaphore, #tpu.memory_space<semaphore_mem>>)
      %mul3A_29 = arith.constant 16 : i32
      %mul3A_30 = arith.muli %mul3A_29, %scan3A_16 : i32
      %multiple_of3A = tpu.assume_multiple %mul3A_30, 16 : i32
      %get3A = arith.index_cast %multiple_of3A : i32 to index
      %get3A_31 = tpu.vector_load %arg10[%get3A] {strides = array<i32>} : memref<1024xi32, #tpu.memory_space<vmem>>, vector<16xi32>,
      %get3A_32 = vector.shape_cast %get3A_31 : vector<16xi32> to vector<16xi32>
      %mul3A_33 = arith.constant 8 : i32
      %mul3A_34 = arith.muli %scan3A_16, %mul3A_33 : i32
      %add3A_35 = arith.constant 0 : i32
      %add3A_36 = arith.addi %mul3A_34, %add3A_35 : i32
      %slice3A = vector.extract_strided_slice %get3A_32 {offsets = [0], sizes = [1], strides = [1]} : vector<16xi32> to vector<1xi32>
      %squeeze3A = vector.extract %slice3A[0] : i32 from vector<1xi32>
      %max3A = arith.constant 0 : i32
      %max3A_37 = arith.maxsi %squeeze3A, %max3A : i32
      %and3A = arith.constant -16 : i32
      %and3A_38 = arith.andi %max3A_37, %and3A : i32
      %multiple_of3A_39 = tpu.assume_multiple %and3A_38, 16 : i32
      %get3A_40 = arith.constant 0 : i32
      %get3A_41 = arith.index_cast %get3A_40 : i32 to index
      %get3A_42 = arith.index_cast %multiple_of3A_39 : i32 to index
      %get3A_43 = tpu.vector_load %arg8[%get3A_41, %get3A_42] {strides = array<i32>} : memref<8x8192xf32, #tpu.memory_space<vmem>>, vector<1x16xf32>,
      %get3A_44 = vector.shape_cast %get3A_43 : vector<1x16xf32> to vector<16xf32>
      %and3A_45 = arith.constant 15 : i32
      %and3A_46 = arith.andi %max3A_37, %and3A_45 : i32
      %eq3A = vector.broadcast %and3A_46 : i32 to vector<16xi32>
      %eq3A_47 = arith.cmpi eq, %iota3A, %eq3A : vector<16xi32>
      %jit3A = arith.constant 0.000000e+00 : f32
      %broadcast_in_dim3A = vector.broadcast %jit3A : f32 to vector<16xf32>
      %select_n3A = arith.select %eq3A_47, %get3A_44, %broadcast_in_dim3A : vector<16xi1>, vector<16xf32>
      %mul3A_48 = arith.constant 16 : i32
      %mul3A_49 = arith.muli %add3A_36, %mul3A_48 : i32
      %multiple_of3A_50 = tpu.assume_multiple %mul3A_49, 16 : i32
      %swap3A = arith.index_cast %multiple_of3A_50 : i32 to index
      %swap3A_51 = tpu.vector_load %arg11[%swap3A] {strides = array<i32>} : memref<8192xf32, #tpu.memory_space<vmem>>, vector<16xf32>,
      %swap3A_52 = vector.shape_cast %swap3A_51 : vector<16xf32> to vector<16xf32>
      %swap3A_53 = vector.shape_cast %select_n3A : vector<16xf32> to vector<16xf32>
      tpu.vector_store %arg11[%swap3A], %swap3A_53 {strides = array<i32>} : memref<8192xf32, #tpu.memory_space<vmem>>, vector<16xf32>,
      %broadcast_in_dim3A_54 = arith.constant 0.000000e+00 : f32
      %broadcast_in_dim3A_55 = vector.broadcast %broadcast_in_dim3A_54 : f32 to vector<16xf32>
      %scan3A_56 = arith.constant 0 : i32
      %scan3A_57 = arith.constant 64 : i32
      %scan3A_58 = arith.addi %scan3A_56, %scan3A_57 : i32
      %scan3A_59 = arith.constant 1 : i32
      %scan3A_60:4 = scf.for %scan3A_417 = %scan3A_56 to %scan3A_58 step %scan3A_59 iter_args(%scan3A_418 = %broadcast_in_dim3A_55, %scan3A_419 = %broadcast_in_dim3A_55, %scan3A_420 = %broadcast_in_dim3A_55, %scan3A_421 = %broadcast_in_dim3A_55) -> (vector<16xf32>, vector<16xf32>, vector<16xf32>, vector<16xf32>)  : i32 {
        %mul3A_422 = arith.constant 8 : i32
        %mul3A_423 = arith.muli %scan3A_417, %mul3A_422 : i32
        %add3A_424 = arith.constant 0 : i32
        %add3A_425 = arith.addi %mul3A_423, %add3A_424 : i32
        %mul3A_426 = arith.constant 16 : i32
        %mul3A_427 = arith.muli %add3A_425, %mul3A_426 : i32
        %get3A_428 = arith.constant 0 : i32
        %get3A_429 = arith.index_cast %get3A_428 : i32 to index
        %get3A_430 = arith.index_cast %mul3A_427 : i32 to index
        %get3A_431 = tpu.vector_load %arg8[%get3A_429, %get3A_430] {strides = array<i32>} : memref<8x8192xf32, #tpu.memory_space<vmem>>, vector<1x16xf32>,
        %get3A_432 = vector.shape_cast %get3A_431 : vector<1x16xf32> to vector<16xf32>
        %exp3A = math.exp %get3A_432 : vector<16xf32>
        %add3A_433 = arith.addf %scan3A_418, %exp3A : vector<16xf32>
        %mul3A_434 = arith.constant 8 : i32
        %mul3A_435 = arith.muli %scan3A_417, %mul3A_434 : i32
        %add3A_436 = arith.constant 1 : i32
        %add3A_437 = arith.addi %mul3A_435, %add3A_436 : i32
        %mul3A_438 = arith.constant 16 : i32
        %mul3A_439 = arith.muli %add3A_437, %mul3A_438 : i32
        %get3A_440 = arith.constant 0 : i32
        %get3A_441 = arith.index_cast %get3A_440 : i32 to index
        %get3A_442 = arith.index_cast %mul3A_439 : i32 to index
        %get3A_443 = tpu.vector_load %arg8[%get3A_441, %get3A_442] {strides = array<i32>} : memref<8x8192xf32, #tpu.memory_space<vmem>>, vector<1x16xf32>,
        %get3A_444 = vector.shape_cast %get3A_443 : vector<1x16xf32> to vector<16xf32>
        %exp3A_445 = math.exp %get3A_444 : vector<16xf32>
        %add3A_446 = arith.addf %scan3A_419, %exp3A_445 : vector<16xf32>
        %mul3A_447 = arith.constant 8 : i32
        %mul3A_448 = arith.muli %scan3A_417, %mul3A_447 : i32
        %add3A_449 = arith.constant 2 : i32
        %add3A_450 = arith.addi %mul3A_448, %add3A_449 : i32
        %mul3A_451 = arith.constant 16 : i32
        %mul3A_452 = arith.muli %add3A_450, %mul3A_451 : i32
        %get3A_453 = arith.constant 0 : i32
        %get3A_454 = arith.index_cast %get3A_453 : i32 to index
        %get3A_455 = arith.index_cast %mul3A_452 : i32 to index
        %get3A_456 = tpu.vector_load %arg8[%get3A_454, %get3A_455] {strides = array<i32>} : memref<8x8192xf32, #tpu.memory_space<vmem>>, vector<1x16xf32>,
        %get3A_457 = vector.shape_cast %get3A_456 : vector<1x16xf32> to vector<16xf32>
        %exp3A_458 = math.exp %get3A_457 : vector<16xf32>
        %add3A_459 = arith.addf %scan3A_420, %exp3A_458 : vector<16xf32>
        %mul3A_460 = arith.constant 8 : i32
        %mul3A_461 = arith.muli %scan3A_417, %mul3A_460 : i32
        %add3A_462 = arith.constant 3 : i32
        %add3A_463 = arith.addi %mul3A_461, %add3A_462 : i32
        %mul3A_464 = arith.constant 16 : i32
        %mul3A_465 = arith.muli %add3A_463, %mul3A_464 : i32
        %get3A_466 = arith.constant 0 : i32
        %get3A_467 = arith.index_cast %get3A_466 : i32 to index
        %get3A_468 = arith.index_cast %mul3A_465 : i32 to index
        %get3A_469 = tpu.vector_load %arg8[%get3A_467, %get3A_468] {strides = array<i32>} : memref<8x8192xf32, #tpu.memory_space<vmem>>, vector<1x16xf32>,
        %get3A_470 = vector.shape_cast %get3A_469 : vector<1x16xf32> to vector<16xf32>
        %exp3A_471 = math.exp %get3A_470 : vector<16xf32>
        %add3A_472 = arith.addf %scan3A_421, %exp3A_471 : vector<16xf32>
        %mul3A_473 = arith.constant 8 : i32
        %mul3A_474 = arith.muli %scan3A_417, %mul3A_473 : i32
        %add3A_475 = arith.constant 4 : i32
        %add3A_476 = arith.addi %mul3A_474, %add3A_475 : i32
        %mul3A_477 = arith.constant 16 : i32
        %mul3A_478 = arith.muli %add3A_476, %mul3A_477 : i32
        %get3A_479 = arith.constant 0 : i32
        %get3A_480 = arith.index_cast %get3A_479 : i32 to index
        %get3A_481 = arith.index_cast %mul3A_478 : i32 to index
        %get3A_482 = tpu.vector_load %arg8[%get3A_480, %get3A_481] {strides = array<i32>} : memref<8x8192xf32, #tpu.memory_space<vmem>>, vector<1x16xf32>,
        %get3A_483 = vector.shape_cast %get3A_482 : vector<1x16xf32> to vector<16xf32>
        %exp3A_484 = math.exp %get3A_483 : vector<16xf32>
        %add3A_485 = arith.addf %add3A_433, %exp3A_484 : vector<16xf32>
        %mul3A_486 = arith.constant 8 : i32
        %mul3A_487 = arith.muli %scan3A_417, %mul3A_486 : i32
        %add3A_488 = arith.constant 5 : i32
        %add3A_489 = arith.addi %mul3A_487, %add3A_488 : i32
        %mul3A_490 = arith.constant 16 : i32
        %mul3A_491 = arith.muli %add3A_489, %mul3A_490 : i32
        %get3A_492 = arith.constant 0 : i32
        %get3A_493 = arith.index_cast %get3A_492 : i32 to index
        %get3A_494 = arith.index_cast %mul3A_491 : i32 to index
        %get3A_495 = tpu.vector_load %arg8[%get3A_493, %get3A_494] {strides = array<i32>} : memref<8x8192xf32, #tpu.memory_space<vmem>>, vector<1x16xf32>,
        %get3A_496 = vector.shape_cast %get3A_495 : vector<1x16xf32> to vector<16xf32>
        %exp3A_497 = math.exp %get3A_496 : vector<16xf32>
        %add3A_498 = arith.addf %add3A_446, %exp3A_497 : vector<16xf32>
        %mul3A_499 = arith.constant 8 : i32
        %mul3A_500 = arith.muli %scan3A_417, %mul3A_499 : i32
        %add3A_501 = arith.constant 6 : i32
        %add3A_502 = arith.addi %mul3A_500, %add3A_501 : i32
        %mul3A_503 = arith.constant 16 : i32
        %mul3A_504 = arith.muli %add3A_502, %mul3A_503 : i32
        %get3A_505 = arith.constant 0 : i32
        %get3A_506 = arith.index_cast %get3A_505 : i32 to index
        %get3A_507 = arith.index_cast %mul3A_504 : i32 to index
        %get3A_508 = tpu.vector_load %arg8[%get3A_506, %get3A_507] {strides = array<i32>} : memref<8x8192xf32, #tpu.memory_space<vmem>>, vector<1x16xf32>,
        %get3A_509 = vector.shape_cast %get3A_508 : vector<1x16xf32> to vector<16xf32>
        %exp3A_510 = math.exp %get3A_509 : vector<16xf32>
        %add3A_511 = arith.addf %add3A_459, %exp3A_510 : vector<16xf32>
        %mul3A_512 = arith.constant 8 : i32
        %mul3A_513 = arith.muli %scan3A_417, %mul3A_512 : i32
        %add3A_514 = arith.constant 7 : i32
        %add3A_515 = arith.addi %mul3A_513, %add3A_514 : i32
        %mul3A_516 = arith.constant 16 : i32
        %mul3A_517 = arith.muli %add3A_515, %mul3A_516 : i32
        %get3A_518 = arith.constant 0 : i32
        %get3A_519 = arith.index_cast %get3A_518 : i32 to index
        %get3A_520 = arith.index_cast %mul3A_517 : i32 to index
        %get3A_521 = tpu.vector_load %arg8[%get3A_519, %get3A_520] {strides = array<i32>} : memref<8x8192xf32, #tpu.memory_space<vmem>>, vector<1x16xf32>,
        %get3A_522 = vector.shape_cast %get3A_521 : vector<1x16xf32> to vector<16xf32>
        %exp3A_523 = math.exp %get3A_522 : vector<16xf32>
        %add3A_524 = arith.addf %add3A_472, %exp3A_523 : vector<16xf32>
        scf.yield %add3A_485, %add3A_498, %add3A_511, %add3A_524 : vector<16xf32>, vector<16xf32>, vector<16xf32>, vector<16xf32>
      }
      %scan3A_61 = arith.constant 64 : i32
      %add3A_62 = arith.addf %scan3A_60#0, %scan3A_60#1 : vector<16xf32>
      %add3A_63 = arith.addf %scan3A_60#2, %scan3A_60#3 : vector<16xf32>
      %add3A_64 = arith.addf %add3A_62, %add3A_63 : vector<16xf32>
      %mul3A_65 = arith.constant 16 : i32
      %mul3A_66 = arith.muli %add3A_36, %mul3A_65 : i32
      %multiple_of3A_67 = tpu.assume_multiple %mul3A_66, 16 : i32
      %swap3A_68 = arith.index_cast %multiple_of3A_67 : i32 to index
      %swap3A_69 = tpu.vector_load %arg12[%swap3A_68] {strides = array<i32>} : memref<8192xf32, #tpu.memory_space<vmem>>, vector<16xf32>,
      %swap3A_70 = vector.shape_cast %swap3A_69 : vector<16xf32> to vector<16xf32>
      %swap3A_71 = vector.shape_cast %add3A_64 : vector<16xf32> to vector<16xf32>
      tpu.vector_store %arg12[%swap3A_68], %swap3A_71 {strides = array<i32>} : memref<8192xf32, #tpu.memory_space<vmem>>, vector<16xf32>,
      %mul3A_72 = arith.constant 8 : i32
      %mul3A_73 = arith.muli %scan3A_16, %mul3A_72 : i32
      %add3A_74 = arith.constant 1 : i32
      %add3A_75 = arith.addi %mul3A_73, %add3A_74 : i32
      %slice3A_76 = vector.extract_strided_slice %get3A_32 {offsets = [1], sizes = [1], strides = [1]} : vector<16xi32> to vector<1xi32>
      %squeeze3A_77 = vector.extract %slice3A_76[0] : i32 from vector<1xi32>
      %max3A_78 = arith.constant 0 : i32
      %max3A_79 = arith.maxsi %squeeze3A_77, %max3A_78 : i32
      %and3A_80 = arith.constant -16 : i32
      %and3A_81 = arith.andi %max3A_79, %and3A_80 : i32
      %multiple_of3A_82 = tpu.assume_multiple %and3A_81, 16 : i32
      %get3A_83 = arith.constant 1 : i32
      %get3A_84 = arith.index_cast %get3A_83 : i32 to index
      %get3A_85 = arith.index_cast %multiple_of3A_82 : i32 to index
      %get3A_86 = tpu.vector_load %arg8[%get3A_84, %get3A_85] {strides = array<i32>} : memref<8x8192xf32, #tpu.memory_space<vmem>>, vector<1x16xf32>,
      %get3A_87 = vector.shape_cast %get3A_86 : vector<1x16xf32> to vector<16xf32>
      %and3A_88 = arith.constant 15 : i32
      %and3A_89 = arith.andi %max3A_79, %and3A_88 : i32
      %eq3A_90 = vector.broadcast %and3A_89 : i32 to vector<16xi32>
      %eq3A_91 = arith.cmpi eq, %iota3A, %eq3A_90 : vector<16xi32>
      %jit3A_92 = arith.constant 0.000000e+00 : f32
      %broadcast_in_dim3A_93 = vector.broadcast %jit3A_92 : f32 to vector<16xf32>
      %select_n3A_94 = arith.select %eq3A_91, %get3A_87, %broadcast_in_dim3A_93 : vector<16xi1>, vector<16xf32>
      %mul3A_95 = arith.constant 16 : i32
      %mul3A_96 = arith.muli %add3A_75, %mul3A_95 : i32
      %multiple_of3A_97 = tpu.assume_multiple %mul3A_96, 16 : i32
      %swap3A_98 = arith.index_cast %multiple_of3A_97 : i32 to index
      %swap3A_99 = tpu.vector_load %arg11[%swap3A_98] {strides = array<i32>} : memref<8192xf32, #tpu.memory_space<vmem>>, vector<16xf32>,
      %swap3A_100 = vector.shape_cast %swap3A_99 : vector<16xf32> to vector<16xf32>
      %swap3A_101 = vector.shape_cast %select_n3A_94 : vector<16xf32> to vector<16xf32>
      tpu.vector_store %arg11[%swap3A_98], %swap3A_101 {strides = array<i32>} : memref<8192xf32, #tpu.memory_space<vmem>>, vector<16xf32>,
      %broadcast_in_dim3A_102 = arith.constant 0.000000e+00 : f32
      %broadcast_in_dim3A_103 = vector.broadcast %broadcast_in_dim3A_102 : f32 to vector<16xf32>
      %scan3A_104 = arith.constant 0 : i32
      %scan3A_105 = arith.constant 64 : i32
      %scan3A_106 = arith.addi %scan3A_104, %scan3A_105 : i32
      %scan3A_107 = arith.constant 1 : i32
      %scan3A_108:4 = scf.for %scan3A_417 = %scan3A_104 to %scan3A_106 step %scan3A_107 iter_args(%scan3A_418 = %broadcast_in_dim3A_103, %scan3A_419 = %broadcast_in_dim3A_103, %scan3A_420 = %broadcast_in_dim3A_103, %scan3A_421 = %broadcast_in_dim3A_103) -> (vector<16xf32>, vector<16xf32>, vector<16xf32>, vector<16xf32>)  : i32 {
        %mul3A_422 = arith.constant 8 : i32
        %mul3A_423 = arith.muli %scan3A_417, %mul3A_422 : i32
        %add3A_424 = arith.constant 0 : i32
        %add3A_425 = arith.addi %mul3A_423, %add3A_424 : i32
        %mul3A_426 = arith.constant 16 : i32
        %mul3A_427 = arith.muli %add3A_425, %mul3A_426 : i32
        %get3A_428 = arith.constant 1 : i32
        %get3A_429 = arith.index_cast %get3A_428 : i32 to index
        %get3A_430 = arith.index_cast %mul3A_427 : i32 to index
        %get3A_431 = tpu.vector_load %arg8[%get3A_429, %get3A_430] {strides = array<i32>} : memref<8x8192xf32, #tpu.memory_space<vmem>>, vector<1x16xf32>,
        %get3A_432 = vector.shape_cast %get3A_431 : vector<1x16xf32> to vector<16xf32>
        %exp3A = math.exp %get3A_432 : vector<16xf32>
        %add3A_433 = arith.addf %scan3A_418, %exp3A : vector<16xf32>
        %mul3A_434 = arith.constant 8 : i32
        %mul3A_435 = arith.muli %scan3A_417, %mul3A_434 : i32
        %add3A_436 = arith.constant 1 : i32
        %add3A_437 = arith.addi %mul3A_435, %add3A_436 : i32
        %mul3A_438 = arith.constant 16 : i32
        %mul3A_439 = arith.muli %add3A_437, %mul3A_438 : i32
        %get3A_440 = arith.constant 1 : i32
        %get3A_441 = arith.index_cast %get3A_440 : i32 to index
        %get3A_442 = arith.index_cast %mul3A_439 : i32 to index
        %get3A_443 = tpu.vector_load %arg8[%get3A_441, %get3A_442] {strides = array<i32>} : memref<8x8192xf32, #tpu.memory_space<vmem>>, vector<1x16xf32>,
        %get3A_444 = vector.shape_cast %get3A_443 : vector<1x16xf32> to vector<16xf32>
        %exp3A_445 = math.exp %get3A_444 : vector<16xf32>
        %add3A_446 = arith.addf %scan3A_419, %exp3A_445 : vector<16xf32>
        %mul3A_447 = arith.constant 8 : i32
        %mul3A_448 = arith.muli %scan3A_417, %mul3A_447 : i32
        %add3A_449 = arith.constant 2 : i32
        %add3A_450 = arith.addi %mul3A_448, %add3A_449 : i32
        %mul3A_451 = arith.constant 16 : i32
        %mul3A_452 = arith.muli %add3A_450, %mul3A_451 : i32
        %get3A_453 = arith.constant 1 : i32
        %get3A_454 = arith.index_cast %get3A_453 : i32 to index
        %get3A_455 = arith.index_cast %mul3A_452 : i32 to index
        %get3A_456 = tpu.vector_load %arg8[%get3A_454, %get3A_455] {strides = array<i32>} : memref<8x8192xf32, #tpu.memory_space<vmem>>, vector<1x16xf32>,
        %get3A_457 = vector.shape_cast %get3A_456 : vector<1x16xf32> to vector<16xf32>
        %exp3A_458 = math.exp %get3A_457 : vector<16xf32>
        %add3A_459 = arith.addf %scan3A_420, %exp3A_458 : vector<16xf32>
        %mul3A_460 = arith.constant 8 : i32
        %mul3A_461 = arith.muli %scan3A_417, %mul3A_460 : i32
        %add3A_462 = arith.constant 3 : i32
        %add3A_463 = arith.addi %mul3A_461, %add3A_462 : i32
        %mul3A_464 = arith.constant 16 : i32
        %mul3A_465 = arith.muli %add3A_463, %mul3A_464 : i32
        %get3A_466 = arith.constant 1 : i32
        %get3A_467 = arith.index_cast %get3A_466 : i32 to index
        %get3A_468 = arith.index_cast %mul3A_465 : i32 to index
        %get3A_469 = tpu.vector_load %arg8[%get3A_467, %get3A_468] {strides = array<i32>} : memref<8x8192xf32, #tpu.memory_space<vmem>>, vector<1x16xf32>,
        %get3A_470 = vector.shape_cast %get3A_469 : vector<1x16xf32> to vector<16xf32>
        %exp3A_471 = math.exp %get3A_470 : vector<16xf32>
        %add3A_472 = arith.addf %scan3A_421, %exp3A_471 : vector<16xf32>
        %mul3A_473 = arith.constant 8 : i32
        %mul3A_474 = arith.muli %scan3A_417, %mul3A_473 : i32
        %add3A_475 = arith.constant 4 : i32
        %add3A_476 = arith.addi %mul3A_474, %add3A_475 : i32
        %mul3A_477 = arith.constant 16 : i32
        %mul3A_478 = arith.muli %add3A_476, %mul3A_477 : i32
        %get3A_479 = arith.constant 1 : i32
        %get3A_480 = arith.index_cast %get3A_479 : i32 to index
        %get3A_481 = arith.index_cast %mul3A_478 : i32 to index
        %get3A_482 = tpu.vector_load %arg8[%get3A_480, %get3A_481] {strides = array<i32>} : memref<8x8192xf32, #tpu.memory_space<vmem>>, vector<1x16xf32>,
        %get3A_483 = vector.shape_cast %get3A_482 : vector<1x16xf32> to vector<16xf32>
        %exp3A_484 = math.exp %get3A_483 : vector<16xf32>
        %add3A_485 = arith.addf %add3A_433, %exp3A_484 : vector<16xf32>
        %mul3A_486 = arith.constant 8 : i32
        %mul3A_487 = arith.muli %scan3A_417, %mul3A_486 : i32
        %add3A_488 = arith.constant 5 : i32
        %add3A_489 = arith.addi %mul3A_487, %add3A_488 : i32
        %mul3A_490 = arith.constant 16 : i32
        %mul3A_491 = arith.muli %add3A_489, %mul3A_490 : i32
        %get3A_492 = arith.constant 1 : i32
        %get3A_493 = arith.index_cast %get3A_492 : i32 to index
        %get3A_494 = arith.index_cast %mul3A_491 : i32 to index
        %get3A_495 = tpu.vector_load %arg8[%get3A_493, %get3A_494] {strides = array<i32>} : memref<8x8192xf32, #tpu.memory_space<vmem>>, vector<1x16xf32>,
        %get3A_496 = vector.shape_cast %get3A_495 : vector<1x16xf32> to vector<16xf32>
        %exp3A_497 = math.exp %get3A_496 : vector<16xf32>
        %add3A_498 = arith.addf %add3A_446, %exp3A_497 : vector<16xf32>
        %mul3A_499 = arith.constant 8 : i32
        %mul3A_500 = arith.muli %scan3A_417, %mul3A_499 : i32
        %add3A_501 = arith.constant 6 : i32
        %add3A_502 = arith.addi %mul3A_500, %add3A_501 : i32
        %mul3A_503 = arith.constant 16 : i32
        %mul3A_504 = arith.muli %add3A_502, %mul3A_503 : i32
        %get3A_505 = arith.constant 1 : i32
        %get3A_506 = arith.index_cast %get3A_505 : i32 to index
        %get3A_507 = arith.index_cast %mul3A_504 : i32 to index
        %get3A_508 = tpu.vector_load %arg8[%get3A_506, %get3A_507] {strides = array<i32>} : memref<8x8192xf32, #tpu.memory_space<vmem>>, vector<1x16xf32>,
        %get3A_509 = vector.shape_cast %get3A_508 : vector<1x16xf32> to vector<16xf32>
        %exp3A_510 = math.exp %get3A_509 : vector<16xf32>
        %add3A_511 = arith.addf %add3A_459, %exp3A_510 : vector<16xf32>
        %mul3A_512 = arith.constant 8 : i32
        %mul3A_513 = arith.muli %scan3A_417, %mul3A_512 : i32
        %add3A_514 = arith.constant 7 : i32
        %add3A_515 = arith.addi %mul3A_513, %add3A_514 : i32
        %mul3A_516 = arith.constant 16 : i32
        %mul3A_517 = arith.muli %add3A_515, %mul3A_516 : i32
        %get3A_518 = arith.constant 1 : i32
        %get3A_519 = arith.index_cast %get3A_518 : i32 to index
        %get3A_520 = arith.index_cast %mul3A_517 : i32 to index
        %get3A_521 = tpu.vector_load %arg8[%get3A_519, %get3A_520] {strides = array<i32>} : memref<8x8192xf32, #tpu.memory_space<vmem>>, vector<1x16xf32>,
        %get3A_522 = vector.shape_cast %get3A_521 : vector<1x16xf32> to vector<16xf32>
        %exp3A_523 = math.exp %get3A_522 : vector<16xf32>
        %add3A_524 = arith.addf %add3A_472, %exp3A_523 : vector<16xf32>
        scf.yield %add3A_485, %add3A_498, %add3A_511, %add3A_524 : vector<16xf32>, vector<16xf32>, vector<16xf32>, vector<16xf32>
      }
      %scan3A_109 = arith.constant 64 : i32
      %add3A_110 = arith.addf %scan3A_108#0, %scan3A_108#1 : vector<16xf32>
      %add3A_111 = arith.addf %scan3A_108#2, %scan3A_108#3 : vector<16xf32>
      %add3A_112 = arith.addf %add3A_110, %add3A_111 : vector<16xf32>
      %mul3A_113 = arith.constant 16 : i32
      %mul3A_114 = arith.muli %add3A_75, %mul3A_113 : i32
      %multiple_of3A_115 = tpu.assume_multiple %mul3A_114, 16 : i32
      %swap3A_116 = arith.index_cast %multiple_of3A_115 : i32 to index
      %swap3A_117 = tpu.vector_load %arg12[%swap3A_116] {strides = array<i32>} : memref<8192xf32, #tpu.memory_space<vmem>>, vector<16xf32>,
      %swap3A_118 = vector.shape_cast %swap3A_117 : vector<16xf32> to vector<16xf32>
      %swap3A_119 = vector.shape_cast %add3A_112 : vector<16xf32> to vector<16xf32>
      tpu.vector_store %arg12[%swap3A_116], %swap3A_119 {strides = array<i32>} : memref<8192xf32, #tpu.memory_space<vmem>>, vector<16xf32>,
      %mul3A_120 = arith.constant 8 : i32
      %mul3A_121 = arith.muli %scan3A_16, %mul3A_120 : i32
      %add3A_122 = arith.constant 2 : i32
      %add3A_123 = arith.addi %mul3A_121, %add3A_122 : i32
      %slice3A_124 = vector.extract_strided_slice %get3A_32 {offsets = [2], sizes = [1], strides = [1]} : vector<16xi32> to vector<1xi32>
      %squeeze3A_125 = vector.extract %slice3A_124[0] : i32 from vector<1xi32>
      %max3A_126 = arith.constant 0 : i32
      %max3A_127 = arith.maxsi %squeeze3A_125, %max3A_126 : i32
      %and3A_128 = arith.constant -16 : i32
      %and3A_129 = arith.andi %max3A_127, %and3A_128 : i32
      %multiple_of3A_130 = tpu.assume_multiple %and3A_129, 16 : i32
      %get3A_131 = arith.constant 2 : i32
      %get3A_132 = arith.index_cast %get3A_131 : i32 to index
      %get3A_133 = arith.index_cast %multiple_of3A_130 : i32 to index
      %get3A_134 = tpu.vector_load %arg8[%get3A_132, %get3A_133] {strides = array<i32>} : memref<8x8192xf32, #tpu.memory_space<vmem>>, vector<1x16xf32>,
      %get3A_135 = vector.shape_cast %get3A_134 : vector<1x16xf32> to vector<16xf32>
      %and3A_136 = arith.constant 15 : i32
      %and3A_137 = arith.andi %max3A_127, %and3A_136 : i32
      %eq3A_138 = vector.broadcast %and3A_137 : i32 to vector<16xi32>
      %eq3A_139 = arith.cmpi eq, %iota3A, %eq3A_138 : vector<16xi32>
      %jit3A_140 = arith.constant 0.000000e+00 : f32
      %broadcast_in_dim3A_141 = vector.broadcast %jit3A_140 : f32 to vector<16xf32>
      %select_n3A_142 = arith.select %eq3A_139, %get3A_135, %broadcast_in_dim3A_141 : vector<16xi1>, vector<16xf32>
      %mul3A_143 = arith.constant 16 : i32
      %mul3A_144 = arith.muli %add3A_123, %mul3A_143 : i32
      %multiple_of3A_145 = tpu.assume_multiple %mul3A_144, 16 : i32
      %swap3A_146 = arith.index_cast %multiple_of3A_145 : i32 to index
      %swap3A_147 = tpu.vector_load %arg11[%swap3A_146] {strides = array<i32>} : memref<8192xf32, #tpu.memory_space<vmem>>, vector<16xf32>,
      %swap3A_148 = vector.shape_cast %swap3A_147 : vector<16xf32> to vector<16xf32>
      %swap3A_149 = vector.shape_cast %select_n3A_142 : vector<16xf32> to vector<16xf32>
      tpu.vector_store %arg11[%swap3A_146], %swap3A_149 {strides = array<i32>} : memref<8192xf32, #tpu.memory_space<vmem>>, vector<16xf32>,
      %broadcast_in_dim3A_150 = arith.constant 0.000000e+00 : f32
      %broadcast_in_dim3A_151 = vector.broadcast %broadcast_in_dim3A_150 : f32 to vector<16xf32>
      %scan3A_152 = arith.constant 0 : i32
      %scan3A_153 = arith.constant 64 : i32
      %scan3A_154 = arith.addi %scan3A_152, %scan3A_153 : i32
      %scan3A_155 = arith.constant 1 : i32
      %scan3A_156:4 = scf.for %scan3A_417 = %scan3A_152 to %scan3A_154 step %scan3A_155 iter_args(%scan3A_418 = %broadcast_in_dim3A_151, %scan3A_419 = %broadcast_in_dim3A_151, %scan3A_420 = %broadcast_in_dim3A_151, %scan3A_421 = %broadcast_in_dim3A_151) -> (vector<16xf32>, vector<16xf32>, vector<16xf32>, vector<16xf32>)  : i32 {
        %mul3A_422 = arith.constant 8 : i32
        %mul3A_423 = arith.muli %scan3A_417, %mul3A_422 : i32
        %add3A_424 = arith.constant 0 : i32
        %add3A_425 = arith.addi %mul3A_423, %add3A_424 : i32
        %mul3A_426 = arith.constant 16 : i32
        %mul3A_427 = arith.muli %add3A_425, %mul3A_426 : i32
        %get3A_428 = arith.constant 2 : i32
        %get3A_429 = arith.index_cast %get3A_428 : i32 to index
        %get3A_430 = arith.index_cast %mul3A_427 : i32 to index
        %get3A_431 = tpu.vector_load %arg8[%get3A_429, %get3A_430] {strides = array<i32>} : memref<8x8192xf32, #tpu.memory_space<vmem>>, vector<1x16xf32>,
        %get3A_432 = vector.shape_cast %get3A_431 : vector<1x16xf32> to vector<16xf32>
        %exp3A = math.exp %get3A_432 : vector<16xf32>
        %add3A_433 = arith.addf %scan3A_418, %exp3A : vector<16xf32>
        %mul3A_434 = arith.constant 8 : i32
        %mul3A_435 = arith.muli %scan3A_417, %mul3A_434 : i32
        %add3A_436 = arith.constant 1 : i32
        %add3A_437 = arith.addi %mul3A_435, %add3A_436 : i32
        %mul3A_438 = arith.constant 16 : i32
        %mul3A_439 = arith.muli %add3A_437, %mul3A_438 : i32
        %get3A_440 = arith.constant 2 : i32
        %get3A_441 = arith.index_cast %get3A_440 : i32 to index
        %get3A_442 = arith.index_cast %mul3A_439 : i32 to index
        %get3A_443 = tpu.vector_load %arg8[%get3A_441, %get3A_442] {strides = array<i32>} : memref<8x8192xf32, #tpu.memory_space<vmem>>, vector<1x16xf32>,
        %get3A_444 = vector.shape_cast %get3A_443 : vector<1x16xf32> to vector<16xf32>
        %exp3A_445 = math.exp %get3A_444 : vector<16xf32>
        %add3A_446 = arith.addf %scan3A_419, %exp3A_445 : vector<16xf32>
        %mul3A_447 = arith.constant 8 : i32
        %mul3A_448 = arith.muli %scan3A_417, %mul3A_447 : i32
        %add3A_449 = arith.constant 2 : i32
        %add3A_450 = arith.addi %mul3A_448, %add3A_449 : i32
        %mul3A_451 = arith.constant 16 : i32
        %mul3A_452 = arith.muli %add3A_450, %mul3A_451 : i32
        %get3A_453 = arith.constant 2 : i32
        %get3A_454 = arith.index_cast %get3A_453 : i32 to index
        %get3A_455 = arith.index_cast %mul3A_452 : i32 to index
        %get3A_456 = tpu.vector_load %arg8[%get3A_454, %get3A_455] {strides = array<i32>} : memref<8x8192xf32, #tpu.memory_space<vmem>>, vector<1x16xf32>,
        %get3A_457 = vector.shape_cast %get3A_456 : vector<1x16xf32> to vector<16xf32>
        %exp3A_458 = math.exp %get3A_457 : vector<16xf32>
        %add3A_459 = arith.addf %scan3A_420, %exp3A_458 : vector<16xf32>
        %mul3A_460 = arith.constant 8 : i32
        %mul3A_461 = arith.muli %scan3A_417, %mul3A_460 : i32
        %add3A_462 = arith.constant 3 : i32
        %add3A_463 = arith.addi %mul3A_461, %add3A_462 : i32
        %mul3A_464 = arith.constant 16 : i32
        %mul3A_465 = arith.muli %add3A_463, %mul3A_464 : i32
        %get3A_466 = arith.constant 2 : i32
        %get3A_467 = arith.index_cast %get3A_466 : i32 to index
        %get3A_468 = arith.index_cast %mul3A_465 : i32 to index
        %get3A_469 = tpu.vector_load %arg8[%get3A_467, %get3A_468] {strides = array<i32>} : memref<8x8192xf32, #tpu.memory_space<vmem>>, vector<1x16xf32>,
        %get3A_470 = vector.shape_cast %get3A_469 : vector<1x16xf32> to vector<16xf32>
        %exp3A_471 = math.exp %get3A_470 : vector<16xf32>
        %add3A_472 = arith.addf %scan3A_421, %exp3A_471 : vector<16xf32>
        %mul3A_473 = arith.constant 8 : i32
        %mul3A_474 = arith.muli %scan3A_417, %mul3A_473 : i32
        %add3A_475 = arith.constant 4 : i32
        %add3A_476 = arith.addi %mul3A_474, %add3A_475 : i32
        %mul3A_477 = arith.constant 16 : i32
        %mul3A_478 = arith.muli %add3A_476, %mul3A_477 : i32
        %get3A_479 = arith.constant 2 : i32
        %get3A_480 = arith.index_cast %get3A_479 : i32 to index
        %get3A_481 = arith.index_cast %mul3A_478 : i32 to index
        %get3A_482 = tpu.vector_load %arg8[%get3A_480, %get3A_481] {strides = array<i32>} : memref<8x8192xf32, #tpu.memory_space<vmem>>, vector<1x16xf32>,
        %get3A_483 = vector.shape_cast %get3A_482 : vector<1x16xf32> to vector<16xf32>
        %exp3A_484 = math.exp %get3A_483 : vector<16xf32>
        %add3A_485 = arith.addf %add3A_433, %exp3A_484 : vector<16xf32>
        %mul3A_486 = arith.constant 8 : i32
        %mul3A_487 = arith.muli %scan3A_417, %mul3A_486 : i32
        %add3A_488 = arith.constant 5 : i32
        %add3A_489 = arith.addi %mul3A_487, %add3A_488 : i32
        %mul3A_490 = arith.constant 16 : i32
        %mul3A_491 = arith.muli %add3A_489, %mul3A_490 : i32
        %get3A_492 = arith.constant 2 : i32
        %get3A_493 = arith.index_cast %get3A_492 : i32 to index
        %get3A_494 = arith.index_cast %mul3A_491 : i32 to index
        %get3A_495 = tpu.vector_load %arg8[%get3A_493, %get3A_494] {strides = array<i32>} : memref<8x8192xf32, #tpu.memory_space<vmem>>, vector<1x16xf32>,
        %get3A_496 = vector.shape_cast %get3A_495 : vector<1x16xf32> to vector<16xf32>
        %exp3A_497 = math.exp %get3A_496 : vector<16xf32>
        %add3A_498 = arith.addf %add3A_446, %exp3A_497 : vector<16xf32>
        %mul3A_499 = arith.constant 8 : i32
        %mul3A_500 = arith.muli %scan3A_417, %mul3A_499 : i32
        %add3A_501 = arith.constant 6 : i32
        %add3A_502 = arith.addi %mul3A_500, %add3A_501 : i32
        %mul3A_503 = arith.constant 16 : i32
        %mul3A_504 = arith.muli %add3A_502, %mul3A_503 : i32
        %get3A_505 = arith.constant 2 : i32
        %get3A_506 = arith.index_cast %get3A_505 : i32 to index
        %get3A_507 = arith.index_cast %mul3A_504 : i32 to index
        %get3A_508 = tpu.vector_load %arg8[%get3A_506, %get3A_507] {strides = array<i32>} : memref<8x8192xf32, #tpu.memory_space<vmem>>, vector<1x16xf32>,
        %get3A_509 = vector.shape_cast %get3A_508 : vector<1x16xf32> to vector<16xf32>
        %exp3A_510 = math.exp %get3A_509 : vector<16xf32>
        %add3A_511 = arith.addf %add3A_459, %exp3A_510 : vector<16xf32>
        %mul3A_512 = arith.constant 8 : i32
        %mul3A_513 = arith.muli %scan3A_417, %mul3A_512 : i32
        %add3A_514 = arith.constant 7 : i32
        %add3A_515 = arith.addi %mul3A_513, %add3A_514 : i32
        %mul3A_516 = arith.constant 16 : i32
        %mul3A_517 = arith.muli %add3A_515, %mul3A_516 : i32
        %get3A_518 = arith.constant 2 : i32
        %get3A_519 = arith.index_cast %get3A_518 : i32 to index
        %get3A_520 = arith.index_cast %mul3A_517 : i32 to index
        %get3A_521 = tpu.vector_load %arg8[%get3A_519, %get3A_520] {strides = array<i32>} : memref<8x8192xf32, #tpu.memory_space<vmem>>, vector<1x16xf32>,
        %get3A_522 = vector.shape_cast %get3A_521 : vector<1x16xf32> to vector<16xf32>
        %exp3A_523 = math.exp %get3A_522 : vector<16xf32>
        %add3A_524 = arith.addf %add3A_472, %exp3A_523 : vector<16xf32>
        scf.yield %add3A_485, %add3A_498, %add3A_511, %add3A_524 : vector<16xf32>, vector<16xf32>, vector<16xf32>, vector<16xf32>
      }
      %scan3A_157 = arith.constant 64 : i32
      %add3A_158 = arith.addf %scan3A_156#0, %scan3A_156#1 : vector<16xf32>
      %add3A_159 = arith.addf %scan3A_156#2, %scan3A_156#3 : vector<16xf32>
      %add3A_160 = arith.addf %add3A_158, %add3A_159 : vector<16xf32>
      %mul3A_161 = arith.constant 16 : i32
      %mul3A_162 = arith.muli %add3A_123, %mul3A_161 : i32
      %multiple_of3A_163 = tpu.assume_multiple %mul3A_162, 16 : i32
      %swap3A_164 = arith.index_cast %multiple_of3A_163 : i32 to index
      %swap3A_165 = tpu.vector_load %arg12[%swap3A_164] {strides = array<i32>} : memref<8192xf32, #tpu.memory_space<vmem>>, vector<16xf32>,
      %swap3A_166 = vector.shape_cast %swap3A_165 : vector<16xf32> to vector<16xf32>
      %swap3A_167 = vector.shape_cast %add3A_160 : vector<16xf32> to vector<16xf32>
      tpu.vector_store %arg12[%swap3A_164], %swap3A_167 {strides = array<i32>} : memref<8192xf32, #tpu.memory_space<vmem>>, vector<16xf32>,
      %mul3A_168 = arith.constant 8 : i32
      %mul3A_169 = arith.muli %scan3A_16, %mul3A_168 : i32
      %add3A_170 = arith.constant 3 : i32
      %add3A_171 = arith.addi %mul3A_169, %add3A_170 : i32
      %slice3A_172 = vector.extract_strided_slice %get3A_32 {offsets = [3], sizes = [1], strides = [1]} : vector<16xi32> to vector<1xi32>
      %squeeze3A_173 = vector.extract %slice3A_172[0] : i32 from vector<1xi32>
      %max3A_174 = arith.constant 0 : i32
      %max3A_175 = arith.maxsi %squeeze3A_173, %max3A_174 : i32
      %and3A_176 = arith.constant -16 : i32
      %and3A_177 = arith.andi %max3A_175, %and3A_176 : i32
      %multiple_of3A_178 = tpu.assume_multiple %and3A_177, 16 : i32
      %get3A_179 = arith.constant 3 : i32
      %get3A_180 = arith.index_cast %get3A_179 : i32 to index
      %get3A_181 = arith.index_cast %multiple_of3A_178 : i32 to index
      %get3A_182 = tpu.vector_load %arg8[%get3A_180, %get3A_181] {strides = array<i32>} : memref<8x8192xf32, #tpu.memory_space<vmem>>, vector<1x16xf32>,
      %get3A_183 = vector.shape_cast %get3A_182 : vector<1x16xf32> to vector<16xf32>
      %and3A_184 = arith.constant 15 : i32
      %and3A_185 = arith.andi %max3A_175, %and3A_184 : i32
      %eq3A_186 = vector.broadcast %and3A_185 : i32 to vector<16xi32>
      %eq3A_187 = arith.cmpi eq, %iota3A, %eq3A_186 : vector<16xi32>
      %jit3A_188 = arith.constant 0.000000e+00 : f32
      %broadcast_in_dim3A_189 = vector.broadcast %jit3A_188 : f32 to vector<16xf32>
      %select_n3A_190 = arith.select %eq3A_187, %get3A_183, %broadcast_in_dim3A_189 : vector<16xi1>, vector<16xf32>
      %mul3A_191 = arith.constant 16 : i32
      %mul3A_192 = arith.muli %add3A_171, %mul3A_191 : i32
      %multiple_of3A_193 = tpu.assume_multiple %mul3A_192, 16 : i32
      %swap3A_194 = arith.index_cast %multiple_of3A_193 : i32 to index
      %swap3A_195 = tpu.vector_load %arg11[%swap3A_194] {strides = array<i32>} : memref<8192xf32, #tpu.memory_space<vmem>>, vector<16xf32>,
      %swap3A_196 = vector.shape_cast %swap3A_195 : vector<16xf32> to vector<16xf32>
      %swap3A_197 = vector.shape_cast %select_n3A_190 : vector<16xf32> to vector<16xf32>
      tpu.vector_store %arg11[%swap3A_194], %swap3A_197 {strides = array<i32>} : memref<8192xf32, #tpu.memory_space<vmem>>, vector<16xf32>,
      %broadcast_in_dim3A_198 = arith.constant 0.000000e+00 : f32
      %broadcast_in_dim3A_199 = vector.broadcast %broadcast_in_dim3A_198 : f32 to vector<16xf32>
      %scan3A_200 = arith.constant 0 : i32
      %scan3A_201 = arith.constant 64 : i32
      %scan3A_202 = arith.addi %scan3A_200, %scan3A_201 : i32
      %scan3A_203 = arith.constant 1 : i32
      %scan3A_204:4 = scf.for %scan3A_417 = %scan3A_200 to %scan3A_202 step %scan3A_203 iter_args(%scan3A_418 = %broadcast_in_dim3A_199, %scan3A_419 = %broadcast_in_dim3A_199, %scan3A_420 = %broadcast_in_dim3A_199, %scan3A_421 = %broadcast_in_dim3A_199) -> (vector<16xf32>, vector<16xf32>, vector<16xf32>, vector<16xf32>)  : i32 {
        %mul3A_422 = arith.constant 8 : i32
        %mul3A_423 = arith.muli %scan3A_417, %mul3A_422 : i32
        %add3A_424 = arith.constant 0 : i32
        %add3A_425 = arith.addi %mul3A_423, %add3A_424 : i32
        %mul3A_426 = arith.constant 16 : i32
        %mul3A_427 = arith.muli %add3A_425, %mul3A_426 : i32
        %get3A_428 = arith.constant 3 : i32
        %get3A_429 = arith.index_cast %get3A_428 : i32 to index
        %get3A_430 = arith.index_cast %mul3A_427 : i32 to index
        %get3A_431 = tpu.vector_load %arg8[%get3A_429, %get3A_430] {strides = array<i32>} : memref<8x8192xf32, #tpu.memory_space<vmem>>, vector<1x16xf32>,
        %get3A_432 = vector.shape_cast %get3A_431 : vector<1x16xf32> to vector<16xf32>
        %exp3A = math.exp %get3A_432 : vector<16xf32>
        %add3A_433 = arith.addf %scan3A_418, %exp3A : vector<16xf32>
        %mul3A_434 = arith.constant 8 : i32
        %mul3A_435 = arith.muli %scan3A_417, %mul3A_434 : i32
        %add3A_436 = arith.constant 1 : i32
        %add3A_437 = arith.addi %mul3A_435, %add3A_436 : i32
        %mul3A_438 = arith.constant 16 : i32
        %mul3A_439 = arith.muli %add3A_437, %mul3A_438 : i32
        %get3A_440 = arith.constant 3 : i32
        %get3A_441 = arith.index_cast %get3A_440 : i32 to index
        %get3A_442 = arith.index_cast %mul3A_439 : i32 to index
        %get3A_443 = tpu.vector_load %arg8[%get3A_441, %get3A_442] {strides = array<i32>} : memref<8x8192xf32, #tpu.memory_space<vmem>>, vector<1x16xf32>,
        %get3A_444 = vector.shape_cast %get3A_443 : vector<1x16xf32> to vector<16xf32>
        %exp3A_445 = math.exp %get3A_444 : vector<16xf32>
        %add3A_446 = arith.addf %scan3A_419, %exp3A_445 : vector<16xf32>
        %mul3A_447 = arith.constant 8 : i32
        %mul3A_448 = arith.muli %scan3A_417, %mul3A_447 : i32
        %add3A_449 = arith.constant 2 : i32
        %add3A_450 = arith.addi %mul3A_448, %add3A_449 : i32
        %mul3A_451 = arith.constant 16 : i32
        %mul3A_452 = arith.muli %add3A_450, %mul3A_451 : i32
        %get3A_453 = arith.constant 3 : i32
        %get3A_454 = arith.index_cast %get3A_453 : i32 to index
        %get3A_455 = arith.index_cast %mul3A_452 : i32 to index
        %get3A_456 = tpu.vector_load %arg8[%get3A_454, %get3A_455] {strides = array<i32>} : memref<8x8192xf32, #tpu.memory_space<vmem>>, vector<1x16xf32>,
        %get3A_457 = vector.shape_cast %get3A_456 : vector<1x16xf32> to vector<16xf32>
        %exp3A_458 = math.exp %get3A_457 : vector<16xf32>
        %add3A_459 = arith.addf %scan3A_420, %exp3A_458 : vector<16xf32>
        %mul3A_460 = arith.constant 8 : i32
        %mul3A_461 = arith.muli %scan3A_417, %mul3A_460 : i32
        %add3A_462 = arith.constant 3 : i32
        %add3A_463 = arith.addi %mul3A_461, %add3A_462 : i32
        %mul3A_464 = arith.constant 16 : i32
        %mul3A_465 = arith.muli %add3A_463, %mul3A_464 : i32
        %get3A_466 = arith.constant 3 : i32
        %get3A_467 = arith.index_cast %get3A_466 : i32 to index
        %get3A_468 = arith.index_cast %mul3A_465 : i32 to index
        %get3A_469 = tpu.vector_load %arg8[%get3A_467, %get3A_468] {strides = array<i32>} : memref<8x8192xf32, #tpu.memory_space<vmem>>, vector<1x16xf32>,
        %get3A_470 = vector.shape_cast %get3A_469 : vector<1x16xf32> to vector<16xf32>
        %exp3A_471 = math.exp %get3A_470 : vector<16xf32>
        %add3A_472 = arith.addf %scan3A_421, %exp3A_471 : vector<16xf32>
        %mul3A_473 = arith.constant 8 : i32
        %mul3A_474 = arith.muli %scan3A_417, %mul3A_473 : i32
        %add3A_475 = arith.constant 4 : i32
        %add3A_476 = arith.addi %mul3A_474, %add3A_475 : i32
        %mul3A_477 = arith.constant 16 : i32
        %mul3A_478 = arith.muli %add3A_476, %mul3A_477 : i32
        %get3A_479 = arith.constant 3 : i32
        %get3A_480 = arith.index_cast %get3A_479 : i32 to index
        %get3A_481 = arith.index_cast %mul3A_478 : i32 to index
        %get3A_482 = tpu.vector_load %arg8[%get3A_480, %get3A_481] {strides = array<i32>} : memref<8x8192xf32, #tpu.memory_space<vmem>>, vector<1x16xf32>,
        %get3A_483 = vector.shape_cast %get3A_482 : vector<1x16xf32> to vector<16xf32>
        %exp3A_484 = math.exp %get3A_483 : vector<16xf32>
        %add3A_485 = arith.addf %add3A_433, %exp3A_484 : vector<16xf32>
        %mul3A_486 = arith.constant 8 : i32
        %mul3A_487 = arith.muli %scan3A_417, %mul3A_486 : i32
        %add3A_488 = arith.constant 5 : i32
        %add3A_489 = arith.addi %mul3A_487, %add3A_488 : i32
        %mul3A_490 = arith.constant 16 : i32
        %mul3A_491 = arith.muli %add3A_489, %mul3A_490 : i32
        %get3A_492 = arith.constant 3 : i32
        %get3A_493 = arith.index_cast %get3A_492 : i32 to index
        %get3A_494 = arith.index_cast %mul3A_491 : i32 to index
        %get3A_495 = tpu.vector_load %arg8[%get3A_493, %get3A_494] {strides = array<i32>} : memref<8x8192xf32, #tpu.memory_space<vmem>>, vector<1x16xf32>,
        %get3A_496 = vector.shape_cast %get3A_495 : vector<1x16xf32> to vector<16xf32>
        %exp3A_497 = math.exp %get3A_496 : vector<16xf32>
        %add3A_498 = arith.addf %add3A_446, %exp3A_497 : vector<16xf32>
        %mul3A_499 = arith.constant 8 : i32
        %mul3A_500 = arith.muli %scan3A_417, %mul3A_499 : i32
        %add3A_501 = arith.constant 6 : i32
        %add3A_502 = arith.addi %mul3A_500, %add3A_501 : i32
        %mul3A_503 = arith.constant 16 : i32
        %mul3A_504 = arith.muli %add3A_502, %mul3A_503 : i32
        %get3A_505 = arith.constant 3 : i32
        %get3A_506 = arith.index_cast %get3A_505 : i32 to index
        %get3A_507 = arith.index_cast %mul3A_504 : i32 to index
        %get3A_508 = tpu.vector_load %arg8[%get3A_506, %get3A_507] {strides = array<i32>} : memref<8x8192xf32, #tpu.memory_space<vmem>>, vector<1x16xf32>,
        %get3A_509 = vector.shape_cast %get3A_508 : vector<1x16xf32> to vector<16xf32>
        %exp3A_510 = math.exp %get3A_509 : vector<16xf32>
        %add3A_511 = arith.addf %add3A_459, %exp3A_510 : vector<16xf32>
        %mul3A_512 = arith.constant 8 : i32
        %mul3A_513 = arith.muli %scan3A_417, %mul3A_512 : i32
        %add3A_514 = arith.constant 7 : i32
        %add3A_515 = arith.addi %mul3A_513, %add3A_514 : i32
        %mul3A_516 = arith.constant 16 : i32
        %mul3A_517 = arith.muli %add3A_515, %mul3A_516 : i32
        %get3A_518 = arith.constant 3 : i32
        %get3A_519 = arith.index_cast %get3A_518 : i32 to index
        %get3A_520 = arith.index_cast %mul3A_517 : i32 to index
        %get3A_521 = tpu.vector_load %arg8[%get3A_519, %get3A_520] {strides = array<i32>} : memref<8x8192xf32, #tpu.memory_space<vmem>>, vector<1x16xf32>,
        %get3A_522 = vector.shape_cast %get3A_521 : vector<1x16xf32> to vector<16xf32>
        %exp3A_523 = math.exp %get3A_522 : vector<16xf32>
        %add3A_524 = arith.addf %add3A_472, %exp3A_523 : vector<16xf32>
        scf.yield %add3A_485, %add3A_498, %add3A_511, %add3A_524 : vector<16xf32>, vector<16xf32>, vector<16xf32>, vector<16xf32>
      }
      %scan3A_205 = arith.constant 64 : i32
      %add3A_206 = arith.addf %scan3A_204#0, %scan3A_204#1 : vector<16xf32>
      %add3A_207 = arith.addf %scan3A_204#2, %scan3A_204#3 : vector<16xf32>
      %add3A_208 = arith.addf %add3A_206, %add3A_207 : vector<16xf32>
      %mul3A_209 = arith.constant 16 : i32
      %mul3A_210 = arith.muli %add3A_171, %mul3A_209 : i32
      %multiple_of3A_211 = tpu.assume_multiple %mul3A_210, 16 : i32
      %swap3A_212 = arith.index_cast %multiple_of3A_211 : i32 to index
      %swap3A_213 = tpu.vector_load %arg12[%swap3A_212] {strides = array<i32>} : memref<8192xf32, #tpu.memory_space<vmem>>, vector<16xf32>,
      %swap3A_214 = vector.shape_cast %swap3A_213 : vector<16xf32> to vector<16xf32>
      %swap3A_215 = vector.shape_cast %add3A_208 : vector<16xf32> to vector<16xf32>
      tpu.vector_store %arg12[%swap3A_212], %swap3A_215 {strides = array<i32>} : memref<8192xf32, #tpu.memory_space<vmem>>, vector<16xf32>,
      %mul3A_216 = arith.constant 8 : i32
      %mul3A_217 = arith.muli %scan3A_16, %mul3A_216 : i32
      %add3A_218 = arith.constant 4 : i32
      %add3A_219 = arith.addi %mul3A_217, %add3A_218 : i32
      %slice3A_220 = vector.extract_strided_slice %get3A_32 {offsets = [4], sizes = [1], strides = [1]} : vector<16xi32> to vector<1xi32>
      %squeeze3A_221 = vector.extract %slice3A_220[0] : i32 from vector<1xi32>
      %max3A_222 = arith.constant 0 : i32
      %max3A_223 = arith.maxsi %squeeze3A_221, %max3A_222 : i32
      %and3A_224 = arith.constant -16 : i32
      %and3A_225 = arith.andi %max3A_223, %and3A_224 : i32
      %multiple_of3A_226 = tpu.assume_multiple %and3A_225, 16 : i32
      %get3A_227 = arith.constant 4 : i32
      %get3A_228 = arith.index_cast %get3A_227 : i32 to index
      %get3A_229 = arith.index_cast %multiple_of3A_226 : i32 to index
      %get3A_230 = tpu.vector_load %arg8[%get3A_228, %get3A_229] {strides = array<i32>} : memref<8x8192xf32, #tpu.memory_space<vmem>>, vector<1x16xf32>,
      %get3A_231 = vector.shape_cast %get3A_230 : vector<1x16xf32> to vector<16xf32>
      %and3A_232 = arith.constant 15 : i32
      %and3A_233 = arith.andi %max3A_223, %and3A_232 : i32
      %eq3A_234 = vector.broadcast %and3A_233 : i32 to vector<16xi32>
      %eq3A_235 = arith.cmpi eq, %iota3A, %eq3A_234 : vector<16xi32>
      %jit3A_236 = arith.constant 0.000000e+00 : f32
      %broadcast_in_dim3A_237 = vector.broadcast %jit3A_236 : f32 to vector<16xf32>
      %select_n3A_238 = arith.select %eq3A_235, %get3A_231, %broadcast_in_dim3A_237 : vector<16xi1>, vector<16xf32>
      %mul3A_239 = arith.constant 16 : i32
      %mul3A_240 = arith.muli %add3A_219, %mul3A_239 : i32
      %multiple_of3A_241 = tpu.assume_multiple %mul3A_240, 16 : i32
      %swap3A_242 = arith.index_cast %multiple_of3A_241 : i32 to index
      %swap3A_243 = tpu.vector_load %arg11[%swap3A_242] {strides = array<i32>} : memref<8192xf32, #tpu.memory_space<vmem>>, vector<16xf32>,
      %swap3A_244 = vector.shape_cast %swap3A_243 : vector<16xf32> to vector<16xf32>
      %swap3A_245 = vector.shape_cast %select_n3A_238 : vector<16xf32> to vector<16xf32>
      tpu.vector_store %arg11[%swap3A_242], %swap3A_245 {strides = array<i32>} : memref<8192xf32, #tpu.memory_space<vmem>>, vector<16xf32>,
      %broadcast_in_dim3A_246 = arith.constant 0.000000e+00 : f32
      %broadcast_in_dim3A_247 = vector.broadcast %broadcast_in_dim3A_246 : f32 to vector<16xf32>
      %scan3A_248 = arith.constant 0 : i32
      %scan3A_249 = arith.constant 64 : i32
      %scan3A_250 = arith.addi %scan3A_248, %scan3A_249 : i32
      %scan3A_251 = arith.constant 1 : i32
      %scan3A_252:4 = scf.for %scan3A_417 = %scan3A_248 to %scan3A_250 step %scan3A_251 iter_args(%scan3A_418 = %broadcast_in_dim3A_247, %scan3A_419 = %broadcast_in_dim3A_247, %scan3A_420 = %broadcast_in_dim3A_247, %scan3A_421 = %broadcast_in_dim3A_247) -> (vector<16xf32>, vector<16xf32>, vector<16xf32>, vector<16xf32>)  : i32 {
        %mul3A_422 = arith.constant 8 : i32
        %mul3A_423 = arith.muli %scan3A_417, %mul3A_422 : i32
        %add3A_424 = arith.constant 0 : i32
        %add3A_425 = arith.addi %mul3A_423, %add3A_424 : i32
        %mul3A_426 = arith.constant 16 : i32
        %mul3A_427 = arith.muli %add3A_425, %mul3A_426 : i32
        %get3A_428 = arith.constant 4 : i32
        %get3A_429 = arith.index_cast %get3A_428 : i32 to index
        %get3A_430 = arith.index_cast %mul3A_427 : i32 to index
        %get3A_431 = tpu.vector_load %arg8[%get3A_429, %get3A_430] {strides = array<i32>} : memref<8x8192xf32, #tpu.memory_space<vmem>>, vector<1x16xf32>,
        %get3A_432 = vector.shape_cast %get3A_431 : vector<1x16xf32> to vector<16xf32>
        %exp3A = math.exp %get3A_432 : vector<16xf32>
        %add3A_433 = arith.addf %scan3A_418, %exp3A : vector<16xf32>
        %mul3A_434 = arith.constant 8 : i32
        %mul3A_435 = arith.muli %scan3A_417, %mul3A_434 : i32
        %add3A_436 = arith.constant 1 : i32
        %add3A_437 = arith.addi %mul3A_435, %add3A_436 : i32
        %mul3A_438 = arith.constant 16 : i32
        %mul3A_439 = arith.muli %add3A_437, %mul3A_438 : i32
        %get3A_440 = arith.constant 4 : i32
        %get3A_441 = arith.index_cast %get3A_440 : i32 to index
        %get3A_442 = arith.index_cast %mul3A_439 : i32 to index
        %get3A_443 = tpu.vector_load %arg8[%get3A_441, %get3A_442] {strides = array<i32>} : memref<8x8192xf32, #tpu.memory_space<vmem>>, vector<1x16xf32>,
        %get3A_444 = vector.shape_cast %get3A_443 : vector<1x16xf32> to vector<16xf32>
        %exp3A_445 = math.exp %get3A_444 : vector<16xf32>
        %add3A_446 = arith.addf %scan3A_419, %exp3A_445 : vector<16xf32>
        %mul3A_447 = arith.constant 8 : i32
        %mul3A_448 = arith.muli %scan3A_417, %mul3A_447 : i32
        %add3A_449 = arith.constant 2 : i32
        %add3A_450 = arith.addi %mul3A_448, %add3A_449 : i32
        %mul3A_451 = arith.constant 16 : i32
        %mul3A_452 = arith.muli %add3A_450, %mul3A_451 : i32
        %get3A_453 = arith.constant 4 : i32
        %get3A_454 = arith.index_cast %get3A_453 : i32 to index
        %get3A_455 = arith.index_cast %mul3A_452 : i32 to index
        %get3A_456 = tpu.vector_load %arg8[%get3A_454, %get3A_455] {strides = array<i32>} : memref<8x8192xf32, #tpu.memory_space<vmem>>, vector<1x16xf32>,
        %get3A_457 = vector.shape_cast %get3A_456 : vector<1x16xf32> to vector<16xf32>
        %exp3A_458 = math.exp %get3A_457 : vector<16xf32>
        %add3A_459 = arith.addf %scan3A_420, %exp3A_458 : vector<16xf32>
        %mul3A_460 = arith.constant 8 : i32
        %mul3A_461 = arith.muli %scan3A_417, %mul3A_460 : i32
        %add3A_462 = arith.constant 3 : i32
        %add3A_463 = arith.addi %mul3A_461, %add3A_462 : i32
        %mul3A_464 = arith.constant 16 : i32
        %mul3A_465 = arith.muli %add3A_463, %mul3A_464 : i32
        %get3A_466 = arith.constant 4 : i32
        %get3A_467 = arith.index_cast %get3A_466 : i32 to index
        %get3A_468 = arith.index_cast %mul3A_465 : i32 to index
        %get3A_469 = tpu.vector_load %arg8[%get3A_467, %get3A_468] {strides = array<i32>} : memref<8x8192xf32, #tpu.memory_space<vmem>>, vector<1x16xf32>,
        %get3A_470 = vector.shape_cast %get3A_469 : vector<1x16xf32> to vector<16xf32>
        %exp3A_471 = math.exp %get3A_470 : vector<16xf32>
        %add3A_472 = arith.addf %scan3A_421, %exp3A_471 : vector<16xf32>
        %mul3A_473 = arith.constant 8 : i32
        %mul3A_474 = arith.muli %scan3A_417, %mul3A_473 : i32
        %add3A_475 = arith.constant 4 : i32
        %add3A_476 = arith.addi %mul3A_474, %add3A_475 : i32
        %mul3A_477 = arith.constant 16 : i32
        %mul3A_478 = arith.muli %add3A_476, %mul3A_477 : i32
        %get3A_479 = arith.constant 4 : i32
        %get3A_480 = arith.index_cast %get3A_479 : i32 to index
        %get3A_481 = arith.index_cast %mul3A_478 : i32 to index
        %get3A_482 = tpu.vector_load %arg8[%get3A_480, %get3A_481] {strides = array<i32>} : memref<8x8192xf32, #tpu.memory_space<vmem>>, vector<1x16xf32>,
        %get3A_483 = vector.shape_cast %get3A_482 : vector<1x16xf32> to vector<16xf32>
        %exp3A_484 = math.exp %get3A_483 : vector<16xf32>
        %add3A_485 = arith.addf %add3A_433, %exp3A_484 : vector<16xf32>
        %mul3A_486 = arith.constant 8 : i32
        %mul3A_487 = arith.muli %scan3A_417, %mul3A_486 : i32
        %add3A_488 = arith.constant 5 : i32
        %add3A_489 = arith.addi %mul3A_487, %add3A_488 : i32
        %mul3A_490 = arith.constant 16 : i32
        %mul3A_491 = arith.muli %add3A_489, %mul3A_490 : i32
        %get3A_492 = arith.constant 4 : i32
        %get3A_493 = arith.index_cast %get3A_492 : i32 to index
        %get3A_494 = arith.index_cast %mul3A_491 : i32 to index
        %get3A_495 = tpu.vector_load %arg8[%get3A_493, %get3A_494] {strides = array<i32>} : memref<8x8192xf32, #tpu.memory_space<vmem>>, vector<1x16xf32>,
        %get3A_496 = vector.shape_cast %get3A_495 : vector<1x16xf32> to vector<16xf32>
        %exp3A_497 = math.exp %get3A_496 : vector<16xf32>
        %add3A_498 = arith.addf %add3A_446, %exp3A_497 : vector<16xf32>
        %mul3A_499 = arith.constant 8 : i32
        %mul3A_500 = arith.muli %scan3A_417, %mul3A_499 : i32
        %add3A_501 = arith.constant 6 : i32
        %add3A_502 = arith.addi %mul3A_500, %add3A_501 : i32
        %mul3A_503 = arith.constant 16 : i32
        %mul3A_504 = arith.muli %add3A_502, %mul3A_503 : i32
        %get3A_505 = arith.constant 4 : i32
        %get3A_506 = arith.index_cast %get3A_505 : i32 to index
        %get3A_507 = arith.index_cast %mul3A_504 : i32 to index
        %get3A_508 = tpu.vector_load %arg8[%get3A_506, %get3A_507] {strides = array<i32>} : memref<8x8192xf32, #tpu.memory_space<vmem>>, vector<1x16xf32>,
        %get3A_509 = vector.shape_cast %get3A_508 : vector<1x16xf32> to vector<16xf32>
        %exp3A_510 = math.exp %get3A_509 : vector<16xf32>
        %add3A_511 = arith.addf %add3A_459, %exp3A_510 : vector<16xf32>
        %mul3A_512 = arith.constant 8 : i32
        %mul3A_513 = arith.muli %scan3A_417, %mul3A_512 : i32
        %add3A_514 = arith.constant 7 : i32
        %add3A_515 = arith.addi %mul3A_513, %add3A_514 : i32
        %mul3A_516 = arith.constant 16 : i32
        %mul3A_517 = arith.muli %add3A_515, %mul3A_516 : i32
        %get3A_518 = arith.constant 4 : i32
        %get3A_519 = arith.index_cast %get3A_518 : i32 to index
        %get3A_520 = arith.index_cast %mul3A_517 : i32 to index
        %get3A_521 = tpu.vector_load %arg8[%get3A_519, %get3A_520] {strides = array<i32>} : memref<8x8192xf32, #tpu.memory_space<vmem>>, vector<1x16xf32>,
        %get3A_522 = vector.shape_cast %get3A_521 : vector<1x16xf32> to vector<16xf32>
        %exp3A_523 = math.exp %get3A_522 : vector<16xf32>
        %add3A_524 = arith.addf %add3A_472, %exp3A_523 : vector<16xf32>
        scf.yield %add3A_485, %add3A_498, %add3A_511, %add3A_524 : vector<16xf32>, vector<16xf32>, vector<16xf32>, vector<16xf32>
      }
      %scan3A_253 = arith.constant 64 : i32
      %add3A_254 = arith.addf %scan3A_252#0, %scan3A_252#1 : vector<16xf32>
      %add3A_255 = arith.addf %scan3A_252#2, %scan3A_252#3 : vector<16xf32>
      %add3A_256 = arith.addf %add3A_254, %add3A_255 : vector<16xf32>
      %mul3A_257 = arith.constant 16 : i32
      %mul3A_258 = arith.muli %add3A_219, %mul3A_257 : i32
      %multiple_of3A_259 = tpu.assume_multiple %mul3A_258, 16 : i32
      %swap3A_260 = arith.index_cast %multiple_of3A_259 : i32 to index
      %swap3A_261 = tpu.vector_load %arg12[%swap3A_260] {strides = array<i32>} : memref<8192xf32, #tpu.memory_space<vmem>>, vector<16xf32>,
      %swap3A_262 = vector.shape_cast %swap3A_261 : vector<16xf32> to vector<16xf32>
      %swap3A_263 = vector.shape_cast %add3A_256 : vector<16xf32> to vector<16xf32>
      tpu.vector_store %arg12[%swap3A_260], %swap3A_263 {strides = array<i32>} : memref<8192xf32, #tpu.memory_space<vmem>>, vector<16xf32>,
      %mul3A_264 = arith.constant 8 : i32
      %mul3A_265 = arith.muli %scan3A_16, %mul3A_264 : i32
      %add3A_266 = arith.constant 5 : i32
      %add3A_267 = arith.addi %mul3A_265, %add3A_266 : i32
      %slice3A_268 = vector.extract_strided_slice %get3A_32 {offsets = [5], sizes = [1], strides = [1]} : vector<16xi32> to vector<1xi32>
      %squeeze3A_269 = vector.extract %slice3A_268[0] : i32 from vector<1xi32>
      %max3A_270 = arith.constant 0 : i32
      %max3A_271 = arith.maxsi %squeeze3A_269, %max3A_270 : i32
      %and3A_272 = arith.constant -16 : i32
      %and3A_273 = arith.andi %max3A_271, %and3A_272 : i32
      %multiple_of3A_274 = tpu.assume_multiple %and3A_273, 16 : i32
      %get3A_275 = arith.constant 5 : i32
      %get3A_276 = arith.index_cast %get3A_275 : i32 to index
      %get3A_277 = arith.index_cast %multiple_of3A_274 : i32 to index
      %get3A_278 = tpu.vector_load %arg8[%get3A_276, %get3A_277] {strides = array<i32>} : memref<8x8192xf32, #tpu.memory_space<vmem>>, vector<1x16xf32>,
      %get3A_279 = vector.shape_cast %get3A_278 : vector<1x16xf32> to vector<16xf32>
      %and3A_280 = arith.constant 15 : i32
      %and3A_281 = arith.andi %max3A_271, %and3A_280 : i32
      %eq3A_282 = vector.broadcast %and3A_281 : i32 to vector<16xi32>
      %eq3A_283 = arith.cmpi eq, %iota3A, %eq3A_282 : vector<16xi32>
      %jit3A_284 = arith.constant 0.000000e+00 : f32
      %broadcast_in_dim3A_285 = vector.broadcast %jit3A_284 : f32 to vector<16xf32>
      %select_n3A_286 = arith.select %eq3A_283, %get3A_279, %broadcast_in_dim3A_285 : vector<16xi1>, vector<16xf32>
      %mul3A_287 = arith.constant 16 : i32
      %mul3A_288 = arith.muli %add3A_267, %mul3A_287 : i32
      %multiple_of3A_289 = tpu.assume_multiple %mul3A_288, 16 : i32
      %swap3A_290 = arith.index_cast %multiple_of3A_289 : i32 to index
      %swap3A_291 = tpu.vector_load %arg11[%swap3A_290] {strides = array<i32>} : memref<8192xf32, #tpu.memory_space<vmem>>, vector<16xf32>,
      %swap3A_292 = vector.shape_cast %swap3A_291 : vector<16xf32> to vector<16xf32>
      %swap3A_293 = vector.shape_cast %select_n3A_286 : vector<16xf32> to vector<16xf32>
      tpu.vector_store %arg11[%swap3A_290], %swap3A_293 {strides = array<i32>} : memref<8192xf32, #tpu.memory_space<vmem>>, vector<16xf32>,
      %broadcast_in_dim3A_294 = arith.constant 0.000000e+00 : f32
      %broadcast_in_dim3A_295 = vector.broadcast %broadcast_in_dim3A_294 : f32 to vector<16xf32>
      %scan3A_296 = arith.constant 0 : i32
      %scan3A_297 = arith.constant 64 : i32
      %scan3A_298 = arith.addi %scan3A_296, %scan3A_297 : i32
      %scan3A_299 = arith.constant 1 : i32
      %scan3A_300:4 = scf.for %scan3A_417 = %scan3A_296 to %scan3A_298 step %scan3A_299 iter_args(%scan3A_418 = %broadcast_in_dim3A_295, %scan3A_419 = %broadcast_in_dim3A_295, %scan3A_420 = %broadcast_in_dim3A_295, %scan3A_421 = %broadcast_in_dim3A_295) -> (vector<16xf32>, vector<16xf32>, vector<16xf32>, vector<16xf32>)  : i32 {
        %mul3A_422 = arith.constant 8 : i32
        %mul3A_423 = arith.muli %scan3A_417, %mul3A_422 : i32
        %add3A_424 = arith.constant 0 : i32
        %add3A_425 = arith.addi %mul3A_423, %add3A_424 : i32
        %mul3A_426 = arith.constant 16 : i32
        %mul3A_427 = arith.muli %add3A_425, %mul3A_426 : i32
        %get3A_428 = arith.constant 5 : i32
        %get3A_429 = arith.index_cast %get3A_428 : i32 to index
        %get3A_430 = arith.index_cast %mul3A_427 : i32 to index
        %get3A_431 = tpu.vector_load %arg8[%get3A_429, %get3A_430] {strides = array<i32>} : memref<8x8192xf32, #tpu.memory_space<vmem>>, vector<1x16xf32>,
        %get3A_432 = vector.shape_cast %get3A_431 : vector<1x16xf32> to vector<16xf32>
        %exp3A = math.exp %get3A_432 : vector<16xf32>
        %add3A_433 = arith.addf %scan3A_418, %exp3A : vector<16xf32>
        %mul3A_434 = arith.constant 8 : i32
        %mul3A_435 = arith.muli %scan3A_417, %mul3A_434 : i32
        %add3A_436 = arith.constant 1 : i32
        %add3A_437 = arith.addi %mul3A_435, %add3A_436 : i32
        %mul3A_438 = arith.constant 16 : i32
        %mul3A_439 = arith.muli %add3A_437, %mul3A_438 : i32
        %get3A_440 = arith.constant 5 : i32
        %get3A_441 = arith.index_cast %get3A_440 : i32 to index
        %get3A_442 = arith.index_cast %mul3A_439 : i32 to index
        %get3A_443 = tpu.vector_load %arg8[%get3A_441, %get3A_442] {strides = array<i32>} : memref<8x8192xf32, #tpu.memory_space<vmem>>, vector<1x16xf32>,
        %get3A_444 = vector.shape_cast %get3A_443 : vector<1x16xf32> to vector<16xf32>
        %exp3A_445 = math.exp %get3A_444 : vector<16xf32>
        %add3A_446 = arith.addf %scan3A_419, %exp3A_445 : vector<16xf32>
        %mul3A_447 = arith.constant 8 : i32
        %mul3A_448 = arith.muli %scan3A_417, %mul3A_447 : i32
        %add3A_449 = arith.constant 2 : i32
        %add3A_450 = arith.addi %mul3A_448, %add3A_449 : i32
        %mul3A_451 = arith.constant 16 : i32
        %mul3A_452 = arith.muli %add3A_450, %mul3A_451 : i32
        %get3A_453 = arith.constant 5 : i32
        %get3A_454 = arith.index_cast %get3A_453 : i32 to index
        %get3A_455 = arith.index_cast %mul3A_452 : i32 to index
        %get3A_456 = tpu.vector_load %arg8[%get3A_454, %get3A_455] {strides = array<i32>} : memref<8x8192xf32, #tpu.memory_space<vmem>>, vector<1x16xf32>,
        %get3A_457 = vector.shape_cast %get3A_456 : vector<1x16xf32> to vector<16xf32>
        %exp3A_458 = math.exp %get3A_457 : vector<16xf32>
        %add3A_459 = arith.addf %scan3A_420, %exp3A_458 : vector<16xf32>
        %mul3A_460 = arith.constant 8 : i32
        %mul3A_461 = arith.muli %scan3A_417, %mul3A_460 : i32
        %add3A_462 = arith.constant 3 : i32
        %add3A_463 = arith.addi %mul3A_461, %add3A_462 : i32
        %mul3A_464 = arith.constant 16 : i32
        %mul3A_465 = arith.muli %add3A_463, %mul3A_464 : i32
        %get3A_466 = arith.constant 5 : i32
        %get3A_467 = arith.index_cast %get3A_466 : i32 to index
        %get3A_468 = arith.index_cast %mul3A_465 : i32 to index
        %get3A_469 = tpu.vector_load %arg8[%get3A_467, %get3A_468] {strides = array<i32>} : memref<8x8192xf32, #tpu.memory_space<vmem>>, vector<1x16xf32>,
        %get3A_470 = vector.shape_cast %get3A_469 : vector<1x16xf32> to vector<16xf32>
        %exp3A_471 = math.exp %get3A_470 : vector<16xf32>
        %add3A_472 = arith.addf %scan3A_421, %exp3A_471 : vector<16xf32>
        %mul3A_473 = arith.constant 8 : i32
        %mul3A_474 = arith.muli %scan3A_417, %mul3A_473 : i32
        %add3A_475 = arith.constant 4 : i32
        %add3A_476 = arith.addi %mul3A_474, %add3A_475 : i32
        %mul3A_477 = arith.constant 16 : i32
        %mul3A_478 = arith.muli %add3A_476, %mul3A_477 : i32
        %get3A_479 = arith.constant 5 : i32
        %get3A_480 = arith.index_cast %get3A_479 : i32 to index
        %get3A_481 = arith.index_cast %mul3A_478 : i32 to index
        %get3A_482 = tpu.vector_load %arg8[%get3A_480, %get3A_481] {strides = array<i32>} : memref<8x8192xf32, #tpu.memory_space<vmem>>, vector<1x16xf32>,
        %get3A_483 = vector.shape_cast %get3A_482 : vector<1x16xf32> to vector<16xf32>
        %exp3A_484 = math.exp %get3A_483 : vector<16xf32>
        %add3A_485 = arith.addf %add3A_433, %exp3A_484 : vector<16xf32>
        %mul3A_486 = arith.constant 8 : i32
        %mul3A_487 = arith.muli %scan3A_417, %mul3A_486 : i32
        %add3A_488 = arith.constant 5 : i32
        %add3A_489 = arith.addi %mul3A_487, %add3A_488 : i32
        %mul3A_490 = arith.constant 16 : i32
        %mul3A_491 = arith.muli %add3A_489, %mul3A_490 : i32
        %get3A_492 = arith.constant 5 : i32
        %get3A_493 = arith.index_cast %get3A_492 : i32 to index
        %get3A_494 = arith.index_cast %mul3A_491 : i32 to index
        %get3A_495 = tpu.vector_load %arg8[%get3A_493, %get3A_494] {strides = array<i32>} : memref<8x8192xf32, #tpu.memory_space<vmem>>, vector<1x16xf32>,
        %get3A_496 = vector.shape_cast %get3A_495 : vector<1x16xf32> to vector<16xf32>
        %exp3A_497 = math.exp %get3A_496 : vector<16xf32>
        %add3A_498 = arith.addf %add3A_446, %exp3A_497 : vector<16xf32>
        %mul3A_499 = arith.constant 8 : i32
        %mul3A_500 = arith.muli %scan3A_417, %mul3A_499 : i32
        %add3A_501 = arith.constant 6 : i32
        %add3A_502 = arith.addi %mul3A_500, %add3A_501 : i32
        %mul3A_503 = arith.constant 16 : i32
        %mul3A_504 = arith.muli %add3A_502, %mul3A_503 : i32
        %get3A_505 = arith.constant 5 : i32
        %get3A_506 = arith.index_cast %get3A_505 : i32 to index
        %get3A_507 = arith.index_cast %mul3A_504 : i32 to index
        %get3A_508 = tpu.vector_load %arg8[%get3A_506, %get3A_507] {strides = array<i32>} : memref<8x8192xf32, #tpu.memory_space<vmem>>, vector<1x16xf32>,
        %get3A_509 = vector.shape_cast %get3A_508 : vector<1x16xf32> to vector<16xf32>
        %exp3A_510 = math.exp %get3A_509 : vector<16xf32>
        %add3A_511 = arith.addf %add3A_459, %exp3A_510 : vector<16xf32>
        %mul3A_512 = arith.constant 8 : i32
        %mul3A_513 = arith.muli %scan3A_417, %mul3A_512 : i32
        %add3A_514 = arith.constant 7 : i32
        %add3A_515 = arith.addi %mul3A_513, %add3A_514 : i32
        %mul3A_516 = arith.constant 16 : i32
        %mul3A_517 = arith.muli %add3A_515, %mul3A_516 : i32
        %get3A_518 = arith.constant 5 : i32
        %get3A_519 = arith.index_cast %get3A_518 : i32 to index
        %get3A_520 = arith.index_cast %mul3A_517 : i32 to index
        %get3A_521 = tpu.vector_load %arg8[%get3A_519, %get3A_520] {strides = array<i32>} : memref<8x8192xf32, #tpu.memory_space<vmem>>, vector<1x16xf32>,
        %get3A_522 = vector.shape_cast %get3A_521 : vector<1x16xf32> to vector<16xf32>
        %exp3A_523 = math.exp %get3A_522 : vector<16xf32>
        %add3A_524 = arith.addf %add3A_472, %exp3A_523 : vector<16xf32>
        scf.yield %add3A_485, %add3A_498, %add3A_511, %add3A_524 : vector<16xf32>, vector<16xf32>, vector<16xf32>, vector<16xf32>
      }
      %scan3A_301 = arith.constant 64 : i32
      %add3A_302 = arith.addf %scan3A_300#0, %scan3A_300#1 : vector<16xf32>
      %add3A_303 = arith.addf %scan3A_300#2, %scan3A_300#3 : vector<16xf32>
      %add3A_304 = arith.addf %add3A_302, %add3A_303 : vector<16xf32>
      %mul3A_305 = arith.constant 16 : i32
      %mul3A_306 = arith.muli %add3A_267, %mul3A_305 : i32
      %multiple_of3A_307 = tpu.assume_multiple %mul3A_306, 16 : i32
      %swap3A_308 = arith.index_cast %multiple_of3A_307 : i32 to index
      %swap3A_309 = tpu.vector_load %arg12[%swap3A_308] {strides = array<i32>} : memref<8192xf32, #tpu.memory_space<vmem>>, vector<16xf32>,
      %swap3A_310 = vector.shape_cast %swap3A_309 : vector<16xf32> to vector<16xf32>
      %swap3A_311 = vector.shape_cast %add3A_304 : vector<16xf32> to vector<16xf32>
      tpu.vector_store %arg12[%swap3A_308], %swap3A_311 {strides = array<i32>} : memref<8192xf32, #tpu.memory_space<vmem>>, vector<16xf32>,
      %mul3A_312 = arith.constant 8 : i32
      %mul3A_313 = arith.muli %scan3A_16, %mul3A_312 : i32
      %add3A_314 = arith.constant 6 : i32
      %add3A_315 = arith.addi %mul3A_313, %add3A_314 : i32
      %slice3A_316 = vector.extract_strided_slice %get3A_32 {offsets = [6], sizes = [1], strides = [1]} : vector<16xi32> to vector<1xi32>
      %squeeze3A_317 = vector.extract %slice3A_316[0] : i32 from vector<1xi32>
      %max3A_318 = arith.constant 0 : i32
      %max3A_319 = arith.maxsi %squeeze3A_317, %max3A_318 : i32
      %and3A_320 = arith.constant -16 : i32
      %and3A_321 = arith.andi %max3A_319, %and3A_320 : i32
      %multiple_of3A_322 = tpu.assume_multiple %and3A_321, 16 : i32
      %get3A_323 = arith.constant 6 : i32
      %get3A_324 = arith.index_cast %get3A_323 : i32 to index
      %get3A_325 = arith.index_cast %multiple_of3A_322 : i32 to index
      %get3A_326 = tpu.vector_load %arg8[%get3A_324, %get3A_325] {strides = array<i32>} : memref<8x8192xf32, #tpu.memory_space<vmem>>, vector<1x16xf32>,
      %get3A_327 = vector.shape_cast %get3A_326 : vector<1x16xf32> to vector<16xf32>
      %and3A_328 = arith.constant 15 : i32
      %and3A_329 = arith.andi %max3A_319, %and3A_328 : i32
      %eq3A_330 = vector.broadcast %and3A_329 : i32 to vector<16xi32>
      %eq3A_331 = arith.cmpi eq, %iota3A, %eq3A_330 : vector<16xi32>
      %jit3A_332 = arith.constant 0.000000e+00 : f32
      %broadcast_in_dim3A_333 = vector.broadcast %jit3A_332 : f32 to vector<16xf32>
      %select_n3A_334 = arith.select %eq3A_331, %get3A_327, %broadcast_in_dim3A_333 : vector<16xi1>, vector<16xf32>
      %mul3A_335 = arith.constant 16 : i32
      %mul3A_336 = arith.muli %add3A_315, %mul3A_335 : i32
      %multiple_of3A_337 = tpu.assume_multiple %mul3A_336, 16 : i32
      %swap3A_338 = arith.index_cast %multiple_of3A_337 : i32 to index
      %swap3A_339 = tpu.vector_load %arg11[%swap3A_338] {strides = array<i32>} : memref<8192xf32, #tpu.memory_space<vmem>>, vector<16xf32>,
      %swap3A_340 = vector.shape_cast %swap3A_339 : vector<16xf32> to vector<16xf32>
      %swap3A_341 = vector.shape_cast %select_n3A_334 : vector<16xf32> to vector<16xf32>
      tpu.vector_store %arg11[%swap3A_338], %swap3A_341 {strides = array<i32>} : memref<8192xf32, #tpu.memory_space<vmem>>, vector<16xf32>,
      %broadcast_in_dim3A_342 = arith.constant 0.000000e+00 : f32
      %broadcast_in_dim3A_343 = vector.broadcast %broadcast_in_dim3A_342 : f32 to vector<16xf32>
      %scan3A_344 = arith.constant 0 : i32
      %scan3A_345 = arith.constant 64 : i32
      %scan3A_346 = arith.addi %scan3A_344, %scan3A_345 : i32
      %scan3A_347 = arith.constant 1 : i32
      %scan3A_348:4 = scf.for %scan3A_417 = %scan3A_344 to %scan3A_346 step %scan3A_347 iter_args(%scan3A_418 = %broadcast_in_dim3A_343, %scan3A_419 = %broadcast_in_dim3A_343, %scan3A_420 = %broadcast_in_dim3A_343, %scan3A_421 = %broadcast_in_dim3A_343) -> (vector<16xf32>, vector<16xf32>, vector<16xf32>, vector<16xf32>)  : i32 {
        %mul3A_422 = arith.constant 8 : i32
        %mul3A_423 = arith.muli %scan3A_417, %mul3A_422 : i32
        %add3A_424 = arith.constant 0 : i32
        %add3A_425 = arith.addi %mul3A_423, %add3A_424 : i32
        %mul3A_426 = arith.constant 16 : i32
        %mul3A_427 = arith.muli %add3A_425, %mul3A_426 : i32
        %get3A_428 = arith.constant 6 : i32
        %get3A_429 = arith.index_cast %get3A_428 : i32 to index
        %get3A_430 = arith.index_cast %mul3A_427 : i32 to index
        %get3A_431 = tpu.vector_load %arg8[%get3A_429, %get3A_430] {strides = array<i32>} : memref<8x8192xf32, #tpu.memory_space<vmem>>, vector<1x16xf32>,
        %get3A_432 = vector.shape_cast %get3A_431 : vector<1x16xf32> to vector<16xf32>
        %exp3A = math.exp %get3A_432 : vector<16xf32>
        %add3A_433 = arith.addf %scan3A_418, %exp3A : vector<16xf32>
        %mul3A_434 = arith.constant 8 : i32
        %mul3A_435 = arith.muli %scan3A_417, %mul3A_434 : i32
        %add3A_436 = arith.constant 1 : i32
        %add3A_437 = arith.addi %mul3A_435, %add3A_436 : i32
        %mul3A_438 = arith.constant 16 : i32
        %mul3A_439 = arith.muli %add3A_437, %mul3A_438 : i32
        %get3A_440 = arith.constant 6 : i32
        %get3A_441 = arith.index_cast %get3A_440 : i32 to index
        %get3A_442 = arith.index_cast %mul3A_439 : i32 to index
        %get3A_443 = tpu.vector_load %arg8[%get3A_441, %get3A_442] {strides = array<i32>} : memref<8x8192xf32, #tpu.memory_space<vmem>>, vector<1x16xf32>,
        %get3A_444 = vector.shape_cast %get3A_443 : vector<1x16xf32> to vector<16xf32>
        %exp3A_445 = math.exp %get3A_444 : vector<16xf32>
        %add3A_446 = arith.addf %scan3A_419, %exp3A_445 : vector<16xf32>
        %mul3A_447 = arith.constant 8 : i32
        %mul3A_448 = arith.muli %scan3A_417, %mul3A_447 : i32
        %add3A_449 = arith.constant 2 : i32
        %add3A_450 = arith.addi %mul3A_448, %add3A_449 : i32
        %mul3A_451 = arith.constant 16 : i32
        %mul3A_452 = arith.muli %add3A_450, %mul3A_451 : i32
        %get3A_453 = arith.constant 6 : i32
        %get3A_454 = arith.index_cast %get3A_453 : i32 to index
        %get3A_455 = arith.index_cast %mul3A_452 : i32 to index
        %get3A_456 = tpu.vector_load %arg8[%get3A_454, %get3A_455] {strides = array<i32>} : memref<8x8192xf32, #tpu.memory_space<vmem>>, vector<1x16xf32>,
        %get3A_457 = vector.shape_cast %get3A_456 : vector<1x16xf32> to vector<16xf32>
        %exp3A_458 = math.exp %get3A_457 : vector<16xf32>
        %add3A_459 = arith.addf %scan3A_420, %exp3A_458 : vector<16xf32>
        %mul3A_460 = arith.constant 8 : i32
        %mul3A_461 = arith.muli %scan3A_417, %mul3A_460 : i32
        %add3A_462 = arith.constant 3 : i32
        %add3A_463 = arith.addi %mul3A_461, %add3A_462 : i32
        %mul3A_464 = arith.constant 16 : i32
        %mul3A_465 = arith.muli %add3A_463, %mul3A_464 : i32
        %get3A_466 = arith.constant 6 : i32
        %get3A_467 = arith.index_cast %get3A_466 : i32 to index
        %get3A_468 = arith.index_cast %mul3A_465 : i32 to index
        %get3A_469 = tpu.vector_load %arg8[%get3A_467, %get3A_468] {strides = array<i32>} : memref<8x8192xf32, #tpu.memory_space<vmem>>, vector<1x16xf32>,
        %get3A_470 = vector.shape_cast %get3A_469 : vector<1x16xf32> to vector<16xf32>
        %exp3A_471 = math.exp %get3A_470 : vector<16xf32>
        %add3A_472 = arith.addf %scan3A_421, %exp3A_471 : vector<16xf32>
        %mul3A_473 = arith.constant 8 : i32
        %mul3A_474 = arith.muli %scan3A_417, %mul3A_473 : i32
        %add3A_475 = arith.constant 4 : i32
        %add3A_476 = arith.addi %mul3A_474, %add3A_475 : i32
        %mul3A_477 = arith.constant 16 : i32
        %mul3A_478 = arith.muli %add3A_476, %mul3A_477 : i32
        %get3A_479 = arith.constant 6 : i32
        %get3A_480 = arith.index_cast %get3A_479 : i32 to index
        %get3A_481 = arith.index_cast %mul3A_478 : i32 to index
        %get3A_482 = tpu.vector_load %arg8[%get3A_480, %get3A_481] {strides = array<i32>} : memref<8x8192xf32, #tpu.memory_space<vmem>>, vector<1x16xf32>,
        %get3A_483 = vector.shape_cast %get3A_482 : vector<1x16xf32> to vector<16xf32>
        %exp3A_484 = math.exp %get3A_483 : vector<16xf32>
        %add3A_485 = arith.addf %add3A_433, %exp3A_484 : vector<16xf32>
        %mul3A_486 = arith.constant 8 : i32
        %mul3A_487 = arith.muli %scan3A_417, %mul3A_486 : i32
        %add3A_488 = arith.constant 5 : i32
        %add3A_489 = arith.addi %mul3A_487, %add3A_488 : i32
        %mul3A_490 = arith.constant 16 : i32
        %mul3A_491 = arith.muli %add3A_489, %mul3A_490 : i32
        %get3A_492 = arith.constant 6 : i32
        %get3A_493 = arith.index_cast %get3A_492 : i32 to index
        %get3A_494 = arith.index_cast %mul3A_491 : i32 to index
        %get3A_495 = tpu.vector_load %arg8[%get3A_493, %get3A_494] {strides = array<i32>} : memref<8x8192xf32, #tpu.memory_space<vmem>>, vector<1x16xf32>,
        %get3A_496 = vector.shape_cast %get3A_495 : vector<1x16xf32> to vector<16xf32>
        %exp3A_497 = math.exp %get3A_496 : vector<16xf32>
        %add3A_498 = arith.addf %add3A_446, %exp3A_497 : vector<16xf32>
        %mul3A_499 = arith.constant 8 : i32
        %mul3A_500 = arith.muli %scan3A_417, %mul3A_499 : i32
        %add3A_501 = arith.constant 6 : i32
        %add3A_502 = arith.addi %mul3A_500, %add3A_501 : i32
        %mul3A_503 = arith.constant 16 : i32
        %mul3A_504 = arith.muli %add3A_502, %mul3A_503 : i32
        %get3A_505 = arith.constant 6 : i32
        %get3A_506 = arith.index_cast %get3A_505 : i32 to index
        %get3A_507 = arith.index_cast %mul3A_504 : i32 to index
        %get3A_508 = tpu.vector_load %arg8[%get3A_506, %get3A_507] {strides = array<i32>} : memref<8x8192xf32, #tpu.memory_space<vmem>>, vector<1x16xf32>,
        %get3A_509 = vector.shape_cast %get3A_508 : vector<1x16xf32> to vector<16xf32>
        %exp3A_510 = math.exp %get3A_509 : vector<16xf32>
        %add3A_511 = arith.addf %add3A_459, %exp3A_510 : vector<16xf32>
        %mul3A_512 = arith.constant 8 : i32
        %mul3A_513 = arith.muli %scan3A_417, %mul3A_512 : i32
        %add3A_514 = arith.constant 7 : i32
        %add3A_515 = arith.addi %mul3A_513, %add3A_514 : i32
        %mul3A_516 = arith.constant 16 : i32
        %mul3A_517 = arith.muli %add3A_515, %mul3A_516 : i32
        %get3A_518 = arith.constant 6 : i32
        %get3A_519 = arith.index_cast %get3A_518 : i32 to index
        %get3A_520 = arith.index_cast %mul3A_517 : i32 to index
        %get3A_521 = tpu.vector_load %arg8[%get3A_519, %get3A_520] {strides = array<i32>} : memref<8x8192xf32, #tpu.memory_space<vmem>>, vector<1x16xf32>,
        %get3A_522 = vector.shape_cast %get3A_521 : vector<1x16xf32> to vector<16xf32>
        %exp3A_523 = math.exp %get3A_522 : vector<16xf32>
        %add3A_524 = arith.addf %add3A_472, %exp3A_523 : vector<16xf32>
        scf.yield %add3A_485, %add3A_498, %add3A_511, %add3A_524 : vector<16xf32>, vector<16xf32>, vector<16xf32>, vector<16xf32>
      }
      %scan3A_349 = arith.constant 64 : i32
      %add3A_350 = arith.addf %scan3A_348#0, %scan3A_348#1 : vector<16xf32>
      %add3A_351 = arith.addf %scan3A_348#2, %scan3A_348#3 : vector<16xf32>
      %add3A_352 = arith.addf %add3A_350, %add3A_351 : vector<16xf32>
      %mul3A_353 = arith.constant 16 : i32
      %mul3A_354 = arith.muli %add3A_315, %mul3A_353 : i32
      %multiple_of3A_355 = tpu.assume_multiple %mul3A_354, 16 : i32
      %swap3A_356 = arith.index_cast %multiple_of3A_355 : i32 to index
      %swap3A_357 = tpu.vector_load %arg12[%swap3A_356] {strides = array<i32>} : memref<8192xf32, #tpu.memory_space<vmem>>, vector<16xf32>,
      %swap3A_358 = vector.shape_cast %swap3A_357 : vector<16xf32> to vector<16xf32>
      %swap3A_359 = vector.shape_cast %add3A_352 : vector<16xf32> to vector<16xf32>
      tpu.vector_store %arg12[%swap3A_356], %swap3A_359 {strides = array<i32>} : memref<8192xf32, #tpu.memory_space<vmem>>, vector<16xf32>,
      %mul3A_360 = arith.constant 8 : i32
      %mul3A_361 = arith.muli %scan3A_16, %mul3A_360 : i32
      %add3A_362 = arith.constant 7 : i32
      %add3A_363 = arith.addi %mul3A_361, %add3A_362 : i32
      %slice3A_364 = vector.extract_strided_slice %get3A_32 {offsets = [7], sizes = [1], strides = [1]} : vector<16xi32> to vector<1xi32>
      %squeeze3A_365 = vector.extract %slice3A_364[0] : i32 from vector<1xi32>
      %max3A_366 = arith.constant 0 : i32
      %max3A_367 = arith.maxsi %squeeze3A_365, %max3A_366 : i32
      %and3A_368 = arith.constant -16 : i32
      %and3A_369 = arith.andi %max3A_367, %and3A_368 : i32
      %multiple_of3A_370 = tpu.assume_multiple %and3A_369, 16 : i32
      %get3A_371 = arith.constant 7 : i32
      %get3A_372 = arith.index_cast %get3A_371 : i32 to index
      %get3A_373 = arith.index_cast %multiple_of3A_370 : i32 to index
      %get3A_374 = tpu.vector_load %arg8[%get3A_372, %get3A_373] {strides = array<i32>} : memref<8x8192xf32, #tpu.memory_space<vmem>>, vector<1x16xf32>,
      %get3A_375 = vector.shape_cast %get3A_374 : vector<1x16xf32> to vector<16xf32>
      %and3A_376 = arith.constant 15 : i32
      %and3A_377 = arith.andi %max3A_367, %and3A_376 : i32
      %eq3A_378 = vector.broadcast %and3A_377 : i32 to vector<16xi32>
      %eq3A_379 = arith.cmpi eq, %iota3A, %eq3A_378 : vector<16xi32>
      %jit3A_380 = arith.constant 0.000000e+00 : f32
      %broadcast_in_dim3A_381 = vector.broadcast %jit3A_380 : f32 to vector<16xf32>
      %select_n3A_382 = arith.select %eq3A_379, %get3A_375, %broadcast_in_dim3A_381 : vector<16xi1>, vector<16xf32>
      %mul3A_383 = arith.constant 16 : i32
      %mul3A_384 = arith.muli %add3A_363, %mul3A_383 : i32
      %multiple_of3A_385 = tpu.assume_multiple %mul3A_384, 16 : i32
      %swap3A_386 = arith.index_cast %multiple_of3A_385 : i32 to index
      %swap3A_387 = tpu.vector_load %arg11[%swap3A_386] {strides = array<i32>} : memref<8192xf32, #tpu.memory_space<vmem>>, vector<16xf32>,
      %swap3A_388 = vector.shape_cast %swap3A_387 : vector<16xf32> to vector<16xf32>
      %swap3A_389 = vector.shape_cast %select_n3A_382 : vector<16xf32> to vector<16xf32>
      tpu.vector_store %arg11[%swap3A_386], %swap3A_389 {strides = array<i32>} : memref<8192xf32, #tpu.memory_space<vmem>>, vector<16xf32>,
      %broadcast_in_dim3A_390 = arith.constant 0.000000e+00 : f32
      %broadcast_in_dim3A_391 = vector.broadcast %broadcast_in_dim3A_390 : f32 to vector<16xf32>
      %scan3A_392 = arith.constant 0 : i32
      %scan3A_393 = arith.constant 64 : i32
      %scan3A_394 = arith.addi %scan3A_392, %scan3A_393 : i32
      %scan3A_395 = arith.constant 1 : i32
      %scan3A_396:4 = scf.for %scan3A_417 = %scan3A_392 to %scan3A_394 step %scan3A_395 iter_args(%scan3A_418 = %broadcast_in_dim3A_391, %scan3A_419 = %broadcast_in_dim3A_391, %scan3A_420 = %broadcast_in_dim3A_391, %scan3A_421 = %broadcast_in_dim3A_391) -> (vector<16xf32>, vector<16xf32>, vector<16xf32>, vector<16xf32>)  : i32 {
        %mul3A_422 = arith.constant 8 : i32
        %mul3A_423 = arith.muli %scan3A_417, %mul3A_422 : i32
        %add3A_424 = arith.constant 0 : i32
        %add3A_425 = arith.addi %mul3A_423, %add3A_424 : i32
        %mul3A_426 = arith.constant 16 : i32
        %mul3A_427 = arith.muli %add3A_425, %mul3A_426 : i32
        %get3A_428 = arith.constant 7 : i32
        %get3A_429 = arith.index_cast %get3A_428 : i32 to index
        %get3A_430 = arith.index_cast %mul3A_427 : i32 to index
        %get3A_431 = tpu.vector_load %arg8[%get3A_429, %get3A_430] {strides = array<i32>} : memref<8x8192xf32, #tpu.memory_space<vmem>>, vector<1x16xf32>,
        %get3A_432 = vector.shape_cast %get3A_431 : vector<1x16xf32> to vector<16xf32>
        %exp3A = math.exp %get3A_432 : vector<16xf32>
        %add3A_433 = arith.addf %scan3A_418, %exp3A : vector<16xf32>
        %mul3A_434 = arith.constant 8 : i32
        %mul3A_435 = arith.muli %scan3A_417, %mul3A_434 : i32
        %add3A_436 = arith.constant 1 : i32
        %add3A_437 = arith.addi %mul3A_435, %add3A_436 : i32
        %mul3A_438 = arith.constant 16 : i32
        %mul3A_439 = arith.muli %add3A_437, %mul3A_438 : i32
        %get3A_440 = arith.constant 7 : i32
        %get3A_441 = arith.index_cast %get3A_440 : i32 to index
        %get3A_442 = arith.index_cast %mul3A_439 : i32 to index
        %get3A_443 = tpu.vector_load %arg8[%get3A_441, %get3A_442] {strides = array<i32>} : memref<8x8192xf32, #tpu.memory_space<vmem>>, vector<1x16xf32>,
        %get3A_444 = vector.shape_cast %get3A_443 : vector<1x16xf32> to vector<16xf32>
        %exp3A_445 = math.exp %get3A_444 : vector<16xf32>
        %add3A_446 = arith.addf %scan3A_419, %exp3A_445 : vector<16xf32>
        %mul3A_447 = arith.constant 8 : i32
        %mul3A_448 = arith.muli %scan3A_417, %mul3A_447 : i32
        %add3A_449 = arith.constant 2 : i32
        %add3A_450 = arith.addi %mul3A_448, %add3A_449 : i32
        %mul3A_451 = arith.constant 16 : i32
        %mul3A_452 = arith.muli %add3A_450, %mul3A_451 : i32
        %get3A_453 = arith.constant 7 : i32
        %get3A_454 = arith.index_cast %get3A_453 : i32 to index
        %get3A_455 = arith.index_cast %mul3A_452 : i32 to index
        %get3A_456 = tpu.vector_load %arg8[%get3A_454, %get3A_455] {strides = array<i32>} : memref<8x8192xf32, #tpu.memory_space<vmem>>, vector<1x16xf32>,
        %get3A_457 = vector.shape_cast %get3A_456 : vector<1x16xf32> to vector<16xf32>
        %exp3A_458 = math.exp %get3A_457 : vector<16xf32>
        %add3A_459 = arith.addf %scan3A_420, %exp3A_458 : vector<16xf32>
        %mul3A_460 = arith.constant 8 : i32
        %mul3A_461 = arith.muli %scan3A_417, %mul3A_460 : i32
        %add3A_462 = arith.constant 3 : i32
        %add3A_463 = arith.addi %mul3A_461, %add3A_462 : i32
        %mul3A_464 = arith.constant 16 : i32
        %mul3A_465 = arith.muli %add3A_463, %mul3A_464 : i32
        %get3A_466 = arith.constant 7 : i32
        %get3A_467 = arith.index_cast %get3A_466 : i32 to index
        %get3A_468 = arith.index_cast %mul3A_465 : i32 to index
        %get3A_469 = tpu.vector_load %arg8[%get3A_467, %get3A_468] {strides = array<i32>} : memref<8x8192xf32, #tpu.memory_space<vmem>>, vector<1x16xf32>,
        %get3A_470 = vector.shape_cast %get3A_469 : vector<1x16xf32> to vector<16xf32>
        %exp3A_471 = math.exp %get3A_470 : vector<16xf32>
        %add3A_472 = arith.addf %scan3A_421, %exp3A_471 : vector<16xf32>
        %mul3A_473 = arith.constant 8 : i32
        %mul3A_474 = arith.muli %scan3A_417, %mul3A_473 : i32
        %add3A_475 = arith.constant 4 : i32
        %add3A_476 = arith.addi %mul3A_474, %add3A_475 : i32
        %mul3A_477 = arith.constant 16 : i32
        %mul3A_478 = arith.muli %add3A_476, %mul3A_477 : i32
        %get3A_479 = arith.constant 7 : i32
        %get3A_480 = arith.index_cast %get3A_479 : i32 to index
        %get3A_481 = arith.index_cast %mul3A_478 : i32 to index
        %get3A_482 = tpu.vector_load %arg8[%get3A_480, %get3A_481] {strides = array<i32>} : memref<8x8192xf32, #tpu.memory_space<vmem>>, vector<1x16xf32>,
        %get3A_483 = vector.shape_cast %get3A_482 : vector<1x16xf32> to vector<16xf32>
        %exp3A_484 = math.exp %get3A_483 : vector<16xf32>
        %add3A_485 = arith.addf %add3A_433, %exp3A_484 : vector<16xf32>
        %mul3A_486 = arith.constant 8 : i32
        %mul3A_487 = arith.muli %scan3A_417, %mul3A_486 : i32
        %add3A_488 = arith.constant 5 : i32
        %add3A_489 = arith.addi %mul3A_487, %add3A_488 : i32
        %mul3A_490 = arith.constant 16 : i32
        %mul3A_491 = arith.muli %add3A_489, %mul3A_490 : i32
        %get3A_492 = arith.constant 7 : i32
        %get3A_493 = arith.index_cast %get3A_492 : i32 to index
        %get3A_494 = arith.index_cast %mul3A_491 : i32 to index
        %get3A_495 = tpu.vector_load %arg8[%get3A_493, %get3A_494] {strides = array<i32>} : memref<8x8192xf32, #tpu.memory_space<vmem>>, vector<1x16xf32>,
        %get3A_496 = vector.shape_cast %get3A_495 : vector<1x16xf32> to vector<16xf32>
        %exp3A_497 = math.exp %get3A_496 : vector<16xf32>
        %add3A_498 = arith.addf %add3A_446, %exp3A_497 : vector<16xf32>
        %mul3A_499 = arith.constant 8 : i32
        %mul3A_500 = arith.muli %scan3A_417, %mul3A_499 : i32
        %add3A_501 = arith.constant 6 : i32
        %add3A_502 = arith.addi %mul3A_500, %add3A_501 : i32
        %mul3A_503 = arith.constant 16 : i32
        %mul3A_504 = arith.muli %add3A_502, %mul3A_503 : i32
        %get3A_505 = arith.constant 7 : i32
        %get3A_506 = arith.index_cast %get3A_505 : i32 to index
        %get3A_507 = arith.index_cast %mul3A_504 : i32 to index
        %get3A_508 = tpu.vector_load %arg8[%get3A_506, %get3A_507] {strides = array<i32>} : memref<8x8192xf32, #tpu.memory_space<vmem>>, vector<1x16xf32>,
        %get3A_509 = vector.shape_cast %get3A_508 : vector<1x16xf32> to vector<16xf32>
        %exp3A_510 = math.exp %get3A_509 : vector<16xf32>
        %add3A_511 = arith.addf %add3A_459, %exp3A_510 : vector<16xf32>
        %mul3A_512 = arith.constant 8 : i32
        %mul3A_513 = arith.muli %scan3A_417, %mul3A_512 : i32
        %add3A_514 = arith.constant 7 : i32
        %add3A_515 = arith.addi %mul3A_513, %add3A_514 : i32
        %mul3A_516 = arith.constant 16 : i32
        %mul3A_517 = arith.muli %add3A_515, %mul3A_516 : i32
        %get3A_518 = arith.constant 7 : i32
        %get3A_519 = arith.index_cast %get3A_518 : i32 to index
        %get3A_520 = arith.index_cast %mul3A_517 : i32 to index
        %get3A_521 = tpu.vector_load %arg8[%get3A_519, %get3A_520] {strides = array<i32>} : memref<8x8192xf32, #tpu.memory_space<vmem>>, vector<1x16xf32>,
        %get3A_522 = vector.shape_cast %get3A_521 : vector<1x16xf32> to vector<16xf32>
        %exp3A_523 = math.exp %get3A_522 : vector<16xf32>
        %add3A_524 = arith.addf %add3A_472, %exp3A_523 : vector<16xf32>
        scf.yield %add3A_485, %add3A_498, %add3A_511, %add3A_524 : vector<16xf32>, vector<16xf32>, vector<16xf32>, vector<16xf32>
      }
      %scan3A_397 = arith.constant 64 : i32
      %add3A_398 = arith.addf %scan3A_396#0, %scan3A_396#1 : vector<16xf32>
      %add3A_399 = arith.addf %scan3A_396#2, %scan3A_396#3 : vector<16xf32>
      %add3A_400 = arith.addf %add3A_398, %add3A_399 : vector<16xf32>
      %mul3A_401 = arith.constant 16 : i32
      %mul3A_402 = arith.muli %add3A_363, %mul3A_401 : i32
      %multiple_of3A_403 = tpu.assume_multiple %mul3A_402, 16 : i32
      %swap3A_404 = arith.index_cast %multiple_of3A_403 : i32 to index
      %swap3A_405 = tpu.vector_load %arg12[%swap3A_404] {strides = array<i32>} : memref<8192xf32, #tpu.memory_space<vmem>>, vector<16xf32>,
      %swap3A_406 = vector.shape_cast %swap3A_405 : vector<16xf32> to vector<16xf32>
      %swap3A_407 = vector.shape_cast %add3A_400 : vector<16xf32> to vector<16xf32>
      tpu.vector_store %arg12[%swap3A_404], %swap3A_407 {strides = array<i32>} : memref<8192xf32, #tpu.memory_space<vmem>>, vector<16xf32>,
      %mul3A_408 = arith.constant 8 : i32
      %mul3A_409 = arith.muli %scan3A_16, %mul3A_408 : i32
      %add3A_410 = arith.addi %mul3A_2, %mul3A_409 : i32
      %dma_wait3A_411 = arith.constant 0 : i32
      %dma_wait3A_412 = tpu.memref_slice %arg5[%add3A_410, %dma_wait3A_411] : memref<16384x8192xf32, #tpu.memory_space<hbm>> -> memref<8x8192xf32, #tpu.memory_space<hbm>>
      %dma_wait3A_413 = arith.constant 0 : i32
      %dma_wait3A_414 = tpu.memref_slice %arg5[%add3A_410, %dma_wait3A_413] : memref<16384x8192xf32, #tpu.memory_space<hbm>> -> memref<8x8192xf32, #tpu.memory_space<hbm>>
      tpu.wait_dma2 semaphore(%arg14 : memref<!tpu.dma_semaphore, #tpu.memory_space<semaphore_mem>>) src(%arg8 : memref<8x8192xf32, #tpu.memory_space<vmem>>) dst(%dma_wait3A_414 : memref<8x8192xf32, #tpu.memory_space<hbm>>)
      %lt3A = arith.constant 63 : i32
      %lt3A_415 = arith.cmpi slt, %scan3A_16, %lt3A : i32
      %convert_element_type3A = arith.extui %lt3A_415 : i1 to i32
      %cond3A = arith.constant 0 : i32
      %cond3A_416 = arith.cmpi ne, %convert_element_type3A, %cond3A : i32
      scf.if %cond3A_416 {
        %add3A_417 = arith.constant 1 : i32
        %add3A_418 = arith.addi %scan3A_16, %add3A_417 : i32
        %mul3A_419 = arith.constant 8 : i32
        %mul3A_420 = arith.muli %mul3A_419, %add3A_418 : i32
        %dma_start3A_421 = tpu.memref_slice %arg9[%mul3A_420] : memref<512xi32, #tpu.memory_space<vmem>> -> memref<8xi32, #tpu.memory_space<vmem>>
        %dma_start3A_422 = arith.constant 0 : i32
        %dma_start3A_423 = arith.constant 0 : i32
        %dma_start3A_424 = tpu.memref_slice %arg2[%dma_start3A_422, %dma_start3A_423] : memref<8192x8192xf32, #tpu.memory_space<hbm>> -> memref<8192x8192xf32, #tpu.memory_space<hbm>>
        tpu.enqueue_indirect_dma source(%dma_start3A_424 : memref<8192x8192xf32, #tpu.memory_space<hbm>>) target(%arg8 : memref<8x8192xf32, #tpu.memory_space<vmem>>) offsets(%dma_start3A_421 : memref<8xi32, #tpu.memory_space<vmem>>) semaphore(%arg13 : memref<!tpu.dma_semaphore, #tpu.memory_space<semaphore_mem>>)
      } else {
      }
    }
    %scan3A_15 = arith.constant 64 : i32
    "tpu.region"() ({
      %run_scoped3A = tpu.sem_alloc : memref<!tpu.dma_semaphore, #tpu.memory_space<semaphore_mem>>
      %dma_start3A_16 = arith.constant 0 : i32
      %dma_start3A_17 = tpu.memref_slice %arg7[%add3A, %dma_start3A_16] : memref<32x8192xf32, #tpu.memory_space<hbm>> -> memref<1x8192xf32, #tpu.memory_space<hbm>>
      %dma_start3A_18 = tpu.memref_squeeze %dma_start3A_17 : memref<1x8192xf32, #tpu.memory_space<hbm>> -> memref<8192xf32, #tpu.memory_space<hbm>>
      %dma_start3A_19 = arith.constant 0 : i32
      %dma_start3A_20 = tpu.memref_slice %arg7[%add3A, %dma_start3A_19] : memref<32x8192xf32, #tpu.memory_space<hbm>> -> memref<1x8192xf32, #tpu.memory_space<hbm>>
      %dma_start3A_21 = tpu.memref_squeeze %dma_start3A_20 : memref<1x8192xf32, #tpu.memory_space<hbm>> -> memref<8192xf32, #tpu.memory_space<hbm>>
      tpu.enqueue_dma source(%arg11 : memref<8192xf32, #tpu.memory_space<vmem>>) target(%dma_start3A_21 : memref<8192xf32, #tpu.memory_space<hbm>>) target_semaphore(%run_scoped3A : memref<!tpu.dma_semaphore, #tpu.memory_space<semaphore_mem>>)
      %dma_wait3A = arith.constant 0 : i32
      %dma_wait3A_22 = tpu.memref_slice %arg7[%add3A, %dma_wait3A] : memref<32x8192xf32, #tpu.memory_space<hbm>> -> memref<1x8192xf32, #tpu.memory_space<hbm>>
      %dma_wait3A_23 = tpu.memref_squeeze %dma_wait3A_22 : memref<1x8192xf32, #tpu.memory_space<hbm>> -> memref<8192xf32, #tpu.memory_space<hbm>>
      %dma_wait3A_24 = arith.constant 0 : i32
      %dma_wait3A_25 = tpu.memref_slice %arg7[%add3A, %dma_wait3A_24] : memref<32x8192xf32, #tpu.memory_space<hbm>> -> memref<1x8192xf32, #tpu.memory_space<hbm>>
      %dma_wait3A_26 = tpu.memref_squeeze %dma_wait3A_25 : memref<1x8192xf32, #tpu.memory_space<hbm>> -> memref<8192xf32, #tpu.memory_space<hbm>>
      tpu.wait_dma2 semaphore(%run_scoped3A : memref<!tpu.dma_semaphore, #tpu.memory_space<semaphore_mem>>) src(%arg11 : memref<8192xf32, #tpu.memory_space<vmem>>) dst(%dma_wait3A_26 : memref<8192xf32, #tpu.memory_space<hbm>>)
      tpu.yield
    }) : () -> ()
    "tpu.region"() ({
      %run_scoped3A = tpu.sem_alloc : memref<!tpu.dma_semaphore, #tpu.memory_space<semaphore_mem>>
      %dma_start3A_16 = arith.constant 0 : i32
      %dma_start3A_17 = tpu.memref_slice %arg6[%add3A, %dma_start3A_16] : memref<32x8192xf32, #tpu.memory_space<hbm>> -> memref<1x8192xf32, #tpu.memory_space<hbm>>
      %dma_start3A_18 = tpu.memref_squeeze %dma_start3A_17 : memref<1x8192xf32, #tpu.memory_space<hbm>> -> memref<8192xf32, #tpu.memory_space<hbm>>
      %dma_start3A_19 = arith.constant 0 : i32
      %dma_start3A_20 = tpu.memref_slice %arg6[%add3A, %dma_start3A_19] : memref<32x8192xf32, #tpu.memory_space<hbm>> -> memref<1x8192xf32, #tpu.memory_space<hbm>>
      %dma_start3A_21 = tpu.memref_squeeze %dma_start3A_20 : memref<1x8192xf32, #tpu.memory_space<hbm>> -> memref<8192xf32, #tpu.memory_space<hbm>>
      tpu.enqueue_dma source(%arg12 : memref<8192xf32, #tpu.memory_space<vmem>>) target(%dma_start3A_21 : memref<8192xf32, #tpu.memory_space<hbm>>) target_semaphore(%run_scoped3A : memref<!tpu.dma_semaphore, #tpu.memory_space<semaphore_mem>>)
      %dma_wait3A = arith.constant 0 : i32
      %dma_wait3A_22 = tpu.memref_slice %arg6[%add3A, %dma_wait3A] : memref<32x8192xf32, #tpu.memory_space<hbm>> -> memref<1x8192xf32, #tpu.memory_space<hbm>>
      %dma_wait3A_23 = tpu.memref_squeeze %dma_wait3A_22 : memref<1x8192xf32, #tpu.memory_space<hbm>> -> memref<8192xf32, #tpu.memory_space<hbm>>
      %dma_wait3A_24 = arith.constant 0 : i32
      %dma_wait3A_25 = tpu.memref_slice %arg6[%add3A, %dma_wait3A_24] : memref<32x8192xf32, #tpu.memory_space<hbm>> -> memref<1x8192xf32, #tpu.memory_space<hbm>>
      %dma_wait3A_26 = tpu.memref_squeeze %dma_wait3A_25 : memref<1x8192xf32, #tpu.memory_space<hbm>> -> memref<8192xf32, #tpu.memory_space<hbm>>
      tpu.wait_dma2 semaphore(%run_scoped3A : memref<!tpu.dma_semaphore, #tpu.memory_space<semaphore_mem>>) src(%arg12 : memref<8192xf32, #tpu.memory_space<vmem>>) dst(%dma_wait3A_26 : memref<8192xf32, #tpu.memory_space<hbm>>)
      tpu.yield
    }) : () -> ()
    return
  }
}

module attributes {stable_mosaic.version = 14 : i64} {
  func.func @_loss_body(%arg0: memref<128x128x16xf32, #tpu.memory_space<vmem>>, %arg1: memref<128x128x16xf32, #tpu.memory_space<vmem>>, %arg2: memref<128x128xi32, #tpu.memory_space<vmem>>, %arg3: memref<1x1xf32, #tpu.memory_space<smem>>) attributes {dimension_semantics = [], scalar_prefetch = 0 : i64, scratch_operands = 0 : i64, tpu.core_type = #tpu.core_type<tc>} {
    %get3A = arith.constant 0 : index
    %get3A_0 = arith.constant 0 : index
    %get3A_1 = arith.constant 0 : index
    %get3A_2 = vector.load %arg0[%get3A, %get3A_0, %get3A_1] : memref<128x128x16xf32, #tpu.memory_space<vmem>>, vector<128x128x16xf32>
    %reduce_sum3A = arith.constant dense<0.000000e+00> : vector<128x128xf32>
    %reduce_sum3A_3 = vector.multi_reduction <add>, %get3A_2, %reduce_sum3A [2] : vector<128x128x16xf32> to vector<128x128xf32>
    %get3A_4 = arith.constant 0 : index
    %get3A_5 = arith.constant 0 : index
    %get3A_6 = arith.constant 0 : index
    %get3A_7 = vector.load %arg1[%get3A_4, %get3A_5, %get3A_6] : memref<128x128x16xf32, #tpu.memory_space<vmem>>, vector<128x128x16xf32>
    %reduce_sum3A_8 = arith.constant dense<0.000000e+00> : vector<128x128xf32>
    %reduce_sum3A_9 = vector.multi_reduction <add>, %get3A_7, %reduce_sum3A_8 [2] : vector<128x128x16xf32> to vector<128x128xf32>
    %get3A_10 = arith.constant 0 : index
    %get3A_11 = arith.constant 0 : index
    %get3A_12 = vector.load %arg2[%get3A_10, %get3A_11] : memref<128x128xi32, #tpu.memory_space<vmem>>, vector<128x128xi32>
    %ne3A = arith.constant -1 : i32
    %ne3A_13 = vector.broadcast %ne3A : i32 to vector<128x128xi32>
    %ne3A_14 = arith.cmpi ne, %get3A_12, %ne3A_13 : vector<128x128xi32>
    %log3A = math.log %reduce_sum3A_3 : vector<128x128xf32>
    %sub3A = arith.subf %log3A, %reduce_sum3A_9 : vector<128x128xf32>
    %jit3A = arith.constant 0.000000e+00 : f32
    %broadcast_in_dim3A = vector.broadcast %jit3A : f32 to vector<128x128xf32>
    %select_n3A = arith.select %ne3A_14, %sub3A, %broadcast_in_dim3A : vector<128x128xi1>, vector<128x128xf32>
    %jit3A_15 = arith.constant 1.000000e+00 : f32
    %jit3A_16 = arith.constant 0.000000e+00 : f32
    %broadcast_in_dim3A_17 = vector.broadcast %jit3A_15 : f32 to vector<128x128xf32>
    %broadcast_in_dim3A_18 = vector.broadcast %jit3A_16 : f32 to vector<128x128xf32>
    %select_n3A_19 = arith.select %ne3A_14, %broadcast_in_dim3A_17, %broadcast_in_dim3A_18 : vector<128x128xi1>, vector<128x128xf32>
    %reduce_sum3A_20 = vector.shape_cast %select_n3A_19 : vector<128x128xf32> to vector<1x128x128xf32>
    %reduce_sum3A_21 = arith.constant dense<0.000000e+00> : vector<1xf32>
    %reduce_sum3A_22 = vector.multi_reduction <add>, %reduce_sum3A_20, %reduce_sum3A_21 [1, 2] : vector<1x128x128xf32> to vector<1xf32>
    %reduce_sum3A_23 = vector.shape_cast %reduce_sum3A_22 : vector<1xf32> to vector<1x1x1xf32>
    %reduce_sum3A_24 = vector.extract %reduce_sum3A_23[0, 0, 0] : f32 from vector<1x1x1xf32>
    %reduce_sum3A_25 = vector.shape_cast %select_n3A : vector<128x128xf32> to vector<1x128x128xf32>
    %reduce_sum3A_26 = arith.constant dense<0.000000e+00> : vector<1xf32>
    %reduce_sum3A_27 = vector.multi_reduction <add>, %reduce_sum3A_25, %reduce_sum3A_26 [1, 2] : vector<1x128x128xf32> to vector<1xf32>
    %reduce_sum3A_28 = vector.shape_cast %reduce_sum3A_27 : vector<1xf32> to vector<1x1x1xf32>
    %reduce_sum3A_29 = vector.extract %reduce_sum3A_28[0, 0, 0] : f32 from vector<1x1x1xf32>
    %max3A = arith.constant 1.000000e+00 : f32
    %max3A_30 = arith.maximumf %reduce_sum3A_24, %max3A : f32
    %div3A = arith.divf %reduce_sum3A_29, %max3A_30 : f32
    %swap3A = arith.constant 0 : index
    %swap3A_31 = arith.constant 0 : index
    %swap3A_32 = memref.load %arg3[%swap3A, %swap3A_31] : memref<1x1xf32, #tpu.memory_space<smem>>
    memref.store %div3A, %arg3[%swap3A, %swap3A_31] : memref<1x1xf32, #tpu.memory_space<smem>>
    return
  }
}

</mosaic_0001>

<sc_bundles>
// kernel: kernel.4.cloned.1.call-start
scs
__scs_entry_jumppad:
0x0: {  	(pc) =	sbr.rel $0x88, $3  }
0x1: {  	(tag) =	ssettag $0x0;
	lr =	simm.s32 $0x1  }
0x2: {  	[smem:$0x3F9E] =	sst lr;
	_ =	strace $0xD0000000  }
0x3: {  	_ = 	snop  }
0x4: {  	_ = 	snop  }
0x5: {  	_ = 	snop  }
0x6: {  	_ = 	snop  }
0x7: {  	_ = 	snop  }
__scs_overlays_trampoline_lowered:
0x8: {  	[smem:$0x3FAD] =	sst s0  }
0x9: {  	[smem:$0x3FAE] =	sst s1  }
0xa: {  	[smem:$0x3FAF] =	sst s2  }
0xb: {  	[smem:$0x3FB0] =	sst s3  }
0xc: {  	[smem:$0x3FB1] =	sst s4  }
0xd: {  	[smem:$0x3FB2] =	sst s5  }
0xe: {  	[smem:$0x3FB3] =	sst s6  }
0xf: {  	[smem:$0x3FB4] =	sst s7  }
0x10: {  	[smem:$0x3FB5] =	sst s8  }
0x11: {  	[smem:$0x3FB6] =	sst s9;
	s0 =	simm.s32 @!p0 $0x0  }
0x12: {  	s1 =	sld [smem:$0x3F9C];
	s0 =	simm.s32 @p0 $0x1  }
0x13: {  	[smem:$0x3FB7] =	sst s0;
	s0 =	simm.s32 @!p1 $0x0  }
0x14: {  	s2 =	sld [smem:$0x3F9B];
	s0 =	simm.s32 @p1 $0x1  }
0x15: {  	[smem:$0x3FB8] =	sst s0;
	s0 =	simm.s32 @!p2 $0x0  }
0x16: {  	s3 =	sld [smem:$0x3FDB];
	s0 =	simm.s32 @p2 $0x1  }
0x17: {  	s4 =	simm.s32 $0x1BF5;
	[smem:$0x3FBA] =	sst s0  }
0x18: {  	s0 =	sld [smem:$0x3F9D];
	_ =	swait.ge [sflag:s4], $0x0  }
0x19: {  	s7 =	sld [smem:$0x3F9E]  }
0x1a: {  	s8 =	sadd.s32 $0xFFFFE003, lr  }
0x1b: {  	s9 =	sadd.s32 $0xFFFFFEF7, lr;
	s5 =	simm.s32 $0xFFFFFFFF;
	p2 =	slt.u32 s8, $0xFFFFF086  }
0x1c: {  	p1 =	slt.u32 s9, $0xF7A;
	s5 =	simm.s32 @!p2 $0x0  }
0x1d: {  	s5 =	simm.s32 @p1 $0x1;
	p0 =	seq.s32 s7, s2  }
0x1e: {  	s7 =	smul.u32 @!p0 $0xF7A, s2;
	p2 =	seq.s32 @!p0 s5, $0x0  }
0x1f: {  	s9 =	smul.u32 $0xF7A, s1;
	s8 =	simm.s32 @!p0 $0x1BF5;
	p2 =	por !p2, p0  }
0x20: {  	[sflag:s8] =	ssyncset.s32 @!p0 $0xFFFFF086;
	s6 =	sadd.s32 @!p0 s3, s7;
	s7 =	simm.s32 @!p0 $0x108  }
0x21: {  	s3 =	sadd.s32 s3, s9;
	s6 =	sadd.s32 @!p0 $0x88, s6;
	s7 =	simm.s32 @p2 $0x1082  }
0x22: {  	[simem:s7], [sflag:s8] =	dma.local @!p0 [hbm:s6], $0xF7A  }
0x23: {  	s9 =	sor.u32 $0xD0000000, s2;
	s6 =	simm.s32 $0x108;
	_ =	swait.ge @!p0 [sflag:s8], $0x0  }
0x24: {  	s3 =	sadd.s32 $0x88, s3;
	s6 =	simm.s32 @!p1 $0x1082;
	[sflag:s4] =	ssyncset.s32 $0xFFFFF086  }
0x25: {  	[simem:s6], [sflag:s4] =	dma.local [hbm:s3], $0xF7A  }
0x26: {  	[smem:$0x3F9E] =	sst s1;
	(tag) =	ssettag s2;
	_ =	strace s9  }
0x27: {  	s1 =	sld [smem:$0x3FAE]  }
0x28: {  	s2 =	sld [smem:$0x3FAF]  }
0x29: {  	s4 =	sld [smem:$0x3FB1]  }
0x2a: {  	p0 =	seq.s32 s5, $0x0;
	s5 =	sld [smem:$0x3FB2]  }
0x2b: {  	s6 =	sld [smem:$0x3FB3]  }
0x2c: {  	s7 =	sld [smem:$0x3FB4]  }
0x2d: {  	s3 =	simm.s32 $0x108;
	s8 =	sld [smem:$0x3FB5]  }
0x2e: {  	s3 =	simm.s32 @!p0 $0x1082;
	s9 =	sld [smem:$0x3FB6]  }
0x2f: {  	lr =	sadd.s32 s0, s3;
	s0 =	sld [smem:$0x3FAD]  }
0x30: {  	s3 =	sld [smem:$0x3FB0]  }
0x31: {  	[smem:$0x3FB9] =	sst s10  }
0x32: {  	s10 =	sld [smem:$0x3FB7];
	_ =	sdelay $0x3  }
0x33: {  	p0 =	seq.s32 s10, $0x1;
	s10 =	sld [smem:$0x3FB9];
	_ =	sdelay $0x3  }
0x34: {  	[smem:$0x3FB9] =	sst s10  }
0x35: {  	s10 =	sld [smem:$0x3FB8];
	_ =	sdelay $0x3  }
0x36: {  	p1 =	seq.s32 s10, $0x1;
	s10 =	sld [smem:$0x3FB9];
	_ =	sdelay $0x3  }
0x37: {  	[smem:$0x3FB9] =	sst s10  }
0x38: {  	s10 =	sld [smem:$0x3FBA]  }
0x39: {  	_ = 	snop;
	(pc) =	sbr.ind lr, $3  }
0x3a: {  	_ = 	snop  }
0x3b: {  	_ = 	snop  }
0x3c: {  	p2 =	seq.s32 s10, $0x1;
	s10 =	sld [smem:$0x3FB9]  }
0x3d: {  	_ =	shalt  }
0x3e: {  	_ =	shalt  }
0x3f: {  	_ =	shalt  }
0x40: {  	_ =	shalt  }
0x41: {  	_ =	shalt  }
0x42: {  	_ =	shalt  }
0x43: {  	_ =	shalt  }
0x44: {  	_ =	shalt  }
0x45: {  	_ =	shalt  }
0x46: {  	_ =	shalt  }
0x47: {  	_ =	shalt  }
0x48: {  	_ =	shalt  }
0x49: {  	_ =	shalt  }
0x4a: {  	_ =	shalt  }
0x4b: {  	_ =	shalt  }
0x4c: {  	_ =	shalt  }
0x4d: {  	_ =	shalt  }
0x4e: {  	_ =	shalt  }
0x4f: {  	_ =	shalt  }
0x50: {  	_ =	shalt  }
0x51: {  	_ =	shalt  }
0x52: {  	_ =	shalt  }
0x53: {  	_ =	shalt  }
0x54: {  	_ =	shalt  }
0x55: {  	_ =	shalt  }
0x56: {  	_ =	shalt  }
0x57: {  	_ =	shalt  }
0x58: {  	_ =	shalt  }
0x59: {  	_ =	shalt  }
0x5a: {  	_ =	shalt  }
0x5b: {  	_ =	shalt  }
0x5c: {  	_ =	shalt  }
0x5d: {  	_ =	shalt  }
0x5e: {  	_ =	shalt  }
0x5f: {  	_ =	shalt  }
0x60: {  	_ =	shalt  }
0x61: {  	_ =	shalt  }
0x62: {  	_ =	shalt  }
0x63: {  	_ =	shalt  }
0x64: {  	_ =	shalt  }
0x65: {  	_ =	shalt  }
0x66: {  	_ =	shalt  }
0x67: {  	_ =	shalt  }
0x68: {  	_ =	shalt  }
0x69: {  	_ =	shalt  }
0x6a: {  	_ =	shalt  }
0x6b: {  	_ =	shalt  }
0x6c: {  	_ =	shalt  }
0x6d: {  	_ =	shalt  }
0x6e: {  	_ =	shalt  }
0x6f: {  	_ =	shalt  }
0x70: {  	_ =	shalt  }
0x71: {  	_ =	shalt  }
0x72: {  	_ =	shalt  }
0x73: {  	_ =	shalt  }
0x74: {  	_ =	shalt  }
0x75: {  	_ =	shalt  }
0x76: {  	_ =	shalt  }
0x77: {  	_ =	shalt  }
0x78: {  	_ =	shalt  }
0x79: {  	_ =	shalt  }
0x7a: {  	_ =	shalt  }
0x7b: {  	_ =	shalt  }
0x7c: {  	_ =	shalt  }
0x7d: {  	_ =	shalt  }
0x7e: {  	_ =	shalt  }
0x7f: {  	_ =	shalt  }
0x80: {  	_ =	shalt  }
0x81: {  	_ =	shalt  }
0x82: {  	_ =	shalt  }
0x83: {  	_ =	shalt  }
0x84: {  	_ =	shalt  }
0x85: {  	_ =	shalt  }
0x86: {  	_ =	shalt  }
0x87: {  	_ =	shalt  }
.Lfunc_end0:
.L_simem_size_0:
called_computation_lowered:
.L_overlay_start_0:
0x88: {  	s2 =	sld [smem:$0x3FD9]  }
0x89: {  	s3 =	sld [smem:$0x3FFE];
	_ =	sdelay $0x1  }
0x8a: {  	s1 =	srdreg.scid  }
0x8b: {  	s0 =	sand.u32 $0x1, s1  }
0x8c: {  	s14 =	sshll.u32 s0, $0xA;
	s2 =	sadd.s32 s3, s2  }
0x8d: {  	s2 =	sadd.s32 s2, s14  }
0x8e: {  	[smem:$0x3FC5] =	sst s2  }
0x8f: {  	_ = 	snop  }
0x90: {  	s2 =	sld [smem:$0x3FD0];
	_ =	sdelay $0x1  }
0x91: {  	s15 =	sld [smem:$0x3FC9]  }
0x92: {  	s5 =	simm.s32 $0xA;
	s6 =	simm.s32 $0x10;
	s4 =	sld [smem:$0x3FC7]  }
0x93: {  	[smem:s6], [sflag:s5] =	dma.local [hbm:s2], $0x1  }
0x94: {  	_ =	swait.eq [sflag:s5], $0x1  }
0x95: {  	[sflag:s5] =	ssyncset.done $0x0  }
0x96: {  	[sflag:s5] =	ssyncadd.s32 $0xFFFFFFFF  }
0x97: {  	s16 =	sld [smem:$0x10];
	(tm) =	ssettm $0x1  }
0x98: {  	s17 =	sld [smem:$0x3FFB];
	_ =	sdelay $0x3  }
0x99: {  	_ =	strace s17  }
0x9a: {  	s5 =	sld [smem:$0x3FFC];
	_ =	sdelay $0x3  }
0x9b: {  	_ =	strace s5  }
0x9c: {  	s5 =	sld [smem:$0x3FFD];
	_ =	sdelay $0x3  }
0x9d: {  	_ =	strace s5  }
0x9e: {  	_ =	strace $0x8FFFFFFF  }
0x9f: {  	s18 =	sld [smem:$0x3FDB];
	_ =	sdelay $0x1  }
0xa0: {  	s19 =	simm.s32 $_scs_section_size  }
0xa1: {  	s7 =	simm.s32 $_size__tile_overlayer_lowered;
	s8 =	simm.s32 $_tile_overlayer_lowered  }
0xa2: {  	s22 =	simm.s32 $0x1BFF;
	s21 =	sshll.u32 s8, $0x1;
	s5 =	sadd.s32 s19, s18  }
0xa3: {  	s9 =	simm.s32 $0x0;
	s20 =	sshll.u32 s7, $0x1;
	s7 =	sadd.s32 s21, s5  }
0xa4: {  	[timem:s9], [sflag:s22] =	dma.local [hbm:s7], s20  }
0xa5: {  	_ =	swait.ge [sflag:s22], s20  }
0xa6: {  	s6 =	ssub.s32 $0x0, s20;
	[sflag:s22] =	ssyncset.done $0x0  }
0xa7: {  	[sflag:s22] =	ssyncadd.s32 s6;
	_ =	sdelay $0x1  }
0xa8: {  	s23 =	simm.s32 $0x1B8B  }
0xa9: {  	_ =	swait.ge [sflag:s23], $0x1  }
0xaa: {  	[sflag:s23] =	ssyncset.done $0x0  }
0xab: {  	s25 =	simm.s32 $0x1B8E;
	s24 =	sld [smem:$0x3FFE];
	[sflag:s23] =	ssyncadd.s32 $0xFFFFFFFF  }
0xac: {  	s26 =	simm.s32 $execute0_lowered;
	[smem:$0x3FD2] =	sst s25  }
0xad: {  	s7 =	sshll.u32 s26, $0x1;
	_ =	strace $0x80000046;
	[dreg:$0x1] =	wrdreg $0xFFFFFFFF  }
0xae: {  	s28 =	simm.s32 $_size_execute0_lowered;
	s5 =	sadd.s32 s5, s7;
	[dreg:$0x0] =	wrdreg $0x0  }
0xaf: {  	s7 =	sshll.u32 s28, $0x1;
	[dreg:$0x2] =	wrdreg s5  }
0xb0: {  	[dreg:$0x3] =	wrdreg s7  }
0xb1: {  	[dreg:$0x4] =	wrdreg $0xC0  }
0xb2: {  	_ =	task [dreg:s9], $0x5FFFF  }
0xb3: {  	[dreg:$0x1] =	wrdreg $0xFFFFFFFF  }
0xb4: {  	[dreg:$0x0] =	wrdreg $0x60  }
0xb5: {  	[dreg:$0x2] =	wrdreg s4  }
0xb6: {  	[dreg:$0x3] =	wrdreg s15  }
0xb7: {  	[dreg:$0x4] =	wrdreg s24  }
0xb8: {  	[dreg:$0x5] =	wrdreg s16  }
0xb9: {  	[dreg:$0x6] =	wrdreg $0x9  }
0xba: {  	_ =	task.clear_ibuf [dreg:s9], $0x7FFFF;
	_ =	strace $0x90000046  }
0xbb: {  	s29 =	simm.s32 $0x9;
	_ =	strace $0x80000048  }
0xbc: {  	_ =	swait.ge [sflag:s29], $0x1  }
0xbd: {  	[sflag:s29] =	ssyncadd.s32 $0xFFFFFFFF  }
0xbe: {  	_ =	strace $0x90000048  }
0xbf: {  	_ =	sfence  }
0xc0: {  	s30 =	sld [smem:$0x0];
	_ =	sdelay $0x2  }
0xc1: {  	s31 =	sshll.u32 s1, $0xD;
	s1 =	sshrl.u32 s1, $0x2  }
0xc2: {  	s3 =	sand.u32 $0x4000, s31;
	s1 =	sadd.s32 s1, s30  }
0xc3: {  	s0 =	sor.u32 s3, s0;
	s1 =	sshll.u32 s1, $0x11  }
0xc4: {  	s0 =	sor.u32 s1, s0  }
0xc5: {  	s0 =	sadd.s32 $0x8F2B, s0  }
0xc6: {  	[sflag:s0] =	ssyncadd.remote.s32 $0x1  }
0xc7: {  	_ =	sfence.sel $0xFFFF  }
0xc8: {  	[dreg:$0x0] =	wrdreg $0xFFFFFFFF;
	(pc) =	sbr.abs _section_cstart, $3  }
0xc9: {  	[dreg:$0x1] =	wrdreg $0xFFFFFFFF  }
0xca: {  	_ =	task.clear_ibuf [dreg:s9], $0x2FFFF;
	_ =	strace $0x9FFFFFFF  }
0xcb: {  	(tm) =	ssettm $0x7FFFFFFF  }
tec
execute0_lowered:
.L_overlay_start_1:
0x0: {  	(tag) =	ssettag $0x1  }
0x1: {  	s8 =	rddreg [dreg:$0x0]  }
0x2: {  	s1 =	rddreg [dreg:$0x1]  }
0x3: {  	s0 =	srdreg.scid;
	s4 =	rddreg [dreg:$0x2]  }
0x4: {  	s3 =	stileid.u32;
	s5 =	rddreg [dreg:$0x3]  }
0x5: {  	s9 =	simm.s32 $0x2;
	s11 =	simm.s32 $0x0;
	s0 =	sand.u32 $0x1, s0  }
0x6: {  	s2 =	sshll.u32 s3, $0x1;
	s7 =	sshll.u32 s3, $0xE;
	s3 =	simm.s32 $0x0  }
0x7: {  	s15 =	sadd.s32 $0x100, s8;
	s16 =	sadd.s32 $0x200, s8;
	[smem:$0x7FF] =	sst s3  }
0x8: {  	s17 =	sadd.s32 $0x300, s8;
	_ =	strace $0x80000047;
	[dreg:$0x7] =	wrdreg s15  }
0x9: {  	s18 =	sadd.s32 $0x400, s8;
	s19 =	sadd.s32 $0x500, s8;
	[dreg:$0x8] =	wrdreg s16  }
0xa: {  	s20 =	sadd.s32 $0x600, s8;
	s21 =	sadd.s32 $0x700, s8;
	[dreg:$0x9] =	wrdreg s17  }
0xb: {  	s22 =	sadd.s32 $0x800, s8;
	s23 =	sadd.s32 $0x900, s8;
	[dreg:$0xa] =	wrdreg s18  }
0xc: {  	s24 =	sadd.s32 $0xA00, s8;
	s28 =	sadd.s32 $0x1200, s8;
	[dreg:$0xb] =	wrdreg s19  }
0xd: {  	s29 =	sadd.s32 $0x1300, s8;
	s30 =	sadd.s32 $0x1400, s8;
	[dreg:$0xc] =	wrdreg s20  }
0xe: {  	s31 =	sadd.s32 $0x1500, s8;
	s2 =	sor.u32 s0, s2;
	[dreg:$0xd] =	wrdreg s21  }
0xf: {  	s0 =	ssub.s32 $0x2, s0;
	s6 =	sshll.u32 s2, $0x7;
	[dreg:$0xe] =	wrdreg s22  }
0x10: {  	s12 =	sshrl.u32 s0, $0x1;
	s13 =	sshll.u32 s2, $0x13;
	[dreg:$0xf] =	wrdreg s23  }
0x11: {  	s2 =	sshll.u32 s2, $0x6;
	[dreg:$0x10] =	wrdreg s24;
	s16 =	sadd.s32 $0xB00, s8  }
0x12: {  	s17 =	sadd.s32 $0xC00, s8;
	s18 =	sadd.s32 $0xD00, s8;
	s19 =	sadd.s32 $0xE00, s8  }
0x13: {  	s20 =	sadd.s32 $0xF00, s8;
	s21 =	sadd.s32 $0x1000, s8;
	s23 =	sadd.s32 $0x1A00, s8  }
0x14: {  	s24 =	sadd.s32 $0x1B00, s8;
	s7 =	sor.u32 s7, s6;
	s6 =	sadd.s32 s6, s4  }
0x15: {  	s0 =	ssub.s32 s0, s12;
	s1 =	sadd.s32 s1, s2;
	s22 =	sadd.s32 s5, s13  }
0x16: {  	s2 =	sadd.s32 $0x1600, s8;
	s5 =	sadd.s32 $0x1900, s8;
	s12 =	simm.s32 $0x3  }
0x17: {  	s7 =	sand.u32 $0x30380, s7;
	[dreg:$0x5] =	wrdreg s1;
	s14 =	sadd.s32 $0xA00, s6  }
0x18: {  	s0 =	smax.u32 s0, $0x1;
	s1 =	sadd.s32 $0x1D00, s8;
	s7 =	sshrl.u32 s7, $0x3  }
.Ltmp0:
0x19: {  	[dreg:$0x6] =	wrdreg s14;
	s4 =	sadd.s32 s7, s4;
	(pc) =	sbr.rel .LBB2_1-.Ltmp0, $4  }
0x1a: {  	s6 =	sadd.s32 $0x1E00, s8;
	[dreg:$0x13] =	wrdreg s0;
	s25 =	sadd.s32 $0x9A00, s4  }
0x1b: {  	v0 =	vlaneseq.u32;
	s0 =	sadd.s32 $0x1700, s8;
	s26 =	sadd.s32 $0x1A00, s4;
	[dreg:$0x11] =	wrdreg s25  }
0x1c: {  	v2 =	vshrl.u32 v0, $0x3;
	s7 =	sadd.s32 $0x1F00, s8;
	s4 =	sadd.s32 $0x1800, s8;
	[dreg:$0x12] =	wrdreg s26  }
0x1d: {  	vm0 =	vmmov $0xffff;
	v1 =	vand.u32 $0x7, v0;
	v2 =	vmul.u32 $0x8, v2;
	s26 =	sadd.s32 $0x1100, s8;
	s25 =	sadd.s32 $0x1C00, s8;
	s8 =	simm.s32 $0x1  }
.LBB2_20:
0x1e: {  	s10 =	rddreg [dreg:$0x11]  }
0x1f: {  	s11 =	simm.s32 $0x80;
	s13 =	simm.s32 $0x400;
	s12 =	simm.s32 $0x10600  }
0x20: {  	[hbm4b:s10+s11] =	stream.strided.scatter [tilespmem:s12], [sflag:$0x3], $0x2000, s13, s11, $0x38;
	[tilespmem:$0x14600] =	vst v63  }
0x21: {  	s12 =	simm.s32 $0x3  }
0x22: {  	_ =	swait.ge [sflag:s12], $0x2000  }
0x23: {  	[sflag:s12] =	ssyncset.done $0x0  }
0x24: {  	s14 =	simm.s32 $0x12600;
	s15 =	rddreg [dreg:$0x12];
	[sflag:s12] =	ssyncadd.s32 $0xFFFFE000  }
0x25: {  	[hbm4b:s15+s11] =	stream.strided.scatter [tilespmem:s14], [sflag:$0x3], $0x2000, s13, s11, $0x38;
	[tilespmem:$0x14600] =	vst v63  }
0x26: {  	_ =	swait.ge [sflag:s12], $0x2000  }
0x27: {  	s14 =	rddreg [dreg:$0x14]  }
0x28: {  	s15 =	rddreg [dreg:$0x13];
	s11 =	sadd.s32 $0x1, s14  }
0x29: {  	p0 =	sne.s32 s11, s15  }
.Ltmp1:
0x2a: {  	_ = 	snop;
	(pc) =	sbr.rel @!p0 .LBB2_21-.Ltmp1, $3  }
0x2b: {  	_ =	sdelay $0x1  }
0x2c: {  	[sflag:s12] =	ssyncset.done $0x0  }
0x2d: {  	[sflag:s12] =	ssyncadd.s32 $0xFFFFE000  }
.LBB2_1:
0x2e: {  	[dreg:$0x14] =	wrdreg s11  }
0x2f: {  	s10 =	rddreg [dreg:$0x5];
	s13 =	simm.s32 $0x10000  }
0x30: {  	[tilespmem:s13], [sflag:$0x3] =	stream.linear.gather [hbm4b:s10+s3], $0x200, $0x38;
	[tilespmem:$0x14600] =	vst v63  }
0x31: {  	_ =	swait.ge [sflag:s12], $0x200  }
0x32: {  	[sflag:s12] =	ssyncset.done $0x0  }
0x33: {  	s15 =	simm.s32 $0x10200;
	s14 =	rddreg [dreg:$0x6];
	[sflag:s12] =	ssyncadd.s32 $0xFFFFFE00  }
0x34: {  	[tilespmem:s15], [sflag:$0x3] =	stream.linear.gather [hbm4b:s14+s3], $0x400, $0x38;
	[tilespmem:$0x14600] =	vst v63  }
0x35: {  	_ =	swait.ge [sflag:s12], $0x400  }
0x36: {  	[sflag:s12] =	ssyncset.done $0x0  }
0x37: {  	[sflag:s12] =	ssyncadd.s32 $0xFFFFFC00  }
0x38: {  	v3 =	vld.msk [tilespmem:$0x10000], $0xff;
	_ =	sdelay $0x4  }
0x39: {  	v4 =	vshll.u32 v3, $0x6  }
0x3a: {  	v3 =	vand.u32 $0x7, v3;
	v4 =	vand.u32 $0xFFFFFE00, v4  }
0x3b: {  	v3 =	vor.u32 v3, v4  }
0x3c: {  	v3 =	vperm.xlane v3, v1;
	_ =	sdelay $0x1  }
0x3d: {  	v3 =	vadd.s32 v2, v3;
	_ =	sdelay $0x3  }
0x3e: {  	s11 =	rddreg [dreg:$0x0]  }
0x3f: {  	[tilespmem:s3], [sflag:$0x1] =	stream.indirect_vreg.gather [hbm4b:s11+s3], $0x80, v3, vm0, $0xb8;
	[tilespmem:$0x14600] =	vst v63  }
0x40: {  	s13 =	simm.s32 $0x800;
	s12 =	rddreg [dreg:$0x7]  }
0x41: {  	[tilespmem:s13], [sflag:$0x1] =	stream.indirect_vreg.gather [hbm4b:s12+s3], $0x80, v3, vm0, $0xb8;
	[tilespmem:$0x14600] =	vst v63  }
0x42: {  	s15 =	simm.s32 $0x1000;
	s14 =	rddreg [dreg:$0x8]  }
0x43: {  	[tilespmem:s15], [sflag:$0x1] =	stream.indirect_vreg.gather [hbm4b:s14+s3], $0x80, v3, vm0, $0xb8;
	[tilespmem:$0x14600] =	vst v63  }
0x44: {  	s12 =	rddreg [dreg:$0x9];
	s13 =	simm.s32 $0x1800  }
0x45: {  	[tilespmem:s13], [sflag:$0x1] =	stream.indirect_vreg.gather [hbm4b:s12+s3], $0x80, v3, vm0, $0xb8;
	[tilespmem:$0x14600] =	vst v63  }
0x46: {  	s14 =	rddreg [dreg:$0xa];
	s15 =	simm.s32 $0x2000  }
0x47: {  	[tilespmem:s15], [sflag:$0x1] =	stream.indirect_vreg.gather [hbm4b:s14+s3], $0x80, v3, vm0, $0xb8;
	[tilespmem:$0x14600] =	vst v63  }
0x48: {  	s12 =	rddreg [dreg:$0xb];
	s13 =	simm.s32 $0x2800  }
0x49: {  	[tilespmem:s13], [sflag:$0x1] =	stream.indirect_vreg.gather [hbm4b:s12+s3], $0x80, v3, vm0, $0xb8;
	[tilespmem:$0x14600] =	vst v63  }
0x4a: {  	s14 =	rddreg [dreg:$0xc];
	s15 =	simm.s32 $0x3000  }
0x4b: {  	[tilespmem:s15], [sflag:$0x1] =	stream.indirect_vreg.gather [hbm4b:s14+s3], $0x80, v3, vm0, $0xb8;
	[tilespmem:$0x14600] =	vst v63  }
0x4c: {  	s12 =	rddreg [dreg:$0xd];
	s13 =	simm.s32 $0x3800  }
0x4d: {  	[tilespmem:s13], [sflag:$0x1] =	stream.indirect_vreg.gather [hbm4b:s12+s3], $0x80, v3, vm0, $0xb8;
	[tilespmem:$0x14600] =	vst v63  }
0x4e: {  	s14 =	rddreg [dreg:$0xe];
	s15 =	simm.s32 $0x4000  }
0x4f: {  	[tilespmem:s15], [sflag:$0x1] =	stream.indirect_vreg.gather [hbm4b:s14+s3], $0x80, v3, vm0, $0xb8;
	[tilespmem:$0x14600] =	vst v63  }
0x50: {  	s11 =	rddreg [dreg:$0xf];
	s12 =	simm.s32 $0x4800  }
0x51: {  	[tilespmem:s12], [sflag:$0x1] =	stream.indirect_vreg.gather [hbm4b:s11+s3], $0x80, v3, vm0, $0xb8;
	[tilespmem:$0x14600] =	vst v63  }
0x52: {  	s13 =	rddreg [dreg:$0x10];
	s14 =	simm.s32 $0x5000  }
0x53: {  	[tilespmem:s14], [sflag:$0x1] =	stream.indirect_vreg.gather [hbm4b:s13+s3], $0x80, v3, vm0, $0xb8;
	[tilespmem:$0x14600] =	vst v63  }
0x54: {  	s15 =	simm.s32 $0x5800  }
0x55: {  	[tilespmem:s15], [sflag:$0x1] =	stream.indirect_vreg.gather [hbm4b:s16+s3], $0x80, v3, vm0, $0xb8;
	[tilespmem:$0x14600] =	vst v63  }
0x56: {  	s11 =	simm.s32 $0x6000  }
0x57: {  	[tilespmem:s11], [sflag:$0x1] =	stream.indirect_vreg.gather [hbm4b:s17+s3], $0x80, v3, vm0, $0xb8;
	[tilespmem:$0x14600] =	vst v63  }
0x58: {  	s12 =	simm.s32 $0x6800  }
0x59: {  	[tilespmem:s12], [sflag:$0x1] =	stream.indirect_vreg.gather [hbm4b:s18+s3], $0x80, v3, vm0, $0xb8;
	[tilespmem:$0x14600] =	vst v63  }
0x5a: {  	s13 =	simm.s32 $0x7000  }
0x5b: {  	[tilespmem:s13], [sflag:$0x1] =	stream.indirect_vreg.gather [hbm4b:s19+s3], $0x80, v3, vm0, $0xb8;
	[tilespmem:$0x14600] =	vst v63  }
0x5c: {  	s14 =	simm.s32 $0x7800  }
0x5d: {  	[tilespmem:s14], [sflag:$0x1] =	stream.indirect_vreg.gather [hbm4b:s20+s3], $0x80, v3, vm0, $0xb8;
	[tilespmem:$0x14600] =	vst v63  }
0x5e: {  	s15 =	simm.s32 $0x8000  }
0x5f: {  	[tilespmem:s15], [sflag:$0x1] =	stream.indirect_vreg.gather [hbm4b:s21+s3], $0x80, v3, vm0, $0xb8;
	[tilespmem:$0x14600] =	vst v63  }
0x60: {  	s11 =	simm.s32 $0x8800  }
0x61: {  	[tilespmem:s11], [sflag:$0x1] =	stream.indirect_vreg.gather [hbm4b:s26+s3], $0x80, v3, vm0, $0xb8;
	[tilespmem:$0x14600] =	vst v63  }
0x62: {  	s12 =	simm.s32 $0x9000  }
0x63: {  	[tilespmem:s12], [sflag:$0x1] =	stream.indirect_vreg.gather [hbm4b:s28+s3], $0x80, v3, vm0, $0xb8;
	[tilespmem:$0x14600] =	vst v63  }
0x64: {  	s13 =	simm.s32 $0x9800  }
0x65: {  	[tilespmem:s13], [sflag:$0x1] =	stream.indirect_vreg.gather [hbm4b:s29+s3], $0x80, v3, vm0, $0xb8;
	[tilespmem:$0x14600] =	vst v63  }
0x66: {  	s14 =	simm.s32 $0xA000  }
0x67: {  	[tilespmem:s14], [sflag:$0x1] =	stream.indirect_vreg.gather [hbm4b:s30+s3], $0x80, v3, vm0, $0xb8;
	[tilespmem:$0x14600] =	vst v63  }
0x68: {  	s15 =	simm.s32 $0xA800  }
0x69: {  	[tilespmem:s15], [sflag:$0x1] =	stream.indirect_vreg.gather [hbm4b:s31+s3], $0x80, v3, vm0, $0xb8;
	[tilespmem:$0x14600] =	vst v63  }
0x6a: {  	s11 =	simm.s32 $0xB000  }
0x6b: {  	[tilespmem:s11], [sflag:$0x1] =	stream.indirect_vreg.gather [hbm4b:s2+s3], $0x80, v3, vm0, $0xb8;
	[tilespmem:$0x14600] =	vst v63  }
0x6c: {  	s12 =	simm.s32 $0xB800  }
0x6d: {  	[tilespmem:s12], [sflag:$0x1] =	stream.indirect_vreg.gather [hbm4b:s0+s3], $0x80, v3, vm0, $0xb8;
	[tilespmem:$0x14600] =	vst v63  }
0x6e: {  	s13 =	simm.s32 $0xC000  }
0x6f: {  	[tilespmem:s13], [sflag:$0x1] =	stream.indirect_vreg.gather [hbm4b:s4+s3], $0x80, v3, vm0, $0xb8;
	[tilespmem:$0x14600] =	vst v63  }
0x70: {  	s14 =	simm.s32 $0xC800  }
0x71: {  	[tilespmem:s14], [sflag:$0x1] =	stream.indirect_vreg.gather [hbm4b:s5+s3], $0x80, v3, vm0, $0xb8;
	[tilespmem:$0x14600] =	vst v63  }
0x72: {  	s15 =	simm.s32 $0xD000  }
0x73: {  	[tilespmem:s15], [sflag:$0x1] =	stream.indirect_vreg.gather [hbm4b:s23+s3], $0x80, v3, vm0, $0xb8;
	[tilespmem:$0x14600] =	vst v63  }
0x74: {  	s11 =	simm.s32 $0xD800  }
0x75: {  	[tilespmem:s11], [sflag:$0x1] =	stream.indirect_vreg.gather [hbm4b:s24+s3], $0x80, v3, vm0, $0xb8;
	[tilespmem:$0x14600] =	vst v63  }
0x76: {  	s12 =	simm.s32 $0xE000  }
0x77: {  	[tilespmem:s12], [sflag:$0x1] =	stream.indirect_vreg.gather [hbm4b:s25+s3], $0x80, v3, vm0, $0xb8;
	[tilespmem:$0x14600] =	vst v63  }
0x78: {  	s13 =	simm.s32 $0xE800  }
0x79: {  	[tilespmem:s13], [sflag:$0x1] =	stream.indirect_vreg.gather [hbm4b:s1+s3], $0x80, v3, vm0, $0xb8;
	[tilespmem:$0x14600] =	vst v63  }
0x7a: {  	s14 =	simm.s32 $0xF000  }
0x7b: {  	[tilespmem:s14], [sflag:$0x1] =	stream.indirect_vreg.gather [hbm4b:s6+s3], $0x80, v3, vm0, $0xb8;
	[tilespmem:$0x14600] =	vst v63  }
0x7c: {  	s10 =	simm.s32 $0x0;
	s15 =	simm.s32 $0xF800  }
0x7d: {  	[tilespmem:s15], [sflag:$0x1] =	stream.indirect_vreg.gather [hbm4b:s7+s3], $0x80, v3, vm0, $0xb8;
	[tilespmem:$0x14600] =	vst v63  }
.LBB2_2:
0x7e: {  	_ =	swait.ge [sflag:s8], $0x10000  }
0x7f: {  	s11 =	sshll.u32 s10, $0xD;
	s12 =	simm.s32 $0x0;
	[sflag:s8] =	ssyncset.done $0x0  }
0x80: {  	s14 =	sshll.u32 s10, $0x4;
	s11 =	sadd.s32 s11, s22;
	[sflag:s8] =	ssyncadd.s32 $0xFFFF0000  }
0x81: {  	[hbm4b:s11+s12] =	stream.linear.scatter [tilespmem:s12], [sflag:$0x2], $0x10000, $0x38;
	[tilespmem:$0x14600] =	vst v63  }
0x82: {  	s11 =	sand.u32 $0x3FFFFFF0, s14  }
0x83: {  	v3 =	vld [tilespmem:s11+$0x10200];
	_ =	sdelay $0x4  }
0x84: {  	(v2sf) =	vpush v3, $0x0;
	_ =	sdelay $0xe  }
0x85: {  	s11 =	spop (v2sf)  }
0x86: {  	p0 =	sgt.s32 s11, $0x0  }
0x87: {  	s11 =	simm.s32 @!p0 $0x0  }
0x88: {  	s15 =	sshll.u32 s11, $0x3  }
0x89: {  	s13 =	sand.u32 $0x70, s11;
	s12 =	sand.u32 $0xFFFFFC00, s15  }
0x8a: {  	s12 =	sor.u32 s13, s12  }
0x8b: {  	v4 =	vld [tilespmem:s12+$0x0];
	_ =	sdelay $0x1  }
0x8c: {  	s11 =	sand.u32 $0xF, s11  }
0x8d: {  	v5 =	vmov s11  }
0x8e: {  	vm1 =	veq.s32 v5, v0  }
0x8f: {  	s11 =	sshll.u32 s10, $0x7;
	v4 =	vnsel vm1, $0x0, v4  }
0x90: {  	s13 =	simm.s32 $0x0;
	[tilespmem:s11+$0x10600] =	vst v4  }
0x91: {  	v4 =	vld [tilespmem:s13+$0x30]  }
0x92: {  	v5 =	vld [tilespmem:s13+$0x70]  }
0x93: {  	v6 =	vld [tilespmem:s13+$0x20]  }
0x94: {  	v7 =	vld [tilespmem:s13+$0x60]  }
0x95: {  	v8 =	vld [tilespmem:s13+$0x40]  }
0x96: {  	v9 =	vld [tilespmem:s13+$0x10];
	v4 =	vmul.f32 $1.442695020e+00, v4  }
0x97: {  	v10 =	vld [tilespmem:s13+$0x0];
	v5 =	vmul.f32 $1.442695020e+00, v5  }
0x98: {  	s14 =	simm.s32 $0x400;
	v11 =	vld [tilespmem:s13+$0x50];
	v6 =	vmul.f32 $1.442695020e+00, v6;
	(erf) = vpow2.f32 v4  }
0x99: {  	v4 =	vmul.f32 $1.442695020e+00, v7;
	(erf) = vpow2.f32 v5;
	v5 =	vld [tilespmem:s14+$0x30]  }
0x9a: {  	v8 =	vmul.f32 $1.442695020e+00, v8;
	(erf) = vpow2.f32 v6;
	v6 =	vld [tilespmem:s14+$0x70]  }
0x9b: {  	v9 =	vmul.f32 $1.442695020e+00, v9;
	(erf) = vpow2.f32 v4;
	v4 =	vld [tilespmem:s14+$0x20]  }
0x9c: {  	v10 =	vmul.f32 $1.442695020e+00, v10;
	v7 =	vld [tilespmem:s14+$0x60];
	(erf) = vpow2.f32 v8  }
0x9d: {  	v8 =	vmul.f32 $1.442695020e+00, v11;
	v11 =	vld [tilespmem:s14+$0x40];
	(erf) = vpow2.f32 v9  }
0x9e: {  	v12 =	vld [tilespmem:s14+$0x50];
	v5 =	vmul.f32 $1.442695020e+00, v5;
	(erf) = vpow2.f32 v10  }
0x9f: {  	s15 =	simm.s32 $0x800;
	v9 =	vld [tilespmem:s14+$0x10];
	(erf) = vpow2.f32 v8  }
0xa0: {  	v13 =	vld [tilespmem:s15+$0x70];
	v6 =	vmul.f32 $1.442695020e+00, v6;
	v4 =	vmul.f32 $1.442695020e+00, v4  }
0xa1: {  	v7 =	vmul.f32 $1.442695020e+00, v7;
	v10 =	vld [tilespmem:s14+$0x0];
	(erf) = vpow2.f32 v5  }
0xa2: {  	v18 =	vld [tilespmem:s15+$0x30];
	v5 =	vpop (erf);
	(erf) = vpow2.f32 v6;
	v6 =	vmul.f32 $1.442695020e+00, v11  }
0xa3: {  	v17 =	vpop (erf);
	(erf) = vpow2.f32 v4  }
0xa4: {  	v19 =	vld [tilespmem:s15+$0x20];
	v21 =	vmul.f32 $1.442695020e+00, v12;
	v11 =	vimm.f32 $0.0e+00;
	v9 =	vmul.f32 $1.442695020e+00, v9;
	v4 =	vpop (erf)  }
0xa5: {  	v16 =	vld [tilespmem:s15+$0x60];
	v15 =	vmul.f32 $1.442695020e+00, v13;
	(erf) = vpow2.f32 v7;
	v4 =	vadd.f32 v4, v11;
	v7 =	vpop (erf)  }
0xa6: {  	v14 =	vld [tilespmem:s15+$0x40];
	v20 =	vmul.f32 $1.442695020e+00, v10;
	v5 =	vadd.f32 v5, v11;
	(erf) = vpow2.f32 v6;
	v6 =	vpop (erf)  }
0xa7: {  	v18 =	vmul.f32 $1.442695020e+00, v18;
	v12 =	vld [tilespmem:s15+$0x50];
	(erf) = vpow2.f32 v9;
	v4 =	vadd.f32 v7, v4;
	v7 =	vpop (erf)  }
0xa8: {  	v10 =	vld [tilespmem:s15+$0x10];
	v5 =	vadd.f32 v17, v5;
	(erf) = vpow2.f32 v20;
	v7 =	vadd.f32 v7, v11;
	v9 =	vpop (erf)  }
0xa9: {  	s12 =	simm.s32 $0xC00;
	v8 =	vld [tilespmem:s15+$0x0];
	v17 =	vmul.f32 $1.442695020e+00, v19;
	(erf) = vpow2.f32 v21;
	v19 =	vpop (erf);
	v13 =	vadd.f32 v9, v11  }
0xaa: {  	s13 =	simm.s32 $0x4000;
	v9 =	vld [tilespmem:s12+$0x60];
	(erf) = vpow2.f32 v18;
	v11 =	vpop (erf);
	v7 =	vadd.f32 v19, v7  }
.LBB2_3:
0xab: {  	p0 =	sne.s32 s13, $0x3F000;
	v18 =	vld [tilespmem:s12+$0x70];
	v16 =	vmul.f32 $1.442695020e+00, v16;
	(erf) = vpow2.f32 v15;
	v19 =	vpop (erf);
	v13 =	vadd.f32 v6, v13;
	s14 =	smov.u32 s13;
	s13 =	sadd.s32 $0x1000, s13  }
0xac: {  	v20 =	vld [tilespmem:s12+$0x30];
	v15 =	vmul.f32 $1.442695020e+00, v14;
	(erf) = vpow2.f32 v17;
	v14 =	vpop (erf)  }
0xad: {  	v21 =	vmul.f32 $1.442695020e+00, v10;
	v5 =	vadd.f32 v11, v5;
	v17 =	vld [tilespmem:s12+$0x20];
	v4 =	vadd.f32 v14, v4  }
0xae: {  	v22 =	vmul.f32 $1.442695020e+00, v8;
	v8 =	vld [tilespmem:s12+$0x0];
	(erf) = vpow2.f32 v16;
	v14 =	vpop (erf)  }
.Ltmp2:
0xaf: {  	v23 =	vmul.f32 $1.442695020e+00, v12;
	v10 =	vld [tilespmem:s12+$0x10];
	(erf) = vpow2.f32 v15;
	v4 =	vadd.f32 v14, v4;
	v6 =	vpop (erf);
	(pc) =	sbr.rel @p0 .LBB2_3-.Ltmp2, $4  }
0xb0: {  	v5 =	vadd.f32 v19, v5;
	v14 =	vld [tilespmem:s12+$0x40];
	v15 =	vmul.f32 $1.442695020e+00, v18;
	(erf) = vpow2.f32 v21;
	v18 =	vpop (erf)  }
0xb1: {  	v19 =	vmul.f32 $1.442695020e+00, v20;
	v12 =	vld [tilespmem:s12+$0x50];
	(erf) = vpow2.f32 v22;
	v7 =	vadd.f32 v18, v7;
	v11 =	vpop (erf)  }
0xb2: {  	s12 =	sshra.s32 s14, $0x2;
	v17 =	vmul.f32 $1.442695020e+00, v17;
	(erf) = vpow2.f32 v23;
	v13 =	vadd.f32 v11, v13;
	v16 =	vpop (erf)  }
0xb3: {  	(erf) = vpow2.f32 v19;
	v11 =	vpop (erf);
	v7 =	vadd.f32 v16, v7;
	v16 =	vmov v9;
	v9 =	vld [tilespmem:s12+$0x60]  }
0xb4: {  	v16 =	vmul.f32 $1.442695020e+00, v16;
	(erf) = vpow2.f32 v15;
	v15 =	vld [tilespmem:s12+$0x30]  }
0xb5: {  	v18 =	vld [tilespmem:s12+$0x70];
	v14 =	vmul.f32 $1.442695020e+00, v14  }
0xb6: {  	v19 =	vpop (erf);
	v20 =	vld [tilespmem:s12+$0x20];
	v10 =	vmul.f32 $1.442695020e+00, v10;
	(erf) = vpow2.f32 v17  }
0xb7: {  	v8 =	vmul.f32 $1.442695020e+00, v8;
	v17 =	vpop (erf);
	(erf) = vpow2.f32 v16  }
0xb8: {  	v21 =	vld [tilespmem:s12+$0x40];
	v12 =	vmul.f32 $1.442695020e+00, v12;
	v16 =	vpop (erf);
	(erf) = vpow2.f32 v14  }
0xb9: {  	v14 =	vpop (erf);
	(erf) = vpow2.f32 v10;
	v10 =	vld [tilespmem:s12+$0x10];
	v15 =	vmul.f32 $1.442695020e+00, v15  }
0xba: {  	v18 =	vmul.f32 $1.442695020e+00, v18;
	v22 =	vpop (erf);
	(erf) = vpow2.f32 v8  }
0xbb: {  	v8 =	vld [tilespmem:s12+$0x0];
	v23 =	vpop (erf);
	(erf) = vpow2.f32 v12;
	v12 =	vmul.f32 $1.442695020e+00, v20  }
0xbc: {  	v9 =	vmul.f32 $1.442695020e+00, v9;
	v60 =	vpop (erf);
	(erf) = vpow2.f32 v15  }
0xbd: {  	v21 =	vmul.f32 $1.442695020e+00, v21;
	v15 =	vld [tilespmem:s12+$0x50];
	v24 =	vpop (erf);
	(erf) = vpow2.f32 v18  }
0xbe: {  	v18 =	vpop (erf);
	(erf) = vpow2.f32 v12;
	v10 =	vmul.f32 $1.442695020e+00, v10  }
0xbf: {  	v12 =	vpop (erf);
	(erf) = vpow2.f32 v9  }
0xc0: {  	v8 =	vmul.f32 $1.442695020e+00, v8;
	v9 =	vpop (erf);
	(erf) = vpow2.f32 v21  }
0xc1: {  	v61 =	vpop (erf);
	(erf) = vpow2.f32 v10  }
0xc2: {  	(v2sf) =	vpush v3, $0x1;
	v10 =	vpop (erf);
	(erf) = vpow2.f32 v8;
	v8 =	vmul.f32 $1.442695020e+00, v15;
	_ =	sdelay $0x1  }
0xc3: {  	v6 =	vadd.f32 v6, v13  }
0xc4: {  	v5 =	vadd.f32 v11, v5;
	v4 =	vadd.f32 v17, v4;
	v11 =	vpop (erf)  }
0xc5: {  	v7 =	vadd.f32 v22, v7;
	v6 =	vadd.f32 v23, v6;
	(erf) = vpow2.f32 v8;
	v8 =	vpop (erf)  }
0xc6: {  	v5 =	vadd.f32 v19, v5;
	v4 =	vadd.f32 v16, v4;
	v13 =	vpop (erf)  }
0xc7: {  	v7 =	vadd.f32 v60, v7;
	v6 =	vadd.f32 v14, v6;
	v14 =	vpop (erf)  }
0xc8: {  	v5 =	vadd.f32 v24, v5;
	v4 =	vadd.f32 v12, v4;
	v12 =	vpop (erf)  }
0xc9: {  	v7 =	vadd.f32 v10, v7;
	v6 =	vadd.f32 v11, v6;
	v10 =	vpop (erf)  }
0xca: {  	v5 =	vadd.f32 v18, v5;
	v4 =	vadd.f32 v9, v4;
	v9 =	vpop (erf)  }
0xcb: {  	v6 =	vadd.f32 v61, v6;
	v7 =	vadd.f32 v8, v7;
	v8 =	vpop (erf)  }
0xcc: {  	v5 =	vadd.f32 v13, v5;
	v4 =	vadd.f32 v12, v4;
	v11 =	vpop (erf)  }
0xcd: {  	v7 =	vadd.f32 v8, v7;
	v6 =	vadd.f32 v11, v6  }
0xce: {  	v5 =	vadd.f32 v14, v5;
	v4 =	vadd.f32 v10, v4;
	v8 =	vpop (erf)  }
0xcf: {  	v7 =	vadd.f32 v8, v7;
	v6 =	vadd.f32 v9, v6  }
0xd0: {  	s12 =	spop (v2sf)  }
0xd1: {  	p0 =	sgt.s32 s12, $0x0;
	v4 =	vadd.f32 v5, v4;
	v6 =	vadd.f32 v7, v6  }
0xd2: {  	s12 =	simm.s32 @!p0 $0x0  }
0xd3: {  	s13 =	sshll.u32 s12, $0x3;
	v4 =	vadd.f32 v4, v6  }
0xd4: {  	s14 =	sand.u32 $0x70, s12;
	s13 =	sand.u32 $0xFFFFFC00, s13  }
0xd5: {  	s13 =	sor.u32 s14, s13;
	[tilespmem:s11+$0x12600] =	vst v4  }
0xd6: {  	v4 =	vld [tilespmem:s13+$0x80];
	_ =	sdelay $0x1  }
0xd7: {  	s12 =	sand.u32 $0xF, s12  }
0xd8: {  	v5 =	vmov s12  }
0xd9: {  	vm1 =	veq.s32 v5, v0  }
0xda: {  	v4 =	vnsel vm1, $0x0, v4  }
0xdb: {  	s13 =	simm.s32 $0x0;
	[tilespmem:s11+$0x10610] =	vst v4  }
0xdc: {  	v4 =	vld [tilespmem:s13+$0xB0]  }
0xdd: {  	v5 =	vld [tilespmem:s13+$0xF0]  }
0xde: {  	v6 =	vld [tilespmem:s13+$0xA0]  }
0xdf: {  	v7 =	vld [tilespmem:s13+$0xE0]  }
0xe0: {  	v8 =	vld [tilespmem:s13+$0xC0]  }
0xe1: {  	v9 =	vld [tilespmem:s13+$0x90];
	v4 =	vmul.f32 $1.442695020e+00, v4  }
0xe2: {  	v10 =	vld [tilespmem:s13+$0x80];
	v5 =	vmul.f32 $1.442695020e+00, v5  }
0xe3: {  	s14 =	simm.s32 $0x400;
	v11 =	vld [tilespmem:s13+$0xD0];
	v6 =	vmul.f32 $1.442695020e+00, v6;
	(erf) = vpow2.f32 v4  }
0xe4: {  	v4 =	vmul.f32 $1.442695020e+00, v7;
	(erf) = vpow2.f32 v5;
	v5 =	vld [tilespmem:s14+$0xB0]  }
0xe5: {  	v8 =	vmul.f32 $1.442695020e+00, v8;
	(erf) = vpow2.f32 v6;
	v6 =	vld [tilespmem:s14+$0xF0]  }
0xe6: {  	v9 =	vmul.f32 $1.442695020e+00, v9;
	(erf) = vpow2.f32 v4;
	v4 =	vld [tilespmem:s14+$0xA0]  }
0xe7: {  	v10 =	vmul.f32 $1.442695020e+00, v10;
	v7 =	vld [tilespmem:s14+$0xE0];
	(erf) = vpow2.f32 v8  }
0xe8: {  	v8 =	vmul.f32 $1.442695020e+00, v11;
	v11 =	vld [tilespmem:s14+$0xC0];
	(erf) = vpow2.f32 v9  }
0xe9: {  	v12 =	vld [tilespmem:s14+$0xD0];
	v5 =	vmul.f32 $1.442695020e+00, v5;
	(erf) = vpow2.f32 v10  }
0xea: {  	s15 =	simm.s32 $0x800;
	v9 =	vld [tilespmem:s14+$0x90];
	(erf) = vpow2.f32 v8  }
0xeb: {  	v13 =	vld [tilespmem:s15+$0xF0];
	v6 =	vmul.f32 $1.442695020e+00, v6;
	v4 =	vmul.f32 $1.442695020e+00, v4  }
0xec: {  	v7 =	vmul.f32 $1.442695020e+00, v7;
	v10 =	vld [tilespmem:s14+$0x80];
	(erf) = vpow2.f32 v5  }
0xed: {  	v18 =	vld [tilespmem:s15+$0xB0];
	(erf) = vpow2.f32 v6;
	v6 =	vmul.f32 $1.442695020e+00, v11;
	v5 =	vpop (erf)  }
0xee: {  	(erf) = vpow2.f32 v4;
	v17 =	vpop (erf)  }
0xef: {  	v19 =	vld [tilespmem:s15+$0xA0];
	v63 =	vmul.f32 $1.442695020e+00, v12;
	v11 =	vimm.f32 $0.0e+00;
	v9 =	vmul.f32 $1.442695020e+00, v9;
	v4 =	vpop (erf)  }
0xf0: {  	v16 =	vld [tilespmem:s15+$0xE0];
	v15 =	vmul.f32 $1.442695020e+00, v13;
	(erf) = vpow2.f32 v7;
	v4 =	vadd.f32 v4, v11;
	v7 =	vpop (erf)  }
0xf1: {  	v14 =	vld [tilespmem:s15+$0xC0];
	v62 =	vmul.f32 $1.442695020e+00, v10;
	v5 =	vadd.f32 v5, v11;
	(erf) = vpow2.f32 v6;
	v6 =	vpop (erf)  }
0xf2: {  	v18 =	vmul.f32 $1.442695020e+00, v18;
	v12 =	vld [tilespmem:s15+$0xD0];
	(erf) = vpow2.f32 v9;
	v4 =	vadd.f32 v7, v4;
	v7 =	vpop (erf)  }
0xf3: {  	v10 =	vld [tilespmem:s15+$0x90];
	v5 =	vadd.f32 v17, v5;
	(erf) = vpow2.f32 v62;
	v7 =	vadd.f32 v7, v11;
	v9 =	vpop (erf)  }
0xf4: {  	s13 =	simm.s32 $0xC00;
	v8 =	vld [tilespmem:s15+$0x80];
	v17 =	vmul.f32 $1.442695020e+00, v19;
	(erf) = vpow2.f32 v63;
	v19 =	vpop (erf);
	v13 =	vadd.f32 v9, v11  }
0xf5: {  	s12 =	sor.u32 $0x10, s11;
	s14 =	simm.s32 $0x4000;
	v9 =	vld [tilespmem:s13+$0xE0];
	(erf) = vpow2.f32 v18;
	v11 =	vpop (erf);
	v7 =	vadd.f32 v19, v7  }
.LBB2_5:
0xf6: {  	p0 =	sne.s32 s14, $0x3F000;
	v18 =	vld [tilespmem:s13+$0xF0];
	v16 =	vmul.f32 $1.442695020e+00, v16;
	(erf) = vpow2.f32 v15;
	v19 =	vpop (erf);
	v13 =	vadd.f32 v6, v13;
	s15 =	smov.u32 s14;
	s14 =	sadd.s32 $0x1000, s14  }
0xf7: {  	v20 =	vld [tilespmem:s13+$0xB0];
	v15 =	vmul.f32 $1.442695020e+00, v14;
	(erf) = vpow2.f32 v17;
	v14 =	vpop (erf)  }
0xf8: {  	v21 =	vmul.f32 $1.442695020e+00, v10;
	v5 =	vadd.f32 v11, v5;
	v17 =	vld [tilespmem:s13+$0xA0];
	v4 =	vadd.f32 v14, v4  }
0xf9: {  	v22 =	vmul.f32 $1.442695020e+00, v8;
	v8 =	vld [tilespmem:s13+$0x80];
	(erf) = vpow2.f32 v16;
	v14 =	vpop (erf)  }
.Ltmp3:
0xfa: {  	v23 =	vmul.f32 $1.442695020e+00, v12;
	v10 =	vld [tilespmem:s13+$0x90];
	(erf) = vpow2.f32 v15;
	v4 =	vadd.f32 v14, v4;
	v6 =	vpop (erf);
	(pc) =	sbr.rel @p0 .LBB2_5-.Ltmp3, $4  }
0xfb: {  	v5 =	vadd.f32 v19, v5;
	v14 =	vld [tilespmem:s13+$0xC0];
	v15 =	vmul.f32 $1.442695020e+00, v18;
	(erf) = vpow2.f32 v21;
	v18 =	vpop (erf)  }
0xfc: {  	v19 =	vmul.f32 $1.442695020e+00, v20;
	v12 =	vld [tilespmem:s13+$0xD0];
	(erf) = vpow2.f32 v22;
	v7 =	vadd.f32 v18, v7;
	v11 =	vpop (erf)  }
0xfd: {  	s13 =	sshra.s32 s15, $0x2;
	v17 =	vmul.f32 $1.442695020e+00, v17;
	(erf) = vpow2.f32 v23;
	v13 =	vadd.f32 v11, v13;
	v16 =	vpop (erf)  }
0xfe: {  	(erf) = vpow2.f32 v19;
	v11 =	vpop (erf);
	v7 =	vadd.f32 v16, v7;
	v16 =	vmov v9;
	v9 =	vld [tilespmem:s13+$0xE0]  }
0xff: {  	v16 =	vmul.f32 $1.442695020e+00, v16;
	(erf) = vpow2.f32 v15;
	v15 =	vld [tilespmem:s13+$0xB0]  }
0x100: {  	v18 =	vld [tilespmem:s13+$0xF0];
	v14 =	vmul.f32 $1.442695020e+00, v14  }
0x101: {  	v19 =	vpop (erf);
	v20 =	vld [tilespmem:s13+$0xA0];
	v10 =	vmul.f32 $1.442695020e+00, v10;
	(erf) = vpow2.f32 v17  }
0x102: {  	v8 =	vmul.f32 $1.442695020e+00, v8;
	v17 =	vpop (erf);
	(erf) = vpow2.f32 v16  }
0x103: {  	v21 =	vld [tilespmem:s13+$0xC0];
	v12 =	vmul.f32 $1.442695020e+00, v12;
	v16 =	vpop (erf);
	(erf) = vpow2.f32 v14  }
0x104: {  	v14 =	vpop (erf);
	(erf) = vpow2.f32 v10;
	v10 =	vld [tilespmem:s13+$0x90];
	v15 =	vmul.f32 $1.442695020e+00, v15  }
0x105: {  	v18 =	vmul.f32 $1.442695020e+00, v18;
	v22 =	vpop (erf);
	(erf) = vpow2.f32 v8  }
0x106: {  	v8 =	vld [tilespmem:s13+$0x80];
	v23 =	vpop (erf);
	(erf) = vpow2.f32 v12;
	v12 =	vmul.f32 $1.442695020e+00, v20  }
0x107: {  	v9 =	vmul.f32 $1.442695020e+00, v9;
	v60 =	vpop (erf);
	(erf) = vpow2.f32 v15  }
0x108: {  	v21 =	vmul.f32 $1.442695020e+00, v21;
	v15 =	vld [tilespmem:s13+$0xD0];
	v24 =	vpop (erf);
	(erf) = vpow2.f32 v18  }
0x109: {  	v18 =	vpop (erf);
	(erf) = vpow2.f32 v12;
	v10 =	vmul.f32 $1.442695020e+00, v10  }
0x10a: {  	v12 =	vpop (erf);
	(erf) = vpow2.f32 v9  }
0x10b: {  	v8 =	vmul.f32 $1.442695020e+00, v8;
	v9 =	vpop (erf);
	(erf) = vpow2.f32 v21  }
0x10c: {  	v61 =	vpop (erf);
	(erf) = vpow2.f32 v10  }
0x10d: {  	(v2sf) =	vpush v3, $0x2;
	v10 =	vpop (erf);
	(erf) = vpow2.f32 v8;
	v8 =	vmul.f32 $1.442695020e+00, v15;
	_ =	sdelay $0x1  }
0x10e: {  	v6 =	vadd.f32 v6, v13  }
0x10f: {  	v5 =	vadd.f32 v11, v5;
	v4 =	vadd.f32 v17, v4;
	v11 =	vpop (erf)  }
0x110: {  	v7 =	vadd.f32 v22, v7;
	v6 =	vadd.f32 v23, v6;
	(erf) = vpow2.f32 v8;
	v8 =	vpop (erf)  }
0x111: {  	v5 =	vadd.f32 v19, v5;
	v4 =	vadd.f32 v16, v4;
	v13 =	vpop (erf)  }
0x112: {  	v7 =	vadd.f32 v60, v7;
	v6 =	vadd.f32 v14, v6;
	v14 =	vpop (erf)  }
0x113: {  	v5 =	vadd.f32 v24, v5;
	v4 =	vadd.f32 v12, v4;
	v12 =	vpop (erf)  }
0x114: {  	v7 =	vadd.f32 v10, v7;
	v6 =	vadd.f32 v11, v6;
	v10 =	vpop (erf)  }
0x115: {  	v5 =	vadd.f32 v18, v5;
	v4 =	vadd.f32 v9, v4;
	v9 =	vpop (erf)  }
0x116: {  	v6 =	vadd.f32 v61, v6;
	v7 =	vadd.f32 v8, v7;
	v8 =	vpop (erf)  }
0x117: {  	v5 =	vadd.f32 v13, v5;
	v4 =	vadd.f32 v12, v4;
	v11 =	vpop (erf)  }
0x118: {  	v7 =	vadd.f32 v8, v7;
	v6 =	vadd.f32 v11, v6  }
0x119: {  	v5 =	vadd.f32 v14, v5;
	v4 =	vadd.f32 v10, v4;
	v8 =	vpop (erf)  }
0x11a: {  	v7 =	vadd.f32 v8, v7;
	v6 =	vadd.f32 v9, v6  }
0x11b: {  	s13 =	spop (v2sf)  }
0x11c: {  	p0 =	sgt.s32 s13, $0x0;
	v4 =	vadd.f32 v5, v4;
	v6 =	vadd.f32 v7, v6  }
0x11d: {  	s13 =	simm.s32 @!p0 $0x0  }
0x11e: {  	s14 =	sshll.u32 s13, $0x3;
	v4 =	vadd.f32 v4, v6  }
0x11f: {  	s15 =	sand.u32 $0x70, s13;
	s14 =	sand.u32 $0xFFFFFC00, s14  }
0x120: {  	s14 =	sor.u32 s15, s14;
	[tilespmem:s12+$0x12600] =	vst v4  }
0x121: {  	v4 =	vld [tilespmem:s14+$0x100];
	_ =	sdelay $0x1  }
0x122: {  	s15 =	sand.u32 $0xF, s13  }
0x123: {  	v5 =	vmov s15  }
0x124: {  	vm1 =	veq.s32 v5, v0  }
0x125: {  	v4 =	vnsel vm1, $0x0, v4  }
0x126: {  	s13 =	simm.s32 $0x0;
	[tilespmem:s11+$0x10620] =	vst v4  }
0x127: {  	v4 =	vld [tilespmem:s13+$0x130]  }
0x128: {  	v5 =	vld [tilespmem:s13+$0x170]  }
0x129: {  	v6 =	vld [tilespmem:s13+$0x120]  }
0x12a: {  	v7 =	vld [tilespmem:s13+$0x160]  }
0x12b: {  	v8 =	vld [tilespmem:s13+$0x140]  }
0x12c: {  	v9 =	vld [tilespmem:s13+$0x110];
	v4 =	vmul.f32 $1.442695020e+00, v4  }
0x12d: {  	v10 =	vld [tilespmem:s13+$0x100];
	v5 =	vmul.f32 $1.442695020e+00, v5  }
0x12e: {  	s14 =	simm.s32 $0x400;
	v11 =	vld [tilespmem:s13+$0x150];
	v6 =	vmul.f32 $1.442695020e+00, v6;
	(erf) = vpow2.f32 v4  }
0x12f: {  	v4 =	vmul.f32 $1.442695020e+00, v7;
	(erf) = vpow2.f32 v5;
	v5 =	vld [tilespmem:s14+$0x130]  }
0x130: {  	v8 =	vmul.f32 $1.442695020e+00, v8;
	(erf) = vpow2.f32 v6;
	v6 =	vld [tilespmem:s14+$0x170]  }
0x131: {  	v9 =	vmul.f32 $1.442695020e+00, v9;
	(erf) = vpow2.f32 v4;
	v4 =	vld [tilespmem:s14+$0x120]  }
0x132: {  	v10 =	vmul.f32 $1.442695020e+00, v10;
	v7 =	vld [tilespmem:s14+$0x160];
	(erf) = vpow2.f32 v8  }
0x133: {  	v8 =	vmul.f32 $1.442695020e+00, v11;
	v11 =	vld [tilespmem:s14+$0x140];
	(erf) = vpow2.f32 v9  }
0x134: {  	v12 =	vld [tilespmem:s14+$0x150];
	v5 =	vmul.f32 $1.442695020e+00, v5;
	(erf) = vpow2.f32 v10  }
0x135: {  	s15 =	simm.s32 $0x800;
	v9 =	vld [tilespmem:s14+$0x110];
	(erf) = vpow2.f32 v8  }
0x136: {  	v13 =	vld [tilespmem:s15+$0x170];
	v6 =	vmul.f32 $1.442695020e+00, v6;
	v4 =	vmul.f32 $1.442695020e+00, v4  }
0x137: {  	v7 =	vmul.f32 $1.442695020e+00, v7;
	v10 =	vld [tilespmem:s14+$0x100];
	(erf) = vpow2.f32 v5  }
0x138: {  	v18 =	vld [tilespmem:s15+$0x130];
	(erf) = vpow2.f32 v6;
	v6 =	vmul.f32 $1.442695020e+00, v11;
	v5 =	vpop (erf)  }
0x139: {  	(erf) = vpow2.f32 v4;
	v17 =	vpop (erf)  }
0x13a: {  	v19 =	vld [tilespmem:s15+$0x120];
	v63 =	vmul.f32 $1.442695020e+00, v12;
	v11 =	vimm.f32 $0.0e+00;
	v9 =	vmul.f32 $1.442695020e+00, v9;
	v4 =	vpop (erf)  }
0x13b: {  	v16 =	vld [tilespmem:s15+$0x160];
	v15 =	vmul.f32 $1.442695020e+00, v13;
	(erf) = vpow2.f32 v7;
	v4 =	vadd.f32 v4, v11;
	v7 =	vpop (erf)  }
0x13c: {  	v14 =	vld [tilespmem:s15+$0x140];
	v62 =	vmul.f32 $1.442695020e+00, v10;
	v5 =	vadd.f32 v5, v11;
	(erf) = vpow2.f32 v6;
	v6 =	vpop (erf)  }
0x13d: {  	v18 =	vmul.f32 $1.442695020e+00, v18;
	v12 =	vld [tilespmem:s15+$0x150];
	(erf) = vpow2.f32 v9;
	v4 =	vadd.f32 v7, v4;
	v7 =	vpop (erf)  }
0x13e: {  	v10 =	vld [tilespmem:s15+$0x110];
	v5 =	vadd.f32 v17, v5;
	(erf) = vpow2.f32 v62;
	v7 =	vadd.f32 v7, v11;
	v9 =	vpop (erf)  }
0x13f: {  	s13 =	simm.s32 $0xC00;
	v8 =	vld [tilespmem:s15+$0x100];
	v17 =	vmul.f32 $1.442695020e+00, v19;
	(erf) = vpow2.f32 v63;
	v19 =	vpop (erf);
	v13 =	vadd.f32 v9, v11  }
0x140: {  	s12 =	sor.u32 $0x20, s11;
	s14 =	simm.s32 $0x4000;
	v9 =	vld [tilespmem:s13+$0x160];
	(erf) = vpow2.f32 v18;
	v11 =	vpop (erf);
	v7 =	vadd.f32 v19, v7  }
.LBB2_7:
0x141: {  	p0 =	sne.s32 s14, $0x3F000;
	v18 =	vld [tilespmem:s13+$0x170];
	v16 =	vmul.f32 $1.442695020e+00, v16;
	(erf) = vpow2.f32 v15;
	v19 =	vpop (erf);
	v13 =	vadd.f32 v6, v13;
	s15 =	smov.u32 s14;
	s14 =	sadd.s32 $0x1000, s14  }
0x142: {  	v20 =	vld [tilespmem:s13+$0x130];
	v15 =	vmul.f32 $1.442695020e+00, v14;
	(erf) = vpow2.f32 v17;
	v14 =	vpop (erf)  }
0x143: {  	v21 =	vmul.f32 $1.442695020e+00, v10;
	v5 =	vadd.f32 v11, v5;
	v17 =	vld [tilespmem:s13+$0x120];
	v4 =	vadd.f32 v14, v4  }
0x144: {  	v22 =	vmul.f32 $1.442695020e+00, v8;
	v8 =	vld [tilespmem:s13+$0x100];
	(erf) = vpow2.f32 v16;
	v14 =	vpop (erf)  }
.Ltmp4:
0x145: {  	v23 =	vmul.f32 $1.442695020e+00, v12;
	v10 =	vld [tilespmem:s13+$0x110];
	(erf) = vpow2.f32 v15;
	v4 =	vadd.f32 v14, v4;
	v6 =	vpop (erf);
	(pc) =	sbr.rel @p0 .LBB2_7-.Ltmp4, $4  }
0x146: {  	v5 =	vadd.f32 v19, v5;
	v14 =	vld [tilespmem:s13+$0x140];
	v15 =	vmul.f32 $1.442695020e+00, v18;
	(erf) = vpow2.f32 v21;
	v18 =	vpop (erf)  }
0x147: {  	v19 =	vmul.f32 $1.442695020e+00, v20;
	v12 =	vld [tilespmem:s13+$0x150];
	(erf) = vpow2.f32 v22;
	v7 =	vadd.f32 v18, v7;
	v11 =	vpop (erf)  }
0x148: {  	s13 =	sshra.s32 s15, $0x2;
	v17 =	vmul.f32 $1.442695020e+00, v17;
	(erf) = vpow2.f32 v23;
	v13 =	vadd.f32 v11, v13;
	v16 =	vpop (erf)  }
0x149: {  	(erf) = vpow2.f32 v19;
	v11 =	vpop (erf);
	v7 =	vadd.f32 v16, v7;
	v16 =	vmov v9;
	v9 =	vld [tilespmem:s13+$0x160]  }
0x14a: {  	v16 =	vmul.f32 $1.442695020e+00, v16;
	(erf) = vpow2.f32 v15;
	v15 =	vld [tilespmem:s13+$0x130]  }
0x14b: {  	v18 =	vld [tilespmem:s13+$0x170];
	v14 =	vmul.f32 $1.442695020e+00, v14  }
0x14c: {  	v19 =	vpop (erf);
	v20 =	vld [tilespmem:s13+$0x120];
	v10 =	vmul.f32 $1.442695020e+00, v10;
	(erf) = vpow2.f32 v17  }
0x14d: {  	v8 =	vmul.f32 $1.442695020e+00, v8;
	v17 =	vpop (erf);
	(erf) = vpow2.f32 v16  }
0x14e: {  	v21 =	vld [tilespmem:s13+$0x140];
	v12 =	vmul.f32 $1.442695020e+00, v12;
	v16 =	vpop (erf);
	(erf) = vpow2.f32 v14  }
0x14f: {  	v14 =	vpop (erf);
	(erf) = vpow2.f32 v10;
	v10 =	vld [tilespmem:s13+$0x110];
	v15 =	vmul.f32 $1.442695020e+00, v15  }
0x150: {  	v18 =	vmul.f32 $1.442695020e+00, v18;
	v22 =	vpop (erf);
	(erf) = vpow2.f32 v8  }
0x151: {  	v8 =	vld [tilespmem:s13+$0x100];
	v23 =	vpop (erf);
	(erf) = vpow2.f32 v12;
	v12 =	vmul.f32 $1.442695020e+00, v20  }
0x152: {  	v9 =	vmul.f32 $1.442695020e+00, v9;
	v60 =	vpop (erf);
	(erf) = vpow2.f32 v15  }
0x153: {  	v21 =	vmul.f32 $1.442695020e+00, v21;
	v15 =	vld [tilespmem:s13+$0x150];
	v24 =	vpop (erf);
	(erf) = vpow2.f32 v18  }
0x154: {  	v18 =	vpop (erf);
	(erf) = vpow2.f32 v12;
	v10 =	vmul.f32 $1.442695020e+00, v10  }
0x155: {  	v12 =	vpop (erf);
	(erf) = vpow2.f32 v9  }
0x156: {  	v8 =	vmul.f32 $1.442695020e+00, v8;
	v9 =	vpop (erf);
	(erf) = vpow2.f32 v21  }
0x157: {  	v61 =	vpop (erf);
	(erf) = vpow2.f32 v10  }
0x158: {  	(v2sf) =	vpush v3, $0x3;
	v10 =	vpop (erf);
	(erf) = vpow2.f32 v8;
	v8 =	vmul.f32 $1.442695020e+00, v15;
	_ =	sdelay $0x1  }
0x159: {  	v6 =	vadd.f32 v6, v13  }
0x15a: {  	v5 =	vadd.f32 v11, v5;
	v4 =	vadd.f32 v17, v4;
	v11 =	vpop (erf)  }
0x15b: {  	v7 =	vadd.f32 v22, v7;
	v6 =	vadd.f32 v23, v6;
	(erf) = vpow2.f32 v8;
	v8 =	vpop (erf)  }
0x15c: {  	v5 =	vadd.f32 v19, v5;
	v4 =	vadd.f32 v16, v4;
	v13 =	vpop (erf)  }
0x15d: {  	v7 =	vadd.f32 v60, v7;
	v6 =	vadd.f32 v14, v6;
	v14 =	vpop (erf)  }
0x15e: {  	v5 =	vadd.f32 v24, v5;
	v4 =	vadd.f32 v12, v4;
	v12 =	vpop (erf)  }
0x15f: {  	v7 =	vadd.f32 v10, v7;
	v6 =	vadd.f32 v11, v6;
	v10 =	vpop (erf)  }
0x160: {  	v5 =	vadd.f32 v18, v5;
	v4 =	vadd.f32 v9, v4;
	v9 =	vpop (erf)  }
0x161: {  	v6 =	vadd.f32 v61, v6;
	v7 =	vadd.f32 v8, v7;
	v8 =	vpop (erf)  }
0x162: {  	v5 =	vadd.f32 v13, v5;
	v4 =	vadd.f32 v12, v4;
	v11 =	vpop (erf)  }
0x163: {  	v7 =	vadd.f32 v8, v7;
	v6 =	vadd.f32 v11, v6  }
0x164: {  	v5 =	vadd.f32 v14, v5;
	v4 =	vadd.f32 v10, v4;
	v8 =	vpop (erf)  }
0x165: {  	v7 =	vadd.f32 v8, v7;
	v6 =	vadd.f32 v9, v6  }
0x166: {  	s13 =	spop (v2sf)  }
0x167: {  	p0 =	sgt.s32 s13, $0x0;
	v4 =	vadd.f32 v5, v4;
	v6 =	vadd.f32 v7, v6  }
0x168: {  	s13 =	simm.s32 @!p0 $0x0  }
0x169: {  	s14 =	sshll.u32 s13, $0x3;
	v4 =	vadd.f32 v4, v6  }
0x16a: {  	s15 =	sand.u32 $0x70, s13;
	s14 =	sand.u32 $0xFFFFFC00, s14  }
0x16b: {  	s14 =	sor.u32 s15, s14;
	[tilespmem:s12+$0x12600] =	vst v4  }
0x16c: {  	v4 =	vld [tilespmem:s14+$0x180];
	_ =	sdelay $0x1  }
0x16d: {  	s15 =	sand.u32 $0xF, s13  }
0x16e: {  	v5 =	vmov s15  }
0x16f: {  	vm1 =	veq.s32 v5, v0  }
0x170: {  	v4 =	vnsel vm1, $0x0, v4  }
0x171: {  	s13 =	simm.s32 $0x0;
	[tilespmem:s11+$0x10630] =	vst v4  }
0x172: {  	v4 =	vld [tilespmem:s13+$0x1B0]  }
0x173: {  	v5 =	vld [tilespmem:s13+$0x1F0]  }
0x174: {  	v6 =	vld [tilespmem:s13+$0x1A0]  }
0x175: {  	v7 =	vld [tilespmem:s13+$0x1E0]  }
0x176: {  	v8 =	vld [tilespmem:s13+$0x1C0]  }
0x177: {  	v9 =	vld [tilespmem:s13+$0x190];
	v4 =	vmul.f32 $1.442695020e+00, v4  }
0x178: {  	v10 =	vld [tilespmem:s13+$0x180];
	v5 =	vmul.f32 $1.442695020e+00, v5  }
0x179: {  	s14 =	simm.s32 $0x400;
	v11 =	vld [tilespmem:s13+$0x1D0];
	v6 =	vmul.f32 $1.442695020e+00, v6;
	(erf) = vpow2.f32 v4  }
0x17a: {  	v4 =	vmul.f32 $1.442695020e+00, v7;
	(erf) = vpow2.f32 v5;
	v5 =	vld [tilespmem:s14+$0x1B0]  }
0x17b: {  	v8 =	vmul.f32 $1.442695020e+00, v8;
	(erf) = vpow2.f32 v6;
	v6 =	vld [tilespmem:s14+$0x1F0]  }
0x17c: {  	v9 =	vmul.f32 $1.442695020e+00, v9;
	(erf) = vpow2.f32 v4;
	v4 =	vld [tilespmem:s14+$0x1A0]  }
0x17d: {  	v10 =	vmul.f32 $1.442695020e+00, v10;
	v7 =	vld [tilespmem:s14+$0x1E0];
	(erf) = vpow2.f32 v8  }
0x17e: {  	v8 =	vmul.f32 $1.442695020e+00, v11;
	v11 =	vld [tilespmem:s14+$0x1C0];
	(erf) = vpow2.f32 v9  }
0x17f: {  	v12 =	vld [tilespmem:s14+$0x1D0];
	v5 =	vmul.f32 $1.442695020e+00, v5;
	(erf) = vpow2.f32 v10  }
0x180: {  	s15 =	simm.s32 $0x800;
	v9 =	vld [tilespmem:s14+$0x190];
	(erf) = vpow2.f32 v8  }
0x181: {  	v13 =	vld [tilespmem:s15+$0x1F0];
	v6 =	vmul.f32 $1.442695020e+00, v6;
	v4 =	vmul.f32 $1.442695020e+00, v4  }
0x182: {  	v7 =	vmul.f32 $1.442695020e+00, v7;
	v10 =	vld [tilespmem:s14+$0x180];
	(erf) = vpow2.f32 v5  }
0x183: {  	v18 =	vld [tilespmem:s15+$0x1B0];
	(erf) = vpow2.f32 v6;
	v6 =	vmul.f32 $1.442695020e+00, v11;
	v5 =	vpop (erf)  }
0x184: {  	(erf) = vpow2.f32 v4;
	v17 =	vpop (erf)  }
0x185: {  	v19 =	vld [tilespmem:s15+$0x1A0];
	v63 =	vmul.f32 $1.442695020e+00, v12;
	v11 =	vimm.f32 $0.0e+00;
	v9 =	vmul.f32 $1.442695020e+00, v9;
	v4 =	vpop (erf)  }
0x186: {  	v16 =	vld [tilespmem:s15+$0x1E0];
	v15 =	vmul.f32 $1.442695020e+00, v13;
	(erf) = vpow2.f32 v7;
	v4 =	vadd.f32 v4, v11;
	v7 =	vpop (erf)  }
0x187: {  	v14 =	vld [tilespmem:s15+$0x1C0];
	v62 =	vmul.f32 $1.442695020e+00, v10;
	v5 =	vadd.f32 v5, v11;
	(erf) = vpow2.f32 v6;
	v6 =	vpop (erf)  }
0x188: {  	v18 =	vmul.f32 $1.442695020e+00, v18;
	v12 =	vld [tilespmem:s15+$0x1D0];
	(erf) = vpow2.f32 v9;
	v4 =	vadd.f32 v7, v4;
	v7 =	vpop (erf)  }
0x189: {  	v10 =	vld [tilespmem:s15+$0x190];
	v5 =	vadd.f32 v17, v5;
	(erf) = vpow2.f32 v62;
	v7 =	vadd.f32 v7, v11;
	v9 =	vpop (erf)  }
0x18a: {  	s13 =	simm.s32 $0xC00;
	v8 =	vld [tilespmem:s15+$0x180];
	v17 =	vmul.f32 $1.442695020e+00, v19;
	(erf) = vpow2.f32 v63;
	v19 =	vpop (erf);
	v13 =	vadd.f32 v9, v11  }
0x18b: {  	s12 =	sor.u32 $0x30, s11;
	s14 =	simm.s32 $0x4000;
	v9 =	vld [tilespmem:s13+$0x1E0];
	(erf) = vpow2.f32 v18;
	v11 =	vpop (erf);
	v7 =	vadd.f32 v19, v7  }
.LBB2_9:
0x18c: {  	p0 =	sne.s32 s14, $0x3F000;
	v18 =	vld [tilespmem:s13+$0x1F0];
	v16 =	vmul.f32 $1.442695020e+00, v16;
	(erf) = vpow2.f32 v15;
	v19 =	vpop (erf);
	v13 =	vadd.f32 v6, v13;
	s15 =	smov.u32 s14;
	s14 =	sadd.s32 $0x1000, s14  }
0x18d: {  	v20 =	vld [tilespmem:s13+$0x1B0];
	v15 =	vmul.f32 $1.442695020e+00, v14;
	(erf) = vpow2.f32 v17;
	v14 =	vpop (erf)  }
0x18e: {  	v21 =	vmul.f32 $1.442695020e+00, v10;
	v5 =	vadd.f32 v11, v5;
	v17 =	vld [tilespmem:s13+$0x1A0];
	v4 =	vadd.f32 v14, v4  }
0x18f: {  	v22 =	vmul.f32 $1.442695020e+00, v8;
	v8 =	vld [tilespmem:s13+$0x180];
	(erf) = vpow2.f32 v16;
	v14 =	vpop (erf)  }
.Ltmp5:
0x190: {  	v23 =	vmul.f32 $1.442695020e+00, v12;
	v10 =	vld [tilespmem:s13+$0x190];
	(erf) = vpow2.f32 v15;
	v4 =	vadd.f32 v14, v4;
	v6 =	vpop (erf);
	(pc) =	sbr.rel @p0 .LBB2_9-.Ltmp5, $4  }
0x191: {  	v5 =	vadd.f32 v19, v5;
	v14 =	vld [tilespmem:s13+$0x1C0];
	v15 =	vmul.f32 $1.442695020e+00, v18;
	(erf) = vpow2.f32 v21;
	v18 =	vpop (erf)  }
0x192: {  	v19 =	vmul.f32 $1.442695020e+00, v20;
	v12 =	vld [tilespmem:s13+$0x1D0];
	(erf) = vpow2.f32 v22;
	v7 =	vadd.f32 v18, v7;
	v11 =	vpop (erf)  }
0x193: {  	s13 =	sshra.s32 s15, $0x2;
	v17 =	vmul.f32 $1.442695020e+00, v17;
	(erf) = vpow2.f32 v23;
	v13 =	vadd.f32 v11, v13;
	v16 =	vpop (erf)  }
0x194: {  	(erf) = vpow2.f32 v19;
	v11 =	vpop (erf);
	v7 =	vadd.f32 v16, v7;
	v16 =	vmov v9;
	v9 =	vld [tilespmem:s13+$0x1E0]  }
0x195: {  	v16 =	vmul.f32 $1.442695020e+00, v16;
	(erf) = vpow2.f32 v15;
	v15 =	vld [tilespmem:s13+$0x1B0]  }
0x196: {  	v18 =	vld [tilespmem:s13+$0x1F0];
	v14 =	vmul.f32 $1.442695020e+00, v14  }
0x197: {  	v19 =	vpop (erf);
	v20 =	vld [tilespmem:s13+$0x1A0];
	v10 =	vmul.f32 $1.442695020e+00, v10;
	(erf) = vpow2.f32 v17  }
0x198: {  	v8 =	vmul.f32 $1.442695020e+00, v8;
	v17 =	vpop (erf);
	(erf) = vpow2.f32 v16  }
0x199: {  	v21 =	vld [tilespmem:s13+$0x1C0];
	v12 =	vmul.f32 $1.442695020e+00, v12;
	v16 =	vpop (erf);
	(erf) = vpow2.f32 v14  }
0x19a: {  	v14 =	vpop (erf);
	(erf) = vpow2.f32 v10;
	v10 =	vld [tilespmem:s13+$0x190];
	v15 =	vmul.f32 $1.442695020e+00, v15  }
0x19b: {  	v18 =	vmul.f32 $1.442695020e+00, v18;
	v22 =	vpop (erf);
	(erf) = vpow2.f32 v8  }
0x19c: {  	v8 =	vld [tilespmem:s13+$0x180];
	v23 =	vpop (erf);
	(erf) = vpow2.f32 v12;
	v12 =	vmul.f32 $1.442695020e+00, v20  }
0x19d: {  	v9 =	vmul.f32 $1.442695020e+00, v9;
	v60 =	vpop (erf);
	(erf) = vpow2.f32 v15  }
0x19e: {  	v21 =	vmul.f32 $1.442695020e+00, v21;
	v15 =	vld [tilespmem:s13+$0x1D0];
	v24 =	vpop (erf);
	(erf) = vpow2.f32 v18  }
0x19f: {  	v18 =	vpop (erf);
	(erf) = vpow2.f32 v12;
	v10 =	vmul.f32 $1.442695020e+00, v10  }
0x1a0: {  	v12 =	vpop (erf);
	(erf) = vpow2.f32 v9  }
0x1a1: {  	v8 =	vmul.f32 $1.442695020e+00, v8;
	v9 =	vpop (erf);
	(erf) = vpow2.f32 v21  }
0x1a2: {  	v61 =	vpop (erf);
	(erf) = vpow2.f32 v10  }
0x1a3: {  	(v2sf) =	vpush v3, $0x4;
	v10 =	vpop (erf);
	(erf) = vpow2.f32 v8;
	v8 =	vmul.f32 $1.442695020e+00, v15;
	_ =	sdelay $0x1  }
0x1a4: {  	v6 =	vadd.f32 v6, v13  }
0x1a5: {  	v5 =	vadd.f32 v11, v5;
	v4 =	vadd.f32 v17, v4;
	v11 =	vpop (erf)  }
0x1a6: {  	v7 =	vadd.f32 v22, v7;
	v6 =	vadd.f32 v23, v6;
	(erf) = vpow2.f32 v8;
	v8 =	vpop (erf)  }
0x1a7: {  	v5 =	vadd.f32 v19, v5;
	v4 =	vadd.f32 v16, v4;
	v13 =	vpop (erf)  }
0x1a8: {  	v7 =	vadd.f32 v60, v7;
	v6 =	vadd.f32 v14, v6;
	v14 =	vpop (erf)  }
0x1a9: {  	v5 =	vadd.f32 v24, v5;
	v4 =	vadd.f32 v12, v4;
	v12 =	vpop (erf)  }
0x1aa: {  	v7 =	vadd.f32 v10, v7;
	v6 =	vadd.f32 v11, v6;
	v10 =	vpop (erf)  }
0x1ab: {  	v5 =	vadd.f32 v18, v5;
	v4 =	vadd.f32 v9, v4;
	v9 =	vpop (erf)  }
0x1ac: {  	v6 =	vadd.f32 v61, v6;
	v7 =	vadd.f32 v8, v7;
	v8 =	vpop (erf)  }
0x1ad: {  	v5 =	vadd.f32 v13, v5;
	v4 =	vadd.f32 v12, v4;
	v11 =	vpop (erf)  }
0x1ae: {  	v7 =	vadd.f32 v8, v7;
	v6 =	vadd.f32 v11, v6  }
0x1af: {  	v5 =	vadd.f32 v14, v5;
	v4 =	vadd.f32 v10, v4;
	v8 =	vpop (erf)  }
0x1b0: {  	v7 =	vadd.f32 v8, v7;
	v6 =	vadd.f32 v9, v6  }
0x1b1: {  	s13 =	spop (v2sf)  }
0x1b2: {  	p0 =	sgt.s32 s13, $0x0;
	v4 =	vadd.f32 v5, v4;
	v6 =	vadd.f32 v7, v6  }
0x1b3: {  	s13 =	simm.s32 @!p0 $0x0  }
0x1b4: {  	s14 =	sshll.u32 s13, $0x3;
	v4 =	vadd.f32 v4, v6  }
0x1b5: {  	s15 =	sand.u32 $0x70, s13;
	s14 =	sand.u32 $0xFFFFFC00, s14  }
0x1b6: {  	s14 =	sor.u32 s15, s14;
	[tilespmem:s12+$0x12600] =	vst v4  }
0x1b7: {  	v4 =	vld [tilespmem:s14+$0x200];
	_ =	sdelay $0x1  }
0x1b8: {  	s15 =	sand.u32 $0xF, s13  }
0x1b9: {  	v5 =	vmov s15  }
0x1ba: {  	vm1 =	veq.s32 v5, v0  }
0x1bb: {  	v4 =	vnsel vm1, $0x0, v4  }
0x1bc: {  	s13 =	simm.s32 $0x0;
	[tilespmem:s11+$0x10640] =	vst v4  }
0x1bd: {  	v4 =	vld [tilespmem:s13+$0x230]  }
0x1be: {  	v5 =	vld [tilespmem:s13+$0x270]  }
0x1bf: {  	v6 =	vld [tilespmem:s13+$0x220]  }
0x1c0: {  	v7 =	vld [tilespmem:s13+$0x260]  }
0x1c1: {  	v8 =	vld [tilespmem:s13+$0x240]  }
0x1c2: {  	v9 =	vld [tilespmem:s13+$0x210];
	v4 =	vmul.f32 $1.442695020e+00, v4  }
0x1c3: {  	v10 =	vld [tilespmem:s13+$0x200];
	v5 =	vmul.f32 $1.442695020e+00, v5  }
0x1c4: {  	s14 =	simm.s32 $0x400;
	v11 =	vld [tilespmem:s13+$0x250];
	v6 =	vmul.f32 $1.442695020e+00, v6;
	(erf) = vpow2.f32 v4  }
0x1c5: {  	v4 =	vmul.f32 $1.442695020e+00, v7;
	(erf) = vpow2.f32 v5;
	v5 =	vld [tilespmem:s14+$0x230]  }
0x1c6: {  	v8 =	vmul.f32 $1.442695020e+00, v8;
	(erf) = vpow2.f32 v6;
	v6 =	vld [tilespmem:s14+$0x270]  }
0x1c7: {  	v9 =	vmul.f32 $1.442695020e+00, v9;
	(erf) = vpow2.f32 v4;
	v4 =	vld [tilespmem:s14+$0x220]  }
0x1c8: {  	v10 =	vmul.f32 $1.442695020e+00, v10;
	v7 =	vld [tilespmem:s14+$0x260];
	(erf) = vpow2.f32 v8  }
0x1c9: {  	v8 =	vmul.f32 $1.442695020e+00, v11;
	v11 =	vld [tilespmem:s14+$0x240];
	(erf) = vpow2.f32 v9  }
0x1ca: {  	v12 =	vld [tilespmem:s14+$0x250];
	v5 =	vmul.f32 $1.442695020e+00, v5;
	(erf) = vpow2.f32 v10  }
0x1cb: {  	s15 =	simm.s32 $0x800;
	v9 =	vld [tilespmem:s14+$0x210];
	(erf) = vpow2.f32 v8  }
0x1cc: {  	v13 =	vld [tilespmem:s15+$0x270];
	v6 =	vmul.f32 $1.442695020e+00, v6;
	v4 =	vmul.f32 $1.442695020e+00, v4  }
0x1cd: {  	v7 =	vmul.f32 $1.442695020e+00, v7;
	v10 =	vld [tilespmem:s14+$0x200];
	(erf) = vpow2.f32 v5  }
0x1ce: {  	v18 =	vld [tilespmem:s15+$0x230];
	(erf) = vpow2.f32 v6;
	v6 =	vmul.f32 $1.442695020e+00, v11;
	v5 =	vpop (erf)  }
0x1cf: {  	(erf) = vpow2.f32 v4;
	v17 =	vpop (erf)  }
0x1d0: {  	v19 =	vld [tilespmem:s15+$0x220];
	v63 =	vmul.f32 $1.442695020e+00, v12;
	v11 =	vimm.f32 $0.0e+00;
	v9 =	vmul.f32 $1.442695020e+00, v9;
	v4 =	vpop (erf)  }
0x1d1: {  	v16 =	vld [tilespmem:s15+$0x260];
	v15 =	vmul.f32 $1.442695020e+00, v13;
	(erf) = vpow2.f32 v7;
	v4 =	vadd.f32 v4, v11;
	v7 =	vpop (erf)  }
0x1d2: {  	v14 =	vld [tilespmem:s15+$0x240];
	v62 =	vmul.f32 $1.442695020e+00, v10;
	v5 =	vadd.f32 v5, v11;
	(erf) = vpow2.f32 v6;
	v6 =	vpop (erf)  }
0x1d3: {  	v18 =	vmul.f32 $1.442695020e+00, v18;
	v12 =	vld [tilespmem:s15+$0x250];
	(erf) = vpow2.f32 v9;
	v4 =	vadd.f32 v7, v4;
	v7 =	vpop (erf)  }
0x1d4: {  	v10 =	vld [tilespmem:s15+$0x210];
	v5 =	vadd.f32 v17, v5;
	(erf) = vpow2.f32 v62;
	v7 =	vadd.f32 v7, v11;
	v9 =	vpop (erf)  }
0x1d5: {  	s13 =	simm.s32 $0xC00;
	v8 =	vld [tilespmem:s15+$0x200];
	v17 =	vmul.f32 $1.442695020e+00, v19;
	(erf) = vpow2.f32 v63;
	v19 =	vpop (erf);
	v13 =	vadd.f32 v9, v11  }
0x1d6: {  	s12 =	sor.u32 $0x40, s11;
	s14 =	simm.s32 $0x4000;
	v9 =	vld [tilespmem:s13+$0x260];
	(erf) = vpow2.f32 v18;
	v11 =	vpop (erf);
	v7 =	vadd.f32 v19, v7  }
.LBB2_11:
0x1d7: {  	p0 =	sne.s32 s14, $0x3F000;
	v18 =	vld [tilespmem:s13+$0x270];
	v16 =	vmul.f32 $1.442695020e+00, v16;
	(erf) = vpow2.f32 v15;
	v19 =	vpop (erf);
	v13 =	vadd.f32 v6, v13;
	s15 =	smov.u32 s14;
	s14 =	sadd.s32 $0x1000, s14  }
0x1d8: {  	v20 =	vld [tilespmem:s13+$0x230];
	v15 =	vmul.f32 $1.442695020e+00, v14;
	(erf) = vpow2.f32 v17;
	v14 =	vpop (erf)  }
0x1d9: {  	v21 =	vmul.f32 $1.442695020e+00, v10;
	v5 =	vadd.f32 v11, v5;
	v17 =	vld [tilespmem:s13+$0x220];
	v4 =	vadd.f32 v14, v4  }
0x1da: {  	v22 =	vmul.f32 $1.442695020e+00, v8;
	v8 =	vld [tilespmem:s13+$0x200];
	(erf) = vpow2.f32 v16;
	v14 =	vpop (erf)  }
.Ltmp6:
0x1db: {  	v23 =	vmul.f32 $1.442695020e+00, v12;
	v10 =	vld [tilespmem:s13+$0x210];
	(erf) = vpow2.f32 v15;
	v4 =	vadd.f32 v14, v4;
	v6 =	vpop (erf);
	(pc) =	sbr.rel @p0 .LBB2_11-.Ltmp6, $4  }
0x1dc: {  	v5 =	vadd.f32 v19, v5;
	v14 =	vld [tilespmem:s13+$0x240];
	v15 =	vmul.f32 $1.442695020e+00, v18;
	(erf) = vpow2.f32 v21;
	v18 =	vpop (erf)  }
0x1dd: {  	v19 =	vmul.f32 $1.442695020e+00, v20;
	v12 =	vld [tilespmem:s13+$0x250];
	(erf) = vpow2.f32 v22;
	v7 =	vadd.f32 v18, v7;
	v11 =	vpop (erf)  }
0x1de: {  	s13 =	sshra.s32 s15, $0x2;
	v17 =	vmul.f32 $1.442695020e+00, v17;
	(erf) = vpow2.f32 v23;
	v13 =	vadd.f32 v11, v13;
	v16 =	vpop (erf)  }
0x1df: {  	(erf) = vpow2.f32 v19;
	v11 =	vpop (erf);
	v7 =	vadd.f32 v16, v7;
	v16 =	vmov v9;
	v9 =	vld [tilespmem:s13+$0x260]  }
0x1e0: {  	v16 =	vmul.f32 $1.442695020e+00, v16;
	(erf) = vpow2.f32 v15;
	v15 =	vld [tilespmem:s13+$0x230]  }
0x1e1: {  	v18 =	vld [tilespmem:s13+$0x270];
	v14 =	vmul.f32 $1.442695020e+00, v14  }
0x1e2: {  	v19 =	vpop (erf);
	v20 =	vld [tilespmem:s13+$0x220];
	v10 =	vmul.f32 $1.442695020e+00, v10;
	(erf) = vpow2.f32 v17  }
0x1e3: {  	v8 =	vmul.f32 $1.442695020e+00, v8;
	v17 =	vpop (erf);
	(erf) = vpow2.f32 v16  }
0x1e4: {  	v21 =	vld [tilespmem:s13+$0x240];
	v12 =	vmul.f32 $1.442695020e+00, v12;
	v16 =	vpop (erf);
	(erf) = vpow2.f32 v14  }
0x1e5: {  	v14 =	vpop (erf);
	(erf) = vpow2.f32 v10;
	v10 =	vld [tilespmem:s13+$0x210];
	v15 =	vmul.f32 $1.442695020e+00, v15  }
0x1e6: {  	v18 =	vmul.f32 $1.442695020e+00, v18;
	v22 =	vpop (erf);
	(erf) = vpow2.f32 v8  }
0x1e7: {  	v8 =	vld [tilespmem:s13+$0x200];
	v23 =	vpop (erf);
	(erf) = vpow2.f32 v12;
	v12 =	vmul.f32 $1.442695020e+00, v20  }
0x1e8: {  	v9 =	vmul.f32 $1.442695020e+00, v9;
	v60 =	vpop (erf);
	(erf) = vpow2.f32 v15  }
0x1e9: {  	v21 =	vmul.f32 $1.442695020e+00, v21;
	v15 =	vld [tilespmem:s13+$0x250];
	v24 =	vpop (erf);
	(erf) = vpow2.f32 v18  }
0x1ea: {  	v18 =	vpop (erf);
	(erf) = vpow2.f32 v12;
	v10 =	vmul.f32 $1.442695020e+00, v10  }
0x1eb: {  	v12 =	vpop (erf);
	(erf) = vpow2.f32 v9  }
0x1ec: {  	v8 =	vmul.f32 $1.442695020e+00, v8;
	v9 =	vpop (erf);
	(erf) = vpow2.f32 v21  }
0x1ed: {  	v61 =	vpop (erf);
	(erf) = vpow2.f32 v10  }
0x1ee: {  	(v2sf) =	vpush v3, $0x5;
	v10 =	vpop (erf);
	(erf) = vpow2.f32 v8;
	v8 =	vmul.f32 $1.442695020e+00, v15;
	_ =	sdelay $0x1  }
0x1ef: {  	v6 =	vadd.f32 v6, v13  }
0x1f0: {  	v5 =	vadd.f32 v11, v5;
	v4 =	vadd.f32 v17, v4;
	v11 =	vpop (erf)  }
0x1f1: {  	v7 =	vadd.f32 v22, v7;
	v6 =	vadd.f32 v23, v6;
	(erf) = vpow2.f32 v8;
	v8 =	vpop (erf)  }
0x1f2: {  	v5 =	vadd.f32 v19, v5;
	v4 =	vadd.f32 v16, v4;
	v13 =	vpop (erf)  }
0x1f3: {  	v7 =	vadd.f32 v60, v7;
	v6 =	vadd.f32 v14, v6;
	v14 =	vpop (erf)  }
0x1f4: {  	v5 =	vadd.f32 v24, v5;
	v4 =	vadd.f32 v12, v4;
	v12 =	vpop (erf)  }
0x1f5: {  	v7 =	vadd.f32 v10, v7;
	v6 =	vadd.f32 v11, v6;
	v10 =	vpop (erf)  }
0x1f6: {  	v5 =	vadd.f32 v18, v5;
	v4 =	vadd.f32 v9, v4;
	v9 =	vpop (erf)  }
0x1f7: {  	v6 =	vadd.f32 v61, v6;
	v7 =	vadd.f32 v8, v7;
	v8 =	vpop (erf)  }
0x1f8: {  	v5 =	vadd.f32 v13, v5;
	v4 =	vadd.f32 v12, v4;
	v11 =	vpop (erf)  }
0x1f9: {  	v7 =	vadd.f32 v8, v7;
	v6 =	vadd.f32 v11, v6  }
0x1fa: {  	v5 =	vadd.f32 v14, v5;
	v4 =	vadd.f32 v10, v4;
	v8 =	vpop (erf)  }
0x1fb: {  	v7 =	vadd.f32 v8, v7;
	v6 =	vadd.f32 v9, v6  }
0x1fc: {  	s13 =	spop (v2sf)  }
0x1fd: {  	p0 =	sgt.s32 s13, $0x0;
	v4 =	vadd.f32 v5, v4;
	v6 =	vadd.f32 v7, v6  }
0x1fe: {  	s13 =	simm.s32 @!p0 $0x0  }
0x1ff: {  	s14 =	sshll.u32 s13, $0x3;
	v4 =	vadd.f32 v4, v6  }
0x200: {  	s15 =	sand.u32 $0x70, s13;
	s14 =	sand.u32 $0xFFFFFC00, s14  }
0x201: {  	s14 =	sor.u32 s15, s14;
	[tilespmem:s12+$0x12600] =	vst v4  }
0x202: {  	v4 =	vld [tilespmem:s14+$0x280];
	_ =	sdelay $0x1  }
0x203: {  	s15 =	sand.u32 $0xF, s13  }
0x204: {  	v5 =	vmov s15  }
0x205: {  	vm1 =	veq.s32 v5, v0  }
0x206: {  	v4 =	vnsel vm1, $0x0, v4  }
0x207: {  	s13 =	simm.s32 $0x0;
	[tilespmem:s11+$0x10650] =	vst v4  }
0x208: {  	v4 =	vld [tilespmem:s13+$0x2B0]  }
0x209: {  	v5 =	vld [tilespmem:s13+$0x2F0]  }
0x20a: {  	v6 =	vld [tilespmem:s13+$0x2A0]  }
0x20b: {  	v7 =	vld [tilespmem:s13+$0x2E0]  }
0x20c: {  	v8 =	vld [tilespmem:s13+$0x2C0]  }
0x20d: {  	v9 =	vld [tilespmem:s13+$0x290];
	v4 =	vmul.f32 $1.442695020e+00, v4  }
0x20e: {  	v10 =	vld [tilespmem:s13+$0x280];
	v5 =	vmul.f32 $1.442695020e+00, v5  }
0x20f: {  	s14 =	simm.s32 $0x400;
	v11 =	vld [tilespmem:s13+$0x2D0];
	v6 =	vmul.f32 $1.442695020e+00, v6;
	(erf) = vpow2.f32 v4  }
0x210: {  	v4 =	vmul.f32 $1.442695020e+00, v7;
	(erf) = vpow2.f32 v5;
	v5 =	vld [tilespmem:s14+$0x2B0]  }
0x211: {  	v8 =	vmul.f32 $1.442695020e+00, v8;
	(erf) = vpow2.f32 v6;
	v6 =	vld [tilespmem:s14+$0x2F0]  }
0x212: {  	v9 =	vmul.f32 $1.442695020e+00, v9;
	(erf) = vpow2.f32 v4;
	v4 =	vld [tilespmem:s14+$0x2A0]  }
0x213: {  	v10 =	vmul.f32 $1.442695020e+00, v10;
	v7 =	vld [tilespmem:s14+$0x2E0];
	(erf) = vpow2.f32 v8  }
0x214: {  	v8 =	vmul.f32 $1.442695020e+00, v11;
	v11 =	vld [tilespmem:s14+$0x2C0];
	(erf) = vpow2.f32 v9  }
0x215: {  	v12 =	vld [tilespmem:s14+$0x2D0];
	v5 =	vmul.f32 $1.442695020e+00, v5;
	(erf) = vpow2.f32 v10  }
0x216: {  	s15 =	simm.s32 $0x800;
	v9 =	vld [tilespmem:s14+$0x290];
	(erf) = vpow2.f32 v8  }
0x217: {  	v13 =	vld [tilespmem:s15+$0x2F0];
	v6 =	vmul.f32 $1.442695020e+00, v6;
	v4 =	vmul.f32 $1.442695020e+00, v4  }
0x218: {  	v7 =	vmul.f32 $1.442695020e+00, v7;
	v10 =	vld [tilespmem:s14+$0x280];
	(erf) = vpow2.f32 v5  }
0x219: {  	v18 =	vld [tilespmem:s15+$0x2B0];
	(erf) = vpow2.f32 v6;
	v6 =	vmul.f32 $1.442695020e+00, v11;
	v5 =	vpop (erf)  }
0x21a: {  	(erf) = vpow2.f32 v4;
	v17 =	vpop (erf)  }
0x21b: {  	v19 =	vld [tilespmem:s15+$0x2A0];
	v63 =	vmul.f32 $1.442695020e+00, v12;
	v11 =	vimm.f32 $0.0e+00;
	v9 =	vmul.f32 $1.442695020e+00, v9;
	v4 =	vpop (erf)  }
0x21c: {  	v16 =	vld [tilespmem:s15+$0x2E0];
	v15 =	vmul.f32 $1.442695020e+00, v13;
	(erf) = vpow2.f32 v7;
	v4 =	vadd.f32 v4, v11;
	v7 =	vpop (erf)  }
0x21d: {  	v14 =	vld [tilespmem:s15+$0x2C0];
	v62 =	vmul.f32 $1.442695020e+00, v10;
	v5 =	vadd.f32 v5, v11;
	(erf) = vpow2.f32 v6;
	v6 =	vpop (erf)  }
0x21e: {  	v18 =	vmul.f32 $1.442695020e+00, v18;
	v12 =	vld [tilespmem:s15+$0x2D0];
	(erf) = vpow2.f32 v9;
	v4 =	vadd.f32 v7, v4;
	v7 =	vpop (erf)  }
0x21f: {  	v10 =	vld [tilespmem:s15+$0x290];
	v5 =	vadd.f32 v17, v5;
	(erf) = vpow2.f32 v62;
	v7 =	vadd.f32 v7, v11;
	v9 =	vpop (erf)  }
0x220: {  	s13 =	simm.s32 $0xC00;
	v8 =	vld [tilespmem:s15+$0x280];
	v17 =	vmul.f32 $1.442695020e+00, v19;
	(erf) = vpow2.f32 v63;
	v19 =	vpop (erf);
	v13 =	vadd.f32 v9, v11  }
0x221: {  	s12 =	sor.u32 $0x50, s11;
	s14 =	simm.s32 $0x4000;
	v9 =	vld [tilespmem:s13+$0x2E0];
	(erf) = vpow2.f32 v18;
	v11 =	vpop (erf);
	v7 =	vadd.f32 v19, v7  }
.LBB2_13:
0x222: {  	p0 =	sne.s32 s14, $0x3F000;
	v18 =	vld [tilespmem:s13+$0x2F0];
	v16 =	vmul.f32 $1.442695020e+00, v16;
	(erf) = vpow2.f32 v15;
	v19 =	vpop (erf);
	v13 =	vadd.f32 v6, v13;
	s15 =	smov.u32 s14;
	s14 =	sadd.s32 $0x1000, s14  }
0x223: {  	v20 =	vld [tilespmem:s13+$0x2B0];
	v15 =	vmul.f32 $1.442695020e+00, v14;
	(erf) = vpow2.f32 v17;
	v14 =	vpop (erf)  }
0x224: {  	v21 =	vmul.f32 $1.442695020e+00, v10;
	v5 =	vadd.f32 v11, v5;
	v17 =	vld [tilespmem:s13+$0x2A0];
	v4 =	vadd.f32 v14, v4  }
0x225: {  	v22 =	vmul.f32 $1.442695020e+00, v8;
	v8 =	vld [tilespmem:s13+$0x280];
	(erf) = vpow2.f32 v16;
	v14 =	vpop (erf)  }
.Ltmp7:
0x226: {  	v23 =	vmul.f32 $1.442695020e+00, v12;
	v10 =	vld [tilespmem:s13+$0x290];
	(erf) = vpow2.f32 v15;
	v4 =	vadd.f32 v14, v4;
	v6 =	vpop (erf);
	(pc) =	sbr.rel @p0 .LBB2_13-.Ltmp7, $4  }
0x227: {  	v5 =	vadd.f32 v19, v5;
	v14 =	vld [tilespmem:s13+$0x2C0];
	v15 =	vmul.f32 $1.442695020e+00, v18;
	(erf) = vpow2.f32 v21;
	v18 =	vpop (erf)  }
0x228: {  	v19 =	vmul.f32 $1.442695020e+00, v20;
	v12 =	vld [tilespmem:s13+$0x2D0];
	(erf) = vpow2.f32 v22;
	v7 =	vadd.f32 v18, v7;
	v11 =	vpop (erf)  }
0x229: {  	s13 =	sshra.s32 s15, $0x2;
	v17 =	vmul.f32 $1.442695020e+00, v17;
	(erf) = vpow2.f32 v23;
	v13 =	vadd.f32 v11, v13;
	v16 =	vpop (erf)  }
0x22a: {  	(erf) = vpow2.f32 v19;
	v11 =	vpop (erf);
	v7 =	vadd.f32 v16, v7;
	v16 =	vmov v9;
	v9 =	vld [tilespmem:s13+$0x2E0]  }
0x22b: {  	v16 =	vmul.f32 $1.442695020e+00, v16;
	(erf) = vpow2.f32 v15;
	v15 =	vld [tilespmem:s13+$0x2B0]  }
0x22c: {  	v18 =	vld [tilespmem:s13+$0x2F0];
	v14 =	vmul.f32 $1.442695020e+00, v14  }
0x22d: {  	v19 =	vpop (erf);
	v20 =	vld [tilespmem:s13+$0x2A0];
	v10 =	vmul.f32 $1.442695020e+00, v10;
	(erf) = vpow2.f32 v17  }
0x22e: {  	v8 =	vmul.f32 $1.442695020e+00, v8;
	v17 =	vpop (erf);
	(erf) = vpow2.f32 v16  }
0x22f: {  	v21 =	vld [tilespmem:s13+$0x2C0];
	v12 =	vmul.f32 $1.442695020e+00, v12;
	v16 =	vpop (erf);
	(erf) = vpow2.f32 v14  }
0x230: {  	v14 =	vpop (erf);
	(erf) = vpow2.f32 v10;
	v10 =	vld [tilespmem:s13+$0x290];
	v15 =	vmul.f32 $1.442695020e+00, v15  }
0x231: {  	v18 =	vmul.f32 $1.442695020e+00, v18;
	v22 =	vpop (erf);
	(erf) = vpow2.f32 v8  }
0x232: {  	v8 =	vld [tilespmem:s13+$0x280];
	v23 =	vpop (erf);
	(erf) = vpow2.f32 v12;
	v12 =	vmul.f32 $1.442695020e+00, v20  }
0x233: {  	v9 =	vmul.f32 $1.442695020e+00, v9;
	v60 =	vpop (erf);
	(erf) = vpow2.f32 v15  }
0x234: {  	v21 =	vmul.f32 $1.442695020e+00, v21;
	v15 =	vld [tilespmem:s13+$0x2D0];
	v24 =	vpop (erf);
	(erf) = vpow2.f32 v18  }
0x235: {  	v18 =	vpop (erf);
	(erf) = vpow2.f32 v12;
	v10 =	vmul.f32 $1.442695020e+00, v10  }
0x236: {  	v12 =	vpop (erf);
	(erf) = vpow2.f32 v9  }
0x237: {  	v8 =	vmul.f32 $1.442695020e+00, v8;
	v9 =	vpop (erf);
	(erf) = vpow2.f32 v21  }
0x238: {  	v61 =	vpop (erf);
	(erf) = vpow2.f32 v10  }
0x239: {  	(v2sf) =	vpush v3, $0x6;
	v10 =	vpop (erf);
	(erf) = vpow2.f32 v8;
	v8 =	vmul.f32 $1.442695020e+00, v15;
	_ =	sdelay $0x1  }
0x23a: {  	v6 =	vadd.f32 v6, v13  }
0x23b: {  	v5 =	vadd.f32 v11, v5;
	v4 =	vadd.f32 v17, v4;
	v11 =	vpop (erf)  }
0x23c: {  	v7 =	vadd.f32 v22, v7;
	v6 =	vadd.f32 v23, v6;
	(erf) = vpow2.f32 v8;
	v8 =	vpop (erf)  }
0x23d: {  	v5 =	vadd.f32 v19, v5;
	v4 =	vadd.f32 v16, v4;
	v13 =	vpop (erf)  }
0x23e: {  	v7 =	vadd.f32 v60, v7;
	v6 =	vadd.f32 v14, v6;
	v14 =	vpop (erf)  }
0x23f: {  	v5 =	vadd.f32 v24, v5;
	v4 =	vadd.f32 v12, v4;
	v12 =	vpop (erf)  }
0x240: {  	v7 =	vadd.f32 v10, v7;
	v6 =	vadd.f32 v11, v6;
	v10 =	vpop (erf)  }
0x241: {  	v5 =	vadd.f32 v18, v5;
	v4 =	vadd.f32 v9, v4;
	v9 =	vpop (erf)  }
0x242: {  	v6 =	vadd.f32 v61, v6;
	v7 =	vadd.f32 v8, v7;
	v8 =	vpop (erf)  }
0x243: {  	v5 =	vadd.f32 v13, v5;
	v4 =	vadd.f32 v12, v4;
	v11 =	vpop (erf)  }
0x244: {  	v7 =	vadd.f32 v8, v7;
	v6 =	vadd.f32 v11, v6  }
0x245: {  	v5 =	vadd.f32 v14, v5;
	v4 =	vadd.f32 v10, v4;
	v8 =	vpop (erf)  }
0x246: {  	v7 =	vadd.f32 v8, v7;
	v6 =	vadd.f32 v9, v6  }
0x247: {  	s13 =	spop (v2sf)  }
0x248: {  	p0 =	sgt.s32 s13, $0x0;
	v4 =	vadd.f32 v5, v4;
	v6 =	vadd.f32 v7, v6  }
0x249: {  	s13 =	simm.s32 @!p0 $0x0  }
0x24a: {  	s14 =	sshll.u32 s13, $0x3;
	v4 =	vadd.f32 v4, v6  }
0x24b: {  	s15 =	sand.u32 $0x70, s13;
	s14 =	sand.u32 $0xFFFFFC00, s14  }
0x24c: {  	s14 =	sor.u32 s15, s14;
	[tilespmem:s12+$0x12600] =	vst v4  }
0x24d: {  	v4 =	vld [tilespmem:s14+$0x300];
	_ =	sdelay $0x1  }
0x24e: {  	s15 =	sand.u32 $0xF, s13  }
0x24f: {  	v5 =	vmov s15  }
0x250: {  	vm1 =	veq.s32 v5, v0  }
0x251: {  	v4 =	vnsel vm1, $0x0, v4  }
0x252: {  	s13 =	simm.s32 $0x0;
	[tilespmem:s11+$0x10660] =	vst v4  }
0x253: {  	v4 =	vld [tilespmem:s13+$0x330]  }
0x254: {  	v5 =	vld [tilespmem:s13+$0x370]  }
0x255: {  	v6 =	vld [tilespmem:s13+$0x320]  }
0x256: {  	v7 =	vld [tilespmem:s13+$0x360]  }
0x257: {  	v8 =	vld [tilespmem:s13+$0x340]  }
0x258: {  	v9 =	vld [tilespmem:s13+$0x310];
	v4 =	vmul.f32 $1.442695020e+00, v4  }
0x259: {  	v10 =	vld [tilespmem:s13+$0x300];
	v5 =	vmul.f32 $1.442695020e+00, v5  }
0x25a: {  	s14 =	simm.s32 $0x400;
	v11 =	vld [tilespmem:s13+$0x350];
	v6 =	vmul.f32 $1.442695020e+00, v6;
	(erf) = vpow2.f32 v4  }
0x25b: {  	v4 =	vmul.f32 $1.442695020e+00, v7;
	(erf) = vpow2.f32 v5;
	v5 =	vld [tilespmem:s14+$0x330]  }
0x25c: {  	v8 =	vmul.f32 $1.442695020e+00, v8;
	(erf) = vpow2.f32 v6;
	v6 =	vld [tilespmem:s14+$0x370]  }
0x25d: {  	v9 =	vmul.f32 $1.442695020e+00, v9;
	(erf) = vpow2.f32 v4;
	v4 =	vld [tilespmem:s14+$0x320]  }
0x25e: {  	v10 =	vmul.f32 $1.442695020e+00, v10;
	v7 =	vld [tilespmem:s14+$0x360];
	(erf) = vpow2.f32 v8  }
0x25f: {  	v8 =	vmul.f32 $1.442695020e+00, v11;
	v11 =	vld [tilespmem:s14+$0x340];
	(erf) = vpow2.f32 v9  }
0x260: {  	v12 =	vld [tilespmem:s14+$0x350];
	v5 =	vmul.f32 $1.442695020e+00, v5;
	(erf) = vpow2.f32 v10  }
0x261: {  	s15 =	simm.s32 $0x800;
	v9 =	vld [tilespmem:s14+$0x310];
	(erf) = vpow2.f32 v8  }
0x262: {  	v13 =	vld [tilespmem:s15+$0x370];
	v6 =	vmul.f32 $1.442695020e+00, v6;
	v4 =	vmul.f32 $1.442695020e+00, v4  }
0x263: {  	v7 =	vmul.f32 $1.442695020e+00, v7;
	v10 =	vld [tilespmem:s14+$0x300];
	(erf) = vpow2.f32 v5  }
0x264: {  	v18 =	vld [tilespmem:s15+$0x330];
	(erf) = vpow2.f32 v6;
	v6 =	vmul.f32 $1.442695020e+00, v11;
	v5 =	vpop (erf)  }
0x265: {  	(erf) = vpow2.f32 v4;
	v17 =	vpop (erf)  }
0x266: {  	v19 =	vld [tilespmem:s15+$0x320];
	v63 =	vmul.f32 $1.442695020e+00, v12;
	v11 =	vimm.f32 $0.0e+00;
	v9 =	vmul.f32 $1.442695020e+00, v9;
	v4 =	vpop (erf)  }
0x267: {  	v16 =	vld [tilespmem:s15+$0x360];
	v15 =	vmul.f32 $1.442695020e+00, v13;
	(erf) = vpow2.f32 v7;
	v4 =	vadd.f32 v4, v11;
	v7 =	vpop (erf)  }
0x268: {  	v14 =	vld [tilespmem:s15+$0x340];
	v62 =	vmul.f32 $1.442695020e+00, v10;
	v5 =	vadd.f32 v5, v11;
	(erf) = vpow2.f32 v6;
	v6 =	vpop (erf)  }
0x269: {  	v18 =	vmul.f32 $1.442695020e+00, v18;
	v12 =	vld [tilespmem:s15+$0x350];
	(erf) = vpow2.f32 v9;
	v4 =	vadd.f32 v7, v4;
	v7 =	vpop (erf)  }
0x26a: {  	v10 =	vld [tilespmem:s15+$0x310];
	v5 =	vadd.f32 v17, v5;
	(erf) = vpow2.f32 v62;
	v7 =	vadd.f32 v7, v11;
	v9 =	vpop (erf)  }
0x26b: {  	s13 =	simm.s32 $0xC00;
	v8 =	vld [tilespmem:s15+$0x300];
	v17 =	vmul.f32 $1.442695020e+00, v19;
	(erf) = vpow2.f32 v63;
	v19 =	vpop (erf);
	v13 =	vadd.f32 v9, v11  }
0x26c: {  	s12 =	sor.u32 $0x60, s11;
	s14 =	simm.s32 $0x4000;
	v9 =	vld [tilespmem:s13+$0x360];
	(erf) = vpow2.f32 v18;
	v11 =	vpop (erf);
	v7 =	vadd.f32 v19, v7  }
.LBB2_15:
0x26d: {  	p0 =	sne.s32 s14, $0x3F000;
	v18 =	vld [tilespmem:s13+$0x370];
	v16 =	vmul.f32 $1.442695020e+00, v16;
	(erf) = vpow2.f32 v15;
	v19 =	vpop (erf);
	v13 =	vadd.f32 v6, v13;
	s15 =	smov.u32 s14;
	s14 =	sadd.s32 $0x1000, s14  }
0x26e: {  	v20 =	vld [tilespmem:s13+$0x330];
	v15 =	vmul.f32 $1.442695020e+00, v14;
	(erf) = vpow2.f32 v17;
	v14 =	vpop (erf)  }
0x26f: {  	v21 =	vmul.f32 $1.442695020e+00, v10;
	v5 =	vadd.f32 v11, v5;
	v17 =	vld [tilespmem:s13+$0x320];
	v4 =	vadd.f32 v14, v4  }
0x270: {  	v22 =	vmul.f32 $1.442695020e+00, v8;
	v8 =	vld [tilespmem:s13+$0x300];
	(erf) = vpow2.f32 v16;
	v14 =	vpop (erf)  }
.Ltmp8:
0x271: {  	v23 =	vmul.f32 $1.442695020e+00, v12;
	v10 =	vld [tilespmem:s13+$0x310];
	(erf) = vpow2.f32 v15;
	v4 =	vadd.f32 v14, v4;
	v6 =	vpop (erf);
	(pc) =	sbr.rel @p0 .LBB2_15-.Ltmp8, $4  }
0x272: {  	v5 =	vadd.f32 v19, v5;
	v14 =	vld [tilespmem:s13+$0x340];
	v15 =	vmul.f32 $1.442695020e+00, v18;
	(erf) = vpow2.f32 v21;
	v18 =	vpop (erf)  }
0x273: {  	v19 =	vmul.f32 $1.442695020e+00, v20;
	v12 =	vld [tilespmem:s13+$0x350];
	(erf) = vpow2.f32 v22;
	v7 =	vadd.f32 v18, v7;
	v11 =	vpop (erf)  }
0x274: {  	s13 =	sshra.s32 s15, $0x2;
	v17 =	vmul.f32 $1.442695020e+00, v17;
	(erf) = vpow2.f32 v23;
	v13 =	vadd.f32 v11, v13;
	v16 =	vpop (erf)  }
0x275: {  	(erf) = vpow2.f32 v19;
	v11 =	vpop (erf);
	v7 =	vadd.f32 v16, v7;
	v16 =	vmov v9;
	v9 =	vld [tilespmem:s13+$0x360]  }
0x276: {  	v16 =	vmul.f32 $1.442695020e+00, v16;
	(erf) = vpow2.f32 v15;
	v15 =	vld [tilespmem:s13+$0x330]  }
0x277: {  	v18 =	vld [tilespmem:s13+$0x370];
	v14 =	vmul.f32 $1.442695020e+00, v14  }
0x278: {  	v19 =	vpop (erf);
	v20 =	vld [tilespmem:s13+$0x320];
	v10 =	vmul.f32 $1.442695020e+00, v10;
	(erf) = vpow2.f32 v17  }
0x279: {  	v8 =	vmul.f32 $1.442695020e+00, v8;
	v17 =	vpop (erf);
	(erf) = vpow2.f32 v16  }
0x27a: {  	v21 =	vld [tilespmem:s13+$0x340];
	v12 =	vmul.f32 $1.442695020e+00, v12;
	v16 =	vpop (erf);
	(erf) = vpow2.f32 v14  }
0x27b: {  	v14 =	vpop (erf);
	(erf) = vpow2.f32 v10;
	v10 =	vld [tilespmem:s13+$0x310];
	v15 =	vmul.f32 $1.442695020e+00, v15  }
0x27c: {  	v18 =	vmul.f32 $1.442695020e+00, v18;
	v22 =	vpop (erf);
	(erf) = vpow2.f32 v8  }
0x27d: {  	v8 =	vld [tilespmem:s13+$0x300];
	v23 =	vpop (erf);
	(erf) = vpow2.f32 v12;
	v12 =	vmul.f32 $1.442695020e+00, v20  }
0x27e: {  	v9 =	vmul.f32 $1.442695020e+00, v9;
	v62 =	vpop (erf);
	(erf) = vpow2.f32 v15  }
0x27f: {  	v21 =	vmul.f32 $1.442695020e+00, v21;
	v15 =	vld [tilespmem:s13+$0x350];
	v24 =	vpop (erf);
	(erf) = vpow2.f32 v18  }
0x280: {  	v18 =	vpop (erf);
	(erf) = vpow2.f32 v12;
	v10 =	vmul.f32 $1.442695020e+00, v10  }
0x281: {  	v12 =	vpop (erf);
	(erf) = vpow2.f32 v9  }
0x282: {  	v8 =	vmul.f32 $1.442695020e+00, v8;
	v9 =	vpop (erf);
	(erf) = vpow2.f32 v21  }
0x283: {  	(v2sf) =	vpush v3, $0x7;
	v3 =	vpop (erf);
	(erf) = vpow2.f32 v10  }
0x284: {  	v6 =	vadd.f32 v6, v13;
	v10 =	vpop (erf);
	(erf) = vpow2.f32 v8;
	v8 =	vmul.f32 $1.442695020e+00, v15;
	_ =	sdelay $0x1  }
0x285: {  	v5 =	vadd.f32 v11, v5;
	v6 =	vadd.f32 v23, v6  }
0x286: {  	v4 =	vadd.f32 v17, v4;
	v7 =	vadd.f32 v22, v7;
	v11 =	vpop (erf)  }
0x287: {  	v5 =	vadd.f32 v19, v5;
	v6 =	vadd.f32 v14, v6;
	(erf) = vpow2.f32 v8;
	v8 =	vpop (erf)  }
0x288: {  	v4 =	vadd.f32 v16, v4;
	v7 =	vadd.f32 v62, v7;
	v13 =	vpop (erf)  }
0x289: {  	v5 =	vadd.f32 v24, v5;
	v6 =	vadd.f32 v11, v6;
	v14 =	vpop (erf)  }
0x28a: {  	v4 =	vadd.f32 v12, v4;
	v7 =	vadd.f32 v10, v7;
	v12 =	vpop (erf)  }
0x28b: {  	v5 =	vadd.f32 v18, v5;
	v10 =	vpop (erf)  }
0x28c: {  	v4 =	vadd.f32 v9, v4;
	v7 =	vadd.f32 v8, v7;
	v9 =	vpop (erf)  }
0x28d: {  	v3 =	vadd.f32 v3, v6;
	v6 =	vpop (erf)  }
0x28e: {  	v5 =	vadd.f32 v13, v5;
	v4 =	vadd.f32 v12, v4;
	v8 =	vpop (erf)  }
0x28f: {  	v6 =	vadd.f32 v6, v7;
	v3 =	vadd.f32 v8, v3  }
0x290: {  	v5 =	vadd.f32 v14, v5;
	v4 =	vadd.f32 v10, v4;
	v7 =	vpop (erf)  }
0x291: {  	v6 =	vadd.f32 v7, v6;
	v3 =	vadd.f32 v9, v3  }
0x292: {  	s13 =	spop (v2sf)  }
0x293: {  	p0 =	sgt.s32 s13, $0x0;
	v4 =	vadd.f32 v5, v4;
	v3 =	vadd.f32 v6, v3  }
0x294: {  	s13 =	simm.s32 @!p0 $0x0  }
0x295: {  	s14 =	sshll.u32 s13, $0x3;
	v3 =	vadd.f32 v4, v3  }
0x296: {  	s15 =	sand.u32 $0x70, s13;
	s14 =	sand.u32 $0xFFFFFC00, s14  }
0x297: {  	s14 =	sor.u32 s15, s14;
	[tilespmem:s12+$0x12600] =	vst v3  }
0x298: {  	v3 =	vld [tilespmem:s14+$0x380];
	_ =	sdelay $0x1  }
0x299: {  	s15 =	sand.u32 $0xF, s13  }
0x29a: {  	v4 =	vmov s15  }
0x29b: {  	vm1 =	veq.s32 v4, v0  }
0x29c: {  	v3 =	vnsel vm1, $0x0, v3  }
0x29d: {  	s13 =	simm.s32 $0x0;
	[tilespmem:s11+$0x10670] =	vst v3  }
0x29e: {  	v3 =	vld [tilespmem:s13+$0x3B0]  }
0x29f: {  	v4 =	vld [tilespmem:s13+$0x3F0]  }
0x2a0: {  	v5 =	vld [tilespmem:s13+$0x3A0]  }
0x2a1: {  	v6 =	vld [tilespmem:s13+$0x3E0]  }
0x2a2: {  	v7 =	vld [tilespmem:s13+$0x3C0]  }
0x2a3: {  	v8 =	vld [tilespmem:s13+$0x390];
	v3 =	vmul.f32 $1.442695020e+00, v3  }
0x2a4: {  	v9 =	vld [tilespmem:s13+$0x380];
	v4 =	vmul.f32 $1.442695020e+00, v4  }
0x2a5: {  	s14 =	simm.s32 $0x400;
	v10 =	vld [tilespmem:s13+$0x3D0];
	v5 =	vmul.f32 $1.442695020e+00, v5;
	(erf) = vpow2.f32 v3  }
0x2a6: {  	v3 =	vmul.f32 $1.442695020e+00, v6;
	(erf) = vpow2.f32 v4;
	v4 =	vld [tilespmem:s14+$0x3B0]  }
0x2a7: {  	v7 =	vmul.f32 $1.442695020e+00, v7;
	(erf) = vpow2.f32 v5;
	v5 =	vld [tilespmem:s14+$0x3F0]  }
0x2a8: {  	v8 =	vmul.f32 $1.442695020e+00, v8;
	(erf) = vpow2.f32 v3;
	v3 =	vld [tilespmem:s14+$0x3A0]  }
0x2a9: {  	v9 =	vmul.f32 $1.442695020e+00, v9;
	v6 =	vld [tilespmem:s14+$0x3E0];
	(erf) = vpow2.f32 v7  }
0x2aa: {  	v7 =	vmul.f32 $1.442695020e+00, v10;
	v10 =	vld [tilespmem:s14+$0x3C0];
	(erf) = vpow2.f32 v8  }
0x2ab: {  	v11 =	vld [tilespmem:s14+$0x3D0];
	v4 =	vmul.f32 $1.442695020e+00, v4;
	(erf) = vpow2.f32 v9  }
0x2ac: {  	s15 =	simm.s32 $0x800;
	v8 =	vld [tilespmem:s14+$0x390];
	(erf) = vpow2.f32 v7  }
0x2ad: {  	v12 =	vld [tilespmem:s15+$0x3F0];
	v5 =	vmul.f32 $1.442695020e+00, v5;
	v3 =	vmul.f32 $1.442695020e+00, v3  }
0x2ae: {  	v6 =	vmul.f32 $1.442695020e+00, v6;
	v9 =	vld [tilespmem:s14+$0x380];
	(erf) = vpow2.f32 v4  }
0x2af: {  	v17 =	vld [tilespmem:s15+$0x3B0];
	(erf) = vpow2.f32 v5;
	v5 =	vmul.f32 $1.442695020e+00, v10;
	v4 =	vpop (erf)  }
0x2b0: {  	(erf) = vpow2.f32 v3;
	v16 =	vpop (erf)  }
0x2b1: {  	v18 =	vld [tilespmem:s15+$0x3A0];
	v63 =	vmul.f32 $1.442695020e+00, v11;
	v10 =	vimm.f32 $0.0e+00;
	v8 =	vmul.f32 $1.442695020e+00, v8;
	v3 =	vpop (erf)  }
0x2b2: {  	v15 =	vld [tilespmem:s15+$0x3E0];
	v14 =	vmul.f32 $1.442695020e+00, v12;
	(erf) = vpow2.f32 v6;
	v3 =	vadd.f32 v3, v10;
	v6 =	vpop (erf)  }
0x2b3: {  	v13 =	vld [tilespmem:s15+$0x3C0];
	v19 =	vmul.f32 $1.442695020e+00, v9;
	v4 =	vadd.f32 v4, v10;
	(erf) = vpow2.f32 v5;
	v5 =	vpop (erf)  }
0x2b4: {  	v17 =	vmul.f32 $1.442695020e+00, v17;
	v11 =	vld [tilespmem:s15+$0x3D0];
	(erf) = vpow2.f32 v8;
	v3 =	vadd.f32 v6, v3;
	v6 =	vpop (erf)  }
0x2b5: {  	v9 =	vld [tilespmem:s15+$0x390];
	v4 =	vadd.f32 v16, v4;
	(erf) = vpow2.f32 v19;
	v6 =	vadd.f32 v6, v10;
	v8 =	vpop (erf)  }
0x2b6: {  	s12 =	simm.s32 $0xC00;
	v7 =	vld [tilespmem:s15+$0x380];
	v16 =	vmul.f32 $1.442695020e+00, v18;
	(erf) = vpow2.f32 v63;
	v18 =	vpop (erf);
	v12 =	vadd.f32 v8, v10  }
0x2b7: {  	s11 =	sor.u32 $0x70, s11;
	s13 =	simm.s32 $0x4000;
	v8 =	vld [tilespmem:s12+$0x3E0];
	(erf) = vpow2.f32 v17;
	v10 =	vpop (erf);
	v6 =	vadd.f32 v18, v6  }
.LBB2_17:
0x2b8: {  	p0 =	sne.s32 s13, $0x3F000;
	v17 =	vld [tilespmem:s12+$0x3F0];
	v15 =	vmul.f32 $1.442695020e+00, v15;
	(erf) = vpow2.f32 v14;
	v18 =	vpop (erf);
	v12 =	vadd.f32 v5, v12;
	s14 =	smov.u32 s13;
	s13 =	sadd.s32 $0x1000, s13  }
0x2b9: {  	v19 =	vld [tilespmem:s12+$0x3B0];
	v14 =	vmul.f32 $1.442695020e+00, v13;
	(erf) = vpow2.f32 v16;
	v13 =	vpop (erf)  }
0x2ba: {  	v20 =	vmul.f32 $1.442695020e+00, v9;
	v4 =	vadd.f32 v10, v4;
	v16 =	vld [tilespmem:s12+$0x3A0];
	v3 =	vadd.f32 v13, v3  }
0x2bb: {  	v21 =	vmul.f32 $1.442695020e+00, v7;
	v7 =	vld [tilespmem:s12+$0x380];
	(erf) = vpow2.f32 v15;
	v13 =	vpop (erf)  }
.Ltmp9:
0x2bc: {  	v22 =	vmul.f32 $1.442695020e+00, v11;
	v9 =	vld [tilespmem:s12+$0x390];
	(erf) = vpow2.f32 v14;
	v3 =	vadd.f32 v13, v3;
	v5 =	vpop (erf);
	(pc) =	sbr.rel @p0 .LBB2_17-.Ltmp9, $4  }
0x2bd: {  	v4 =	vadd.f32 v18, v4;
	v13 =	vld [tilespmem:s12+$0x3C0];
	v14 =	vmul.f32 $1.442695020e+00, v17;
	(erf) = vpow2.f32 v20;
	v17 =	vpop (erf)  }
0x2be: {  	v18 =	vmul.f32 $1.442695020e+00, v19;
	v11 =	vld [tilespmem:s12+$0x3D0];
	(erf) = vpow2.f32 v21;
	v6 =	vadd.f32 v17, v6;
	v10 =	vpop (erf)  }
0x2bf: {  	s12 =	sshra.s32 s14, $0x2;
	v16 =	vmul.f32 $1.442695020e+00, v16;
	(erf) = vpow2.f32 v22;
	v12 =	vadd.f32 v10, v12;
	v15 =	vpop (erf)  }
0x2c0: {  	(erf) = vpow2.f32 v18;
	v10 =	vpop (erf);
	v6 =	vadd.f32 v15, v6;
	v15 =	vmov v8;
	v8 =	vld [tilespmem:s12+$0x3E0]  }
0x2c1: {  	v15 =	vmul.f32 $1.442695020e+00, v15;
	(erf) = vpow2.f32 v14;
	v39 =	vld [tilespmem:s12+$0x3B0]  }
0x2c2: {  	v17 =	vld [tilespmem:s12+$0x3F0];
	v18 =	vpop (erf);
	v13 =	vmul.f32 $1.442695020e+00, v13;
	(erf) = vpow2.f32 v16  }
0x2c3: {  	v19 =	vld [tilespmem:s12+$0x3A0];
	v9 =	vmul.f32 $1.442695020e+00, v9;
	v40 =	vpop (erf);
	(erf) = vpow2.f32 v15  }
0x2c4: {  	v7 =	vmul.f32 $1.442695020e+00, v7;
	v41 =	vpop (erf);
	(erf) = vpow2.f32 v13  }
0x2c5: {  	v20 =	vld [tilespmem:s12+$0x3C0];
	v11 =	vmul.f32 $1.442695020e+00, v11;
	v42 =	vpop (erf);
	(erf) = vpow2.f32 v9  }
0x2c6: {  	v43 =	vld [tilespmem:s12+$0x390];
	v21 =	vpop (erf);
	v14 =	vmul.f32 $1.442695020e+00, v39;
	(erf) = vpow2.f32 v7  }
0x2c7: {  	v44 =	vld [tilespmem:s12+$0x380];
	v17 =	vmul.f32 $1.442695020e+00, v17;
	v22 =	vpop (erf);
	(erf) = vpow2.f32 v11  }
0x2c8: {  	v45 =	vmul.f32 $1.442695020e+00, v19;
	v46 =	vpop (erf);
	(erf) = vpow2.f32 v14  }
0x2c9: {  	v47 =	vld [tilespmem:s12+$0x3D0];
	v8 =	vmul.f32 $1.442695020e+00, v8;
	v23 =	vpop (erf);
	(erf) = vpow2.f32 v17  }
0x2ca: {  	v20 =	vmul.f32 $1.442695020e+00, v20;
	v48 =	vpop (erf);
	(erf) = vpow2.f32 v45  }
0x2cb: {  	v9 =	vmul.f32 $1.442695020e+00, v43;
	v49 =	vpop (erf);
	(erf) = vpow2.f32 v8  }
0x2cc: {  	v7 =	vmul.f32 $1.442695020e+00, v44;
	v50 =	vpop (erf);
	(erf) = vpow2.f32 v20  }
0x2cd: {  	v51 =	vpop (erf);
	(erf) = vpow2.f32 v9  }
0x2ce: {  	v5 =	vadd.f32 v5, v12;
	v53 =	vmul.f32 $1.442695020e+00, v47;
	v52 =	vpop (erf);
	(erf) = vpow2.f32 v7  }
0x2cf: {  	v4 =	vadd.f32 v10, v4;
	v3 =	vadd.f32 v40, v3;
	v54 =	vpop (erf)  }
0x2d0: {  	v6 =	vadd.f32 v21, v6;
	v5 =	vadd.f32 v22, v5;
	(erf) = vpow2.f32 v53;
	v55 =	vpop (erf)  }
0x2d1: {  	v4 =	vadd.f32 v18, v4;
	v3 =	vadd.f32 v41, v3;
	v56 =	vpop (erf)  }
0x2d2: {  	v6 =	vadd.f32 v46, v6;
	v5 =	vadd.f32 v42, v5;
	v57 =	vpop (erf)  }
0x2d3: {  	v4 =	vadd.f32 v23, v4;
	v3 =	vadd.f32 v49, v3;
	v58 =	vpop (erf)  }
0x2d4: {  	v6 =	vadd.f32 v52, v6;
	v5 =	vadd.f32 v54, v5;
	v59 =	vpop (erf)  }
0x2d5: {  	v4 =	vadd.f32 v48, v4;
	v3 =	vadd.f32 v50, v3;
	v60 =	vpop (erf)  }
0x2d6: {  	v6 =	vadd.f32 v55, v6;
	v5 =	vadd.f32 v51, v5;
	v61 =	vpop (erf)  }
0x2d7: {  	v4 =	vadd.f32 v56, v4;
	v3 =	vadd.f32 v58, v3;
	v62 =	vpop (erf)  }
0x2d8: {  	v6 =	vadd.f32 v61, v6;
	v5 =	vadd.f32 v62, v5  }
0x2d9: {  	v4 =	vadd.f32 v57, v4;
	v3 =	vadd.f32 v59, v3;
	v63 =	vpop (erf)  }
0x2da: {  	v6 =	vadd.f32 v63, v6;
	v5 =	vadd.f32 v60, v5;
	_ =	sdelay $0x1  }
0x2db: {  	v3 =	vadd.f32 v4, v3;
	v5 =	vadd.f32 v6, v5;
	_ =	sdelay $0x1  }
0x2dc: {  	p0 =	seq.s32 s10, $0x3F;
	v3 =	vadd.f32 v3, v5  }
.Ltmp10:
0x2dd: {  	_ = 	snop;
	(pc) =	sbr.rel @p0 .LBB2_20-.Ltmp10, $4  }
0x2de: {  	[tilespmem:s11+$0x12600] =	vst v3  }
0x2df: {  	_ =	swait.ge [sflag:s9], $0x10000  }
0x2e0: {  	[sflag:s9] =	ssyncset.done $0x0  }
0x2e1: {  	[sflag:s9] =	ssyncadd.s32 $0xFFFF0000  }
0x2e2: {  	s11 =	sshll.u32 s10, $0x3  }
0x2e3: {  	s11 =	sand.u32 $0x3FFFFFF8, s11  }
0x2e4: {  	v3 =	vld.msk [tilespmem:s11+$0x10008], $0xff;
	_ =	sdelay $0x4  }
0x2e5: {  	v4 =	vshll.u32 v3, $0x6  }
0x2e6: {  	v3 =	vand.u32 $0x7, v3;
	v4 =	vand.u32 $0xFFFFFE00, v4  }
0x2e7: {  	v3 =	vor.u32 v3, v4  }
0x2e8: {  	v3 =	vperm.xlane v3, v1;
	_ =	sdelay $0x1  }
0x2e9: {  	v3 =	vadd.s32 v2, v3;
	_ =	sdelay $0x3  }
0x2ea: {  	s14 =	rddreg [dreg:$0x0]  }
0x2eb: {  	[tilespmem:s3], [sflag:$0x1] =	stream.indirect_vreg.gather [hbm4b:s14+s3], $0x80, v3, vm0, $0xb8;
	[tilespmem:$0x14600] =	vst v63  }
0x2ec: {  	s15 =	rddreg [dreg:$0x7];
	s12 =	simm.s32 $0x800  }
0x2ed: {  	[tilespmem:s12], [sflag:$0x1] =	stream.indirect_vreg.gather [hbm4b:s15+s3], $0x80, v3, vm0, $0xb8;
	[tilespmem:$0x14600] =	vst v63  }
0x2ee: {  	s13 =	simm.s32 $0x1000;
	s12 =	rddreg [dreg:$0x8]  }
0x2ef: {  	[tilespmem:s13], [sflag:$0x1] =	stream.indirect_vreg.gather [hbm4b:s12+s3], $0x80, v3, vm0, $0xb8;
	[tilespmem:$0x14600] =	vst v63  }
0x2f0: {  	s14 =	rddreg [dreg:$0x9];
	s15 =	simm.s32 $0x1800  }
0x2f1: {  	[tilespmem:s15], [sflag:$0x1] =	stream.indirect_vreg.gather [hbm4b:s14+s3], $0x80, v3, vm0, $0xb8;
	[tilespmem:$0x14600] =	vst v63  }
0x2f2: {  	s12 =	rddreg [dreg:$0xa];
	s13 =	simm.s32 $0x2000  }
0x2f3: {  	[tilespmem:s13], [sflag:$0x1] =	stream.indirect_vreg.gather [hbm4b:s12+s3], $0x80, v3, vm0, $0xb8;
	[tilespmem:$0x14600] =	vst v63  }
0x2f4: {  	s14 =	rddreg [dreg:$0xb];
	s15 =	simm.s32 $0x2800  }
0x2f5: {  	[tilespmem:s15], [sflag:$0x1] =	stream.indirect_vreg.gather [hbm4b:s14+s3], $0x80, v3, vm0, $0xb8;
	[tilespmem:$0x14600] =	vst v63  }
0x2f6: {  	s12 =	rddreg [dreg:$0xc];
	s13 =	simm.s32 $0x3000  }
0x2f7: {  	[tilespmem:s13], [sflag:$0x1] =	stream.indirect_vreg.gather [hbm4b:s12+s3], $0x80, v3, vm0, $0xb8;
	[tilespmem:$0x14600] =	vst v63  }
0x2f8: {  	s14 =	rddreg [dreg:$0xd];
	s15 =	simm.s32 $0x3800  }
0x2f9: {  	[tilespmem:s15], [sflag:$0x1] =	stream.indirect_vreg.gather [hbm4b:s14+s3], $0x80, v3, vm0, $0xb8;
	[tilespmem:$0x14600] =	vst v63  }
0x2fa: {  	s12 =	rddreg [dreg:$0xe];
	s13 =	simm.s32 $0x4000  }
0x2fb: {  	[tilespmem:s13], [sflag:$0x1] =	stream.indirect_vreg.gather [hbm4b:s12+s3], $0x80, v3, vm0, $0xb8;
	[tilespmem:$0x14600] =	vst v63  }
0x2fc: {  	s14 =	rddreg [dreg:$0xf];
	s15 =	simm.s32 $0x4800  }
0x2fd: {  	[tilespmem:s15], [sflag:$0x1] =	stream.indirect_vreg.gather [hbm4b:s14+s3], $0x80, v3, vm0, $0xb8;
	[tilespmem:$0x14600] =	vst v63  }
0x2fe: {  	s13 =	rddreg [dreg:$0x10];
	s14 =	simm.s32 $0x5000  }
0x2ff: {  	[tilespmem:s14], [sflag:$0x1] =	stream.indirect_vreg.gather [hbm4b:s13+s3], $0x80, v3, vm0, $0xb8;
	[tilespmem:$0x14600] =	vst v63  }
0x300: {  	s15 =	simm.s32 $0x5800  }
0x301: {  	[tilespmem:s15], [sflag:$0x1] =	stream.indirect_vreg.gather [hbm4b:s16+s3], $0x80, v3, vm0, $0xb8;
	[tilespmem:$0x14600] =	vst v63  }
0x302: {  	s12 =	simm.s32 $0x6000  }
0x303: {  	[tilespmem:s12], [sflag:$0x1] =	stream.indirect_vreg.gather [hbm4b:s17+s3], $0x80, v3, vm0, $0xb8;
	[tilespmem:$0x14600] =	vst v63  }
0x304: {  	s13 =	simm.s32 $0x6800  }
0x305: {  	[tilespmem:s13], [sflag:$0x1] =	stream.indirect_vreg.gather [hbm4b:s18+s3], $0x80, v3, vm0, $0xb8;
	[tilespmem:$0x14600] =	vst v63  }
0x306: {  	s14 =	simm.s32 $0x7000  }
0x307: {  	[tilespmem:s14], [sflag:$0x1] =	stream.indirect_vreg.gather [hbm4b:s19+s3], $0x80, v3, vm0, $0xb8;
	[tilespmem:$0x14600] =	vst v63  }
0x308: {  	s15 =	simm.s32 $0x7800  }
0x309: {  	[tilespmem:s15], [sflag:$0x1] =	stream.indirect_vreg.gather [hbm4b:s20+s3], $0x80, v3, vm0, $0xb8;
	[tilespmem:$0x14600] =	vst v63  }
0x30a: {  	s12 =	simm.s32 $0x8000  }
0x30b: {  	[tilespmem:s12], [sflag:$0x1] =	stream.indirect_vreg.gather [hbm4b:s21+s3], $0x80, v3, vm0, $0xb8;
	[tilespmem:$0x14600] =	vst v63  }
0x30c: {  	s13 =	simm.s32 $0x8800  }
0x30d: {  	[tilespmem:s13], [sflag:$0x1] =	stream.indirect_vreg.gather [hbm4b:s26+s3], $0x80, v3, vm0, $0xb8;
	[tilespmem:$0x14600] =	vst v63  }
0x30e: {  	s14 =	simm.s32 $0x9000  }
0x30f: {  	[tilespmem:s14], [sflag:$0x1] =	stream.indirect_vreg.gather [hbm4b:s28+s3], $0x80, v3, vm0, $0xb8;
	[tilespmem:$0x14600] =	vst v63  }
0x310: {  	s15 =	simm.s32 $0x9800  }
0x311: {  	[tilespmem:s15], [sflag:$0x1] =	stream.indirect_vreg.gather [hbm4b:s29+s3], $0x80, v3, vm0, $0xb8;
	[tilespmem:$0x14600] =	vst v63  }
0x312: {  	s12 =	simm.s32 $0xA000  }
0x313: {  	[tilespmem:s12], [sflag:$0x1] =	stream.indirect_vreg.gather [hbm4b:s30+s3], $0x80, v3, vm0, $0xb8;
	[tilespmem:$0x14600] =	vst v63  }
0x314: {  	s13 =	simm.s32 $0xA800  }
0x315: {  	[tilespmem:s13], [sflag:$0x1] =	stream.indirect_vreg.gather [hbm4b:s31+s3], $0x80, v3, vm0, $0xb8;
	[tilespmem:$0x14600] =	vst v63  }
0x316: {  	s14 =	simm.s32 $0xB000  }
0x317: {  	[tilespmem:s14], [sflag:$0x1] =	stream.indirect_vreg.gather [hbm4b:s2+s3], $0x80, v3, vm0, $0xb8;
	[tilespmem:$0x14600] =	vst v63  }
0x318: {  	s15 =	simm.s32 $0xB800  }
0x319: {  	[tilespmem:s15], [sflag:$0x1] =	stream.indirect_vreg.gather [hbm4b:s0+s3], $0x80, v3, vm0, $0xb8;
	[tilespmem:$0x14600] =	vst v63  }
0x31a: {  	s12 =	simm.s32 $0xC000  }
0x31b: {  	[tilespmem:s12], [sflag:$0x1] =	stream.indirect_vreg.gather [hbm4b:s4+s3], $0x80, v3, vm0, $0xb8;
	[tilespmem:$0x14600] =	vst v63  }
0x31c: {  	s13 =	simm.s32 $0xC800  }
0x31d: {  	[tilespmem:s13], [sflag:$0x1] =	stream.indirect_vreg.gather [hbm4b:s5+s3], $0x80, v3, vm0, $0xb8;
	[tilespmem:$0x14600] =	vst v63  }
0x31e: {  	s14 =	simm.s32 $0xD000  }
0x31f: {  	[tilespmem:s14], [sflag:$0x1] =	stream.indirect_vreg.gather [hbm4b:s23+s3], $0x80, v3, vm0, $0xb8;
	[tilespmem:$0x14600] =	vst v63  }
0x320: {  	s15 =	simm.s32 $0xD800  }
0x321: {  	[tilespmem:s15], [sflag:$0x1] =	stream.indirect_vreg.gather [hbm4b:s24+s3], $0x80, v3, vm0, $0xb8;
	[tilespmem:$0x14600] =	vst v63  }
0x322: {  	s12 =	simm.s32 $0xE000  }
0x323: {  	[tilespmem:s12], [sflag:$0x1] =	stream.indirect_vreg.gather [hbm4b:s25+s3], $0x80, v3, vm0, $0xb8;
	[tilespmem:$0x14600] =	vst v63  }
0x324: {  	s13 =	simm.s32 $0xE800  }
0x325: {  	[tilespmem:s13], [sflag:$0x1] =	stream.indirect_vreg.gather [hbm4b:s1+s3], $0x80, v3, vm0, $0xb8;
	[tilespmem:$0x14600] =	vst v63  }
.Ltmp11:
0x326: {  	_ = 	snop;
	(pc) =	sbr.rel .LBB2_2-.Ltmp11, $4  }
0x327: {  	s14 =	simm.s32 $0xF000  }
0x328: {  	[tilespmem:s14], [sflag:$0x1] =	stream.indirect_vreg.gather [hbm4b:s6+s3], $0x80, v3, vm0, $0xb8;
	[tilespmem:$0x14600] =	vst v63  }
0x329: {  	s10 =	sadd.s32 $0x1, s10;
	s15 =	simm.s32 $0xF800  }
0x32a: {  	[tilespmem:s15], [sflag:$0x1] =	stream.indirect_vreg.gather [hbm4b:s7+s3], $0x80, v3, vm0, $0xb8;
	[tilespmem:$0x14600] =	vst v63  }
.LBB2_21:
0x32b: {  	_ =	sfence.sel $0x180000  }
0x32c: {  	[bflag:$0x0] =	sbarrier.arrive $0xFFFF  }
0x32d: {  	_ =	strace $0x90000047  }
0x32e: {  	s0 =	stileid.u32;
	[bflag:$0x2] =	sbarrier.arrive $0xFFFF  }
0x32f: {  	p0 =	sne.s32 s0, $0x0;
	s0 =	rddreg [dreg:$0x4]  }
0x330: {  	s0 =	sadd.s32 @!p0 $0x100000, s0  }
0x331: {  	[sflag:s0] =	ssyncadd.tile.s32 @!p0 $0x1;
	_ =	shalt  }
.Lfunc_end2:
_tile_overlayer_lowered:
.L_overlay_start_2:
0x332: {  	(tag) =	ssettag $0x2  }
0x333: {  	s0 =	rddreg [dreg:$0x0];
	s2 =	stileid.u32  }
0x334: {  	s1 =	rddreg [dreg:$0x1];
	p0 =	sne.s32 s2, $0x0  }
0x335: {  	s3 =	rddreg [dreg:$0x2];
	[bflag:$0x3] =	sbarrier.arrive $0xFFFF;
	s2 =	simm.s32 @!p0 $0x1C03  }
0x336: {  	[timem:s3], [sflag:s2] =	dma.local @!p0 [hbm:s0], s1  }
0x337: {  	s0 =	simm.s32 @!p0 $0x3  }
0x338: {  	_ =	swait.ge @!p0 [sflag:s0], s1  }
0x339: {  	s1 =	ssub.s32 @!p0 $0x0, s1;
	[sflag:s0] =	ssyncset.done @!p0 $0x0  }
0x33a: {  	[sflag:s0] =	ssyncadd.s32 @!p0 s1  }
0x33b: {  	[bflag:$0x3] =	sbarrier.arrive $0xFFFF  }
0x33c: {  	_ =	shalt  }

</sc_bundles>
